<compile_context>
chip_gen: v7x
topology: tpu7x:2x2x1
jax: 0.10.2.dev20260603
libtpu: 0.0.44.dev20260713+nightly
codegen_flags: <defaults>
</compile_context>

<pallas_src>
import functools

import jax
import jax.numpy as jnp
from jax import lax
from jax.experimental import pallas as pl
from jax.experimental.pallas import tpu as pltpu
from jax.experimental.pallas import tpu_sc as plsc

N = 100000
V = 95
D = 512
VP = 128
NSC = 40000
BT = 1000
NBT = (N - NSC) // BT
NC = 2
NS = 16
NW = NC * NS
L = 16
C = 64
NCHUNKS = -(-NSC // C)
CPW = NCHUNKS // NW
EXTRA = NCHUNKS - CPW * NW
MAXLOC = CPW + 1
IDXBUF = MAXLOC * C


def _sc_part(x, table_flat):
    mesh = plsc.VectorSubcoreMesh(core_axis_name="c", subcore_axis_name="s")

    @functools.partial(
        pl.kernel,
        mesh=mesh,
        compiler_params=pltpu.CompilerParams(needs_layout_passes=False),
        out_type=jax.ShapeDtypeStruct((N, D), jnp.float32),
        scratch_types=[
            pltpu.VMEM((V * D,), jnp.float32),
            pltpu.VMEM((IDXBUF,), jnp.int32),
            pltpu.VMEM((C, D), jnp.float32),
            pltpu.VMEM((C, D), jnp.float32),
            pltpu.SemaphoreType.DMA,
            pltpu.SemaphoreType.DMA,
        ],
    )
    def k(x_hbm, table_hbm, out_hbm, tab_v, idx_v, rows0, rows1, s0, s1):
        cid = lax.axis_index("c")
        sid = lax.axis_index("s")
        wid = sid * NC + cid
        nloc = CPW + jnp.where(wid < EXTRA, 1, 0)
        start = wid * CPW + jnp.minimum(wid, EXTRA)
        load_base = jnp.minimum(start * C, NSC - IDXBUF)

        rows = (rows0, rows1)
        ssem = (s0, s1)

        pltpu.sync_copy(table_hbm, tab_v)
        pltpu.sync_copy(x_hbm.at[pl.ds(load_base, IDXBUF)], idx_v)

        lanes = lax.iota(jnp.int32, L)
        zeros = jnp.zeros((L,), jnp.int32)

        def off_of(i):
            return jnp.minimum((start + i) * C, NSC - C)

        def fill(i, b):
            bo = off_of(i) - load_base

            @plsc.parallel_loop(0, C, step=1, unroll=2)
            def _(r):
                rsplat = plsc.load_gather(idx_v, [zeros + (bo + r)])
                base = rsplat * D + lanes
                for t in range(D // L):
                    v = plsc.load_gather(tab_v, [base + t * L])
                    rows[b][r, pl.ds(t * L, L)] = v

        def scatter(i, b):
            return pltpu.make_async_copy(
                rows[b], out_hbm.at[pl.ds(off_of(i), C)], ssem[b])

        def body(j, _):
            for b in range(2):
                i = 2 * j + b

                @pl.when(i < nloc)
                def _():
                    @pl.when(i >= 2)
                    def _():
                        scatter(i, b).wait()
                    fill(i, b)
                    scatter(i, b).start()
            return 0

        lax.fori_loop(0, (MAXLOC + 1) // 2, body, 0)

        for b in range(2):
            @pl.when(nloc > b)
            def _():
                scatter(b, b).wait()

    return k(x, table_flat)


def _tc_part(buf, x3, tpad):

    def body(buf_any, x_ref, tab_ref, out_ref):
        ids = x_ref[0, 0, :]
        oh = (ids[:, None] == lax.broadcasted_iota(jnp.int32, (1, VP), 1))
        out_ref[...] = jnp.dot(oh.astype(jnp.float32), tab_ref[...],
                               preferred_element_type=jnp.float32)

    return pl.pallas_call(
        body,
        grid=(NBT,),
        in_specs=[
            pl.BlockSpec(memory_space=pl.ANY),
            pl.BlockSpec((1, 1, BT), lambda i: (NSC // BT + i, 0, 0)),
            pl.BlockSpec((VP, D), lambda i: (0, 0)),
        ],
        out_specs=pl.BlockSpec((BT, D), lambda i: (NSC // BT + i, 0)),
        out_shape=jax.ShapeDtypeStruct((N, D), jnp.float32),
        input_output_aliases={0: 0},
    )(buf, x3, tpad)


def kernel(x, table):
    xi = x.astype(jnp.int32)
    buf = _sc_part(xi, table.reshape(-1))
    x3 = xi.reshape(N // BT, 1, BT)
    tpad = jnp.zeros((VP, D), jnp.float32).at[:V].set(table)
    return _tc_part(buf, x3, tpad)

# --- scband reference (transcript-rebuilt; emitter-appended) ---
"""Pipeline reference for scband-atom-embedding-no-priori-77223511982166 (READ-ONLY COPY).

The authoritative reference and input builder live on the scoring server;
editing this copy changes nothing except your own understanding.
"""

import jax, jax.numpy as jnp
import numpy as np

HIDDEN = 512
VOCAB = 95
N = 100000

def setup_inputs(seed: int = 0) -> dict:
    key = jax.random.key(seed)
    k1, k2 = jax.random.split(key)
    x = jax.random.randint(k1, (N,), 0, VOCAB, dtype=jnp.int64 if jax.config.jax_enable_x64 else jnp.int32)
    # nn.Embedding default init: N(0, 1)
    table = jax.random.normal(k2, (VOCAB, HIDDEN), dtype=jnp.float32)
    return {"x": x, "table": table}

def reference(x, table):
    # Faithful translation of nn.Embedding(95, hidden_channels)(x)
    return jnp.take(table, x, axis=0)

if __name__ == "__main__":
    import jax
    _d = setup_inputs()
    print(jax.jit(kernel)(*tuple(_d.values())))

</pallas_src>

<mosaic_0001>
#map = affine_map<(d0, d1) -> (0)>
#map1 = affine_map<(d0, d1) -> (0, 0)>
module attributes {stable_mosaic.version = 14 : i64} {
  func.func @k(%arg0: i32, %arg1: i32, %arg2: memref<100000xi32, #tpu.memory_space<hbm>>, %arg3: memref<48640xf32, #tpu.memory_space<hbm>>, %arg4: memref<100000x512xf32, #tpu.memory_space<hbm>>, %arg5: memref<48640xf32, #tpu.memory_space<vmem>>, %arg6: memref<1280xi32, #tpu.memory_space<vmem>>, %arg7: memref<64x512xf32, #tpu.memory_space<vmem>>, %arg8: memref<64x512xf32, #tpu.memory_space<vmem>>, %arg9: memref<!tpu.dma_semaphore, #tpu.memory_space<semaphore_mem>>, %arg10: memref<!tpu.dma_semaphore, #tpu.memory_space<semaphore_mem>>) attributes {dimension_semantics = [#tpu.dimension_semantics<core_parallel>, #tpu.dimension_semantics<subcore_parallel>], iteration_bounds = array<i64: 2, 16>, scalar_prefetch = 0 : i64, scratch_operands = 6 : i64, tpu.core_type = #tpu.core_type<sc_vector_subcore>, window_params = [{transform_indices = #map}, {transform_indices = #map}, {transform_indices = #map1}]} {
    %mul3A = arith.constant 2 : i32
    %mul3A_0 = arith.muli %arg1, %mul3A : i32
    %add3A = arith.addi %mul3A_0, %arg0 : i32
    %lt3A = arith.constant 17 : i32
    %lt3A_1 = arith.cmpi slt, %add3A, %lt3A : i32
    %jit3A = arith.constant 1 : i32
    %jit3A_2 = arith.constant 0 : i32
    %select_n3A = arith.select %lt3A_1, %jit3A, %jit3A_2 : i32
    %add3A_3 = arith.constant 19 : i32
    %add3A_4 = arith.addi %add3A_3, %select_n3A : i32
    %mul3A_5 = arith.constant 19 : i32
    %mul3A_6 = arith.muli %add3A, %mul3A_5 : i32
    %min3A = arith.constant 17 : i32
    %min3A_7 = arith.minsi %add3A, %min3A : i32
    %add3A_8 = arith.addi %mul3A_6, %min3A_7 : i32
    %mul3A_9 = arith.constant 64 : i32
    %mul3A_10 = arith.muli %add3A_8, %mul3A_9 : i32
    %min3A_11 = arith.constant 38720 : i32
    %min3A_12 = arith.minsi %mul3A_10, %min3A_11 : i32
    "tpu.region"() ({
      %run_scoped3A = tpu.sem_alloc : memref<!tpu.dma_semaphore, #tpu.memory_space<semaphore_mem>>
      tpu.enqueue_dma source(%arg3 : memref<48640xf32, #tpu.memory_space<hbm>>) target(%arg5 : memref<48640xf32, #tpu.memory_space<vmem>>) target_semaphore(%run_scoped3A : memref<!tpu.dma_semaphore, #tpu.memory_space<semaphore_mem>>)
      tpu.wait_dma2 semaphore(%run_scoped3A : memref<!tpu.dma_semaphore, #tpu.memory_space<semaphore_mem>>) src(%arg3 : memref<48640xf32, #tpu.memory_space<hbm>>) dst(%arg5 : memref<48640xf32, #tpu.memory_space<vmem>>)
      tpu.yield
    }) : () -> ()
    "tpu.region"() ({
      %run_scoped3A = tpu.sem_alloc : memref<!tpu.dma_semaphore, #tpu.memory_space<semaphore_mem>>
      %dma_start3A = tpu.memref_slice %arg2[%min3A_12] : memref<100000xi32, #tpu.memory_space<hbm>> -> memref<1280xi32, #tpu.memory_space<hbm>>
      %dma_start3A_27 = tpu.memref_slice %arg2[%min3A_12] : memref<100000xi32, #tpu.memory_space<hbm>> -> memref<1280xi32, #tpu.memory_space<hbm>>
      tpu.enqueue_dma source(%dma_start3A_27 : memref<1280xi32, #tpu.memory_space<hbm>>) target(%arg6 : memref<1280xi32, #tpu.memory_space<vmem>>) target_semaphore(%run_scoped3A : memref<!tpu.dma_semaphore, #tpu.memory_space<semaphore_mem>>)
      %dma_wait3A = tpu.memref_slice %arg2[%min3A_12] : memref<100000xi32, #tpu.memory_space<hbm>> -> memref<1280xi32, #tpu.memory_space<hbm>>
      %dma_wait3A_28 = tpu.memref_slice %arg2[%min3A_12] : memref<100000xi32, #tpu.memory_space<hbm>> -> memref<1280xi32, #tpu.memory_space<hbm>>
      tpu.wait_dma2 semaphore(%run_scoped3A : memref<!tpu.dma_semaphore, #tpu.memory_space<semaphore_mem>>) src(%dma_wait3A_28 : memref<1280xi32, #tpu.memory_space<hbm>>) dst(%arg6 : memref<1280xi32, #tpu.memory_space<vmem>>)
      tpu.yield
    }) : () -> ()
    %iota3A = tpu.iota {dimensions = array<i32: 0>} : vector<16xi32>
    %broadcast_in_dim3A = arith.constant 0 : i32
    %broadcast_in_dim3A_13 = vector.broadcast %broadcast_in_dim3A : i32 to vector<16xi32>
    %scan3A = arith.constant 0 : i32
    %scan3A_14 = arith.constant 0 : i32
    %scan3A_15 = arith.constant 10 : i32
    %scan3A_16 = arith.addi %scan3A_14, %scan3A_15 : i32
    %scan3A_17 = arith.constant 1 : i32
    %scan3A_18 = scf.for %scan3A_27 = %scan3A_14 to %scan3A_16 step %scan3A_17 iter_args(%scan3A_28 = %scan3A) -> (i32)  : i32 {
      %mul3A_29 = arith.constant 2 : i32
      %mul3A_30 = arith.muli %mul3A_29, %scan3A_27 : i32
      %add3A_31 = arith.constant 0 : i32
      %add3A_32 = arith.addi %mul3A_30, %add3A_31 : i32
      %lt3A_33 = arith.cmpi slt, %add3A_32, %add3A_4 : i32
      %convert_element_type3A_34 = arith.extui %lt3A_33 : i1 to i32
      %cond3A_35 = arith.constant 0 : i32
      %cond3A_36 = arith.cmpi ne, %convert_element_type3A_34, %cond3A_35 : i32
      scf.if %cond3A_36 {
        %ge3A = arith.constant 2 : i32
        %ge3A_46 = arith.cmpi sge, %add3A_32, %ge3A : i32
        %convert_element_type3A_47 = arith.extui %ge3A_46 : i1 to i32
        %cond3A_48 = arith.constant 0 : i32
        %cond3A_49 = arith.cmpi ne, %convert_element_type3A_47, %cond3A_48 : i32
        scf.if %cond3A_49 {
          %add3A_65 = arith.addi %add3A_8, %add3A_32 : i32
          %mul3A_66 = arith.constant 64 : i32
          %mul3A_67 = arith.muli %add3A_65, %mul3A_66 : i32
          %min3A_68 = arith.constant 39936 : i32
          %min3A_69 = arith.minsi %mul3A_67, %min3A_68 : i32
          %dma_wait3A = arith.constant 0 : i32
          %dma_wait3A_70 = tpu.memref_slice %arg4[%min3A_69, %dma_wait3A] : memref<100000x512xf32, #tpu.memory_space<hbm>> -> memref<64x512xf32, #tpu.memory_space<hbm>>
          %dma_wait3A_71 = arith.constant 0 : i32
          %dma_wait3A_72 = tpu.memref_slice %arg4[%min3A_69, %dma_wait3A_71] : memref<100000x512xf32, #tpu.memory_space<hbm>> -> memref<64x512xf32, #tpu.memory_space<hbm>>
          tpu.wait_dma2 semaphore(%arg9 : memref<!tpu.dma_semaphore, #tpu.memory_space<semaphore_mem>>) src(%arg7 : memref<64x512xf32, #tpu.memory_space<vmem>>) dst(%dma_wait3A_72 : memref<64x512xf32, #tpu.memory_space<hbm>>)
        } else {
        }
        %add3A_50 = arith.addi %add3A_8, %add3A_32 : i32
        %mul3A_51 = arith.constant 64 : i32
        %mul3A_52 = arith.muli %add3A_50, %mul3A_51 : i32
        %min3A_53 = arith.constant 39936 : i32
        %min3A_54 = arith.minsi %mul3A_52, %min3A_53 : i32
        %sub3A = arith.subi %min3A_54, %min3A_12 : i32
        %parallel_loop3A = arith.constant 0 : i32
        %parallel_loop3A_55 = arith.constant 64 : i32
        %parallel_loop3A_56 = arith.constant 1 : i32
        scf.for %parallel_loop3A_65 = %parallel_loop3A to %parallel_loop3A_55 step %parallel_loop3A_56  : i32 {
          %parallel_loop3A_66 = arith.addi %sub3A, %parallel_loop3A_65 : i32
          %parallel_loop3A_67 = vector.broadcast %parallel_loop3A_66 : i32 to vector<16xi32>
          %parallel_loop3A_68 = arith.addi %broadcast_in_dim3A_13, %parallel_loop3A_67 : vector<16xi32>
          %parallel_loop3A_69 = tpu.vector_load_idx %arg6[%parallel_loop3A_68] : memref<1280xi32, #tpu.memory_space<vmem>>[vector<16xi32>], vector<16xi32>,
          %parallel_loop3A_70 = arith.constant 512 : i32
          %parallel_loop3A_71 = vector.broadcast %parallel_loop3A_70 : i32 to vector<16xi32>
          %parallel_loop3A_72 = arith.muli %parallel_loop3A_69, %parallel_loop3A_71 : vector<16xi32>
          %parallel_loop3A_73 = arith.addi %parallel_loop3A_72, %iota3A : vector<16xi32>
          %parallel_loop3A_74 = arith.constant 0 : i32
          %parallel_loop3A_75 = vector.broadcast %parallel_loop3A_74 : i32 to vector<16xi32>
          %parallel_loop3A_76 = arith.addi %parallel_loop3A_73, %parallel_loop3A_75 : vector<16xi32>
          %parallel_loop3A_77 = tpu.vector_load_idx %arg5[%parallel_loop3A_76] : memref<48640xf32, #tpu.memory_space<vmem>>[vector<16xi32>], vector<16xf32>,
          %parallel_loop3A_78 = arith.index_cast %parallel_loop3A_65 : i32 to index
          %parallel_loop3A_79 = arith.constant 0 : index
          %parallel_loop3A_80 = tpu.vector_load %arg7[%parallel_loop3A_78, %parallel_loop3A_79] {strides = array<i32>} : memref<64x512xf32, #tpu.memory_space<vmem>>, vector<16xf32>,
          tpu.vector_store %arg7[%parallel_loop3A_78, %parallel_loop3A_79], %parallel_loop3A_77 {strides = array<i32>} : memref<64x512xf32, #tpu.memory_space<vmem>>, vector<16xf32>,
          %parallel_loop3A_81 = arith.constant 16 : i32
          %parallel_loop3A_82 = vector.broadcast %parallel_loop3A_81 : i32 to vector<16xi32>
          %parallel_loop3A_83 = arith.addi %parallel_loop3A_73, %parallel_loop3A_82 : vector<16xi32>
          %parallel_loop3A_84 = tpu.vector_load_idx %arg5[%parallel_loop3A_83] : memref<48640xf32, #tpu.memory_space<vmem>>[vector<16xi32>], vector<16xf32>,
          %parallel_loop3A_85 = arith.index_cast %parallel_loop3A_65 : i32 to index
          %parallel_loop3A_86 = arith.constant 16 : index
          %parallel_loop3A_87 = tpu.vector_load %arg7[%parallel_loop3A_85, %parallel_loop3A_86] {strides = array<i32>} : memref<64x512xf32, #tpu.memory_space<vmem>>, vector<16xf32>,
          tpu.vector_store %arg7[%parallel_loop3A_85, %parallel_loop3A_86], %parallel_loop3A_84 {strides = array<i32>} : memref<64x512xf32, #tpu.memory_space<vmem>>, vector<16xf32>,
          %parallel_loop3A_88 = arith.constant 32 : i32
          %parallel_loop3A_89 = vector.broadcast %parallel_loop3A_88 : i32 to vector<16xi32>
          %parallel_loop3A_90 = arith.addi %parallel_loop3A_73, %parallel_loop3A_89 : vector<16xi32>
          %parallel_loop3A_91 = tpu.vector_load_idx %arg5[%parallel_loop3A_90] : memref<48640xf32, #tpu.memory_space<vmem>>[vector<16xi32>], vector<16xf32>,
          %parallel_loop3A_92 = arith.index_cast %parallel_loop3A_65 : i32 to index
          %parallel_loop3A_93 = arith.constant 32 : index
          %parallel_loop3A_94 = tpu.vector_load %arg7[%parallel_loop3A_92, %parallel_loop3A_93] {strides = array<i32>} : memref<64x512xf32, #tpu.memory_space<vmem>>, vector<16xf32>,
          tpu.vector_store %arg7[%parallel_loop3A_92, %parallel_loop3A_93], %parallel_loop3A_91 {strides = array<i32>} : memref<64x512xf32, #tpu.memory_space<vmem>>, vector<16xf32>,
          %parallel_loop3A_95 = arith.constant 48 : i32
          %parallel_loop3A_96 = vector.broadcast %parallel_loop3A_95 : i32 to vector<16xi32>
          %parallel_loop3A_97 = arith.addi %parallel_loop3A_73, %parallel_loop3A_96 : vector<16xi32>
          %parallel_loop3A_98 = tpu.vector_load_idx %arg5[%parallel_loop3A_97] : memref<48640xf32, #tpu.memory_space<vmem>>[vector<16xi32>], vector<16xf32>,
          %parallel_loop3A_99 = arith.index_cast %parallel_loop3A_65 : i32 to index
          %parallel_loop3A_100 = arith.constant 48 : index
          %parallel_loop3A_101 = tpu.vector_load %arg7[%parallel_loop3A_99, %parallel_loop3A_100] {strides = array<i32>} : memref<64x512xf32, #tpu.memory_space<vmem>>, vector<16xf32>,
          tpu.vector_store %arg7[%parallel_loop3A_99, %parallel_loop3A_100], %parallel_loop3A_98 {strides = array<i32>} : memref<64x512xf32, #tpu.memory_space<vmem>>, vector<16xf32>,
          %parallel_loop3A_102 = arith.constant 64 : i32
          %parallel_loop3A_103 = vector.broadcast %parallel_loop3A_102 : i32 to vector<16xi32>
          %parallel_loop3A_104 = arith.addi %parallel_loop3A_73, %parallel_loop3A_103 : vector<16xi32>
          %parallel_loop3A_105 = tpu.vector_load_idx %arg5[%parallel_loop3A_104] : memref<48640xf32, #tpu.memory_space<vmem>>[vector<16xi32>], vector<16xf32>,
          %parallel_loop3A_106 = arith.index_cast %parallel_loop3A_65 : i32 to index
          %parallel_loop3A_107 = arith.constant 64 : index
          %parallel_loop3A_108 = tpu.vector_load %arg7[%parallel_loop3A_106, %parallel_loop3A_107] {strides = array<i32>} : memref<64x512xf32, #tpu.memory_space<vmem>>, vector<16xf32>,
          tpu.vector_store %arg7[%parallel_loop3A_106, %parallel_loop3A_107], %parallel_loop3A_105 {strides = array<i32>} : memref<64x512xf32, #tpu.memory_space<vmem>>, vector<16xf32>,
          %parallel_loop3A_109 = arith.constant 80 : i32
          %parallel_loop3A_110 = vector.broadcast %parallel_loop3A_109 : i32 to vector<16xi32>
          %parallel_loop3A_111 = arith.addi %parallel_loop3A_73, %parallel_loop3A_110 : vector<16xi32>
          %parallel_loop3A_112 = tpu.vector_load_idx %arg5[%parallel_loop3A_111] : memref<48640xf32, #tpu.memory_space<vmem>>[vector<16xi32>], vector<16xf32>,
          %parallel_loop3A_113 = arith.index_cast %parallel_loop3A_65 : i32 to index
          %parallel_loop3A_114 = arith.constant 80 : index
          %parallel_loop3A_115 = tpu.vector_load %arg7[%parallel_loop3A_113, %parallel_loop3A_114] {strides = array<i32>} : memref<64x512xf32, #tpu.memory_space<vmem>>, vector<16xf32>,
          tpu.vector_store %arg7[%parallel_loop3A_113, %parallel_loop3A_114], %parallel_loop3A_112 {strides = array<i32>} : memref<64x512xf32, #tpu.memory_space<vmem>>, vector<16xf32>,
          %parallel_loop3A_116 = arith.constant 96 : i32
          %parallel_loop3A_117 = vector.broadcast %parallel_loop3A_116 : i32 to vector<16xi32>
          %parallel_loop3A_118 = arith.addi %parallel_loop3A_73, %parallel_loop3A_117 : vector<16xi32>
          %parallel_loop3A_119 = tpu.vector_load_idx %arg5[%parallel_loop3A_118] : memref<48640xf32, #tpu.memory_space<vmem>>[vector<16xi32>], vector<16xf32>,
          %parallel_loop3A_120 = arith.index_cast %parallel_loop3A_65 : i32 to index
          %parallel_loop3A_121 = arith.constant 96 : index
          %parallel_loop3A_122 = tpu.vector_load %arg7[%parallel_loop3A_120, %parallel_loop3A_121] {strides = array<i32>} : memref<64x512xf32, #tpu.memory_space<vmem>>, vector<16xf32>,
          tpu.vector_store %arg7[%parallel_loop3A_120, %parallel_loop3A_121], %parallel_loop3A_119 {strides = array<i32>} : memref<64x512xf32, #tpu.memory_space<vmem>>, vector<16xf32>,
          %parallel_loop3A_123 = arith.constant 112 : i32
          %parallel_loop3A_124 = vector.broadcast %parallel_loop3A_123 : i32 to vector<16xi32>
          %parallel_loop3A_125 = arith.addi %parallel_loop3A_73, %parallel_loop3A_124 : vector<16xi32>
          %parallel_loop3A_126 = tpu.vector_load_idx %arg5[%parallel_loop3A_125] : memref<48640xf32, #tpu.memory_space<vmem>>[vector<16xi32>], vector<16xf32>,
          %parallel_loop3A_127 = arith.index_cast %parallel_loop3A_65 : i32 to index
          %parallel_loop3A_128 = arith.constant 112 : index
          %parallel_loop3A_129 = tpu.vector_load %arg7[%parallel_loop3A_127, %parallel_loop3A_128] {strides = array<i32>} : memref<64x512xf32, #tpu.memory_space<vmem>>, vector<16xf32>,
          tpu.vector_store %arg7[%parallel_loop3A_127, %parallel_loop3A_128], %parallel_loop3A_126 {strides = array<i32>} : memref<64x512xf32, #tpu.memory_space<vmem>>, vector<16xf32>,
          %parallel_loop3A_130 = arith.constant 128 : i32
          %parallel_loop3A_131 = vector.broadcast %parallel_loop3A_130 : i32 to vector<16xi32>
          %parallel_loop3A_132 = arith.addi %parallel_loop3A_73, %parallel_loop3A_131 : vector<16xi32>
          %parallel_loop3A_133 = tpu.vector_load_idx %arg5[%parallel_loop3A_132] : memref<48640xf32, #tpu.memory_space<vmem>>[vector<16xi32>], vector<16xf32>,
          %parallel_loop3A_134 = arith.index_cast %parallel_loop3A_65 : i32 to index
          %parallel_loop3A_135 = arith.constant 128 : index
          %parallel_loop3A_136 = tpu.vector_load %arg7[%parallel_loop3A_134, %parallel_loop3A_135] {strides = array<i32>} : memref<64x512xf32, #tpu.memory_space<vmem>>, vector<16xf32>,
          tpu.vector_store %arg7[%parallel_loop3A_134, %parallel_loop3A_135], %parallel_loop3A_133 {strides = array<i32>} : memref<64x512xf32, #tpu.memory_space<vmem>>, vector<16xf32>,
          %parallel_loop3A_137 = arith.constant 144 : i32
          %parallel_loop3A_138 = vector.broadcast %parallel_loop3A_137 : i32 to vector<16xi32>
          %parallel_loop3A_139 = arith.addi %parallel_loop3A_73, %parallel_loop3A_138 : vector<16xi32>
          %parallel_loop3A_140 = tpu.vector_load_idx %arg5[%parallel_loop3A_139] : memref<48640xf32, #tpu.memory_space<vmem>>[vector<16xi32>], vector<16xf32>,
          %parallel_loop3A_141 = arith.index_cast %parallel_loop3A_65 : i32 to index
          %parallel_loop3A_142 = arith.constant 144 : index
          %parallel_loop3A_143 = tpu.vector_load %arg7[%parallel_loop3A_141, %parallel_loop3A_142] {strides = array<i32>} : memref<64x512xf32, #tpu.memory_space<vmem>>, vector<16xf32>,
          tpu.vector_store %arg7[%parallel_loop3A_141, %parallel_loop3A_142], %parallel_loop3A_140 {strides = array<i32>} : memref<64x512xf32, #tpu.memory_space<vmem>>, vector<16xf32>,
          %parallel_loop3A_144 = arith.constant 160 : i32
          %parallel_loop3A_145 = vector.broadcast %parallel_loop3A_144 : i32 to vector<16xi32>
          %parallel_loop3A_146 = arith.addi %parallel_loop3A_73, %parallel_loop3A_145 : vector<16xi32>
          %parallel_loop3A_147 = tpu.vector_load_idx %arg5[%parallel_loop3A_146] : memref<48640xf32, #tpu.memory_space<vmem>>[vector<16xi32>], vector<16xf32>,
          %parallel_loop3A_148 = arith.index_cast %parallel_loop3A_65 : i32 to index
          %parallel_loop3A_149 = arith.constant 160 : index
          %parallel_loop3A_150 = tpu.vector_load %arg7[%parallel_loop3A_148, %parallel_loop3A_149] {strides = array<i32>} : memref<64x512xf32, #tpu.memory_space<vmem>>, vector<16xf32>,
          tpu.vector_store %arg7[%parallel_loop3A_148, %parallel_loop3A_149], %parallel_loop3A_147 {strides = array<i32>} : memref<64x512xf32, #tpu.memory_space<vmem>>, vector<16xf32>,
          %parallel_loop3A_151 = arith.constant 176 : i32
          %parallel_loop3A_152 = vector.broadcast %parallel_loop3A_151 : i32 to vector<16xi32>
          %parallel_loop3A_153 = arith.addi %parallel_loop3A_73, %parallel_loop3A_152 : vector<16xi32>
          %parallel_loop3A_154 = tpu.vector_load_idx %arg5[%parallel_loop3A_153] : memref<48640xf32, #tpu.memory_space<vmem>>[vector<16xi32>], vector<16xf32>,
          %parallel_loop3A_155 = arith.index_cast %parallel_loop3A_65 : i32 to index
          %parallel_loop3A_156 = arith.constant 176 : index
          %parallel_loop3A_157 = tpu.vector_load %arg7[%parallel_loop3A_155, %parallel_loop3A_156] {strides = array<i32>} : memref<64x512xf32, #tpu.memory_space<vmem>>, vector<16xf32>,
          tpu.vector_store %arg7[%parallel_loop3A_155, %parallel_loop3A_156], %parallel_loop3A_154 {strides = array<i32>} : memref<64x512xf32, #tpu.memory_space<vmem>>, vector<16xf32>,
          %parallel_loop3A_158 = arith.constant 192 : i32
          %parallel_loop3A_159 = vector.broadcast %parallel_loop3A_158 : i32 to vector<16xi32>
          %parallel_loop3A_160 = arith.addi %parallel_loop3A_73, %parallel_loop3A_159 : vector<16xi32>
          %parallel_loop3A_161 = tpu.vector_load_idx %arg5[%parallel_loop3A_160] : memref<48640xf32, #tpu.memory_space<vmem>>[vector<16xi32>], vector<16xf32>,
          %parallel_loop3A_162 = arith.index_cast %parallel_loop3A_65 : i32 to index
          %parallel_loop3A_163 = arith.constant 192 : index
          %parallel_loop3A_164 = tpu.vector_load %arg7[%parallel_loop3A_162, %parallel_loop3A_163] {strides = array<i32>} : memref<64x512xf32, #tpu.memory_space<vmem>>, vector<16xf32>,
          tpu.vector_store %arg7[%parallel_loop3A_162, %parallel_loop3A_163], %parallel_loop3A_161 {strides = array<i32>} : memref<64x512xf32, #tpu.memory_space<vmem>>, vector<16xf32>,
          %parallel_loop3A_165 = arith.constant 208 : i32
          %parallel_loop3A_166 = vector.broadcast %parallel_loop3A_165 : i32 to vector<16xi32>
          %parallel_loop3A_167 = arith.addi %parallel_loop3A_73, %parallel_loop3A_166 : vector<16xi32>
          %parallel_loop3A_168 = tpu.vector_load_idx %arg5[%parallel_loop3A_167] : memref<48640xf32, #tpu.memory_space<vmem>>[vector<16xi32>], vector<16xf32>,
          %parallel_loop3A_169 = arith.index_cast %parallel_loop3A_65 : i32 to index
          %parallel_loop3A_170 = arith.constant 208 : index
          %parallel_loop3A_171 = tpu.vector_load %arg7[%parallel_loop3A_169, %parallel_loop3A_170] {strides = array<i32>} : memref<64x512xf32, #tpu.memory_space<vmem>>, vector<16xf32>,
          tpu.vector_store %arg7[%parallel_loop3A_169, %parallel_loop3A_170], %parallel_loop3A_168 {strides = array<i32>} : memref<64x512xf32, #tpu.memory_space<vmem>>, vector<16xf32>,
          %parallel_loop3A_172 = arith.constant 224 : i32
          %parallel_loop3A_173 = vector.broadcast %parallel_loop3A_172 : i32 to vector<16xi32>
          %parallel_loop3A_174 = arith.addi %parallel_loop3A_73, %parallel_loop3A_173 : vector<16xi32>
          %parallel_loop3A_175 = tpu.vector_load_idx %arg5[%parallel_loop3A_174] : memref<48640xf32, #tpu.memory_space<vmem>>[vector<16xi32>], vector<16xf32>,
          %parallel_loop3A_176 = arith.index_cast %parallel_loop3A_65 : i32 to index
          %parallel_loop3A_177 = arith.constant 224 : index
          %parallel_loop3A_178 = tpu.vector_load %arg7[%parallel_loop3A_176, %parallel_loop3A_177] {strides = array<i32>} : memref<64x512xf32, #tpu.memory_space<vmem>>, vector<16xf32>,
          tpu.vector_store %arg7[%parallel_loop3A_176, %parallel_loop3A_177], %parallel_loop3A_175 {strides = array<i32>} : memref<64x512xf32, #tpu.memory_space<vmem>>, vector<16xf32>,
          %parallel_loop3A_179 = arith.constant 240 : i32
          %parallel_loop3A_180 = vector.broadcast %parallel_loop3A_179 : i32 to vector<16xi32>
          %parallel_loop3A_181 = arith.addi %parallel_loop3A_73, %parallel_loop3A_180 : vector<16xi32>
          %parallel_loop3A_182 = tpu.vector_load_idx %arg5[%parallel_loop3A_181] : memref<48640xf32, #tpu.memory_space<vmem>>[vector<16xi32>], vector<16xf32>,
          %parallel_loop3A_183 = arith.index_cast %parallel_loop3A_65 : i32 to index
          %parallel_loop3A_184 = arith.constant 240 : index
          %parallel_loop3A_185 = tpu.vector_load %arg7[%parallel_loop3A_183, %parallel_loop3A_184] {strides = array<i32>} : memref<64x512xf32, #tpu.memory_space<vmem>>, vector<16xf32>,
          tpu.vector_store %arg7[%parallel_loop3A_183, %parallel_loop3A_184], %parallel_loop3A_182 {strides = array<i32>} : memref<64x512xf32, #tpu.memory_space<vmem>>, vector<16xf32>,
          %parallel_loop3A_186 = arith.constant 256 : i32
          %parallel_loop3A_187 = vector.broadcast %parallel_loop3A_186 : i32 to vector<16xi32>
          %parallel_loop3A_188 = arith.addi %parallel_loop3A_73, %parallel_loop3A_187 : vector<16xi32>
          %parallel_loop3A_189 = tpu.vector_load_idx %arg5[%parallel_loop3A_188] : memref<48640xf32, #tpu.memory_space<vmem>>[vector<16xi32>], vector<16xf32>,
          %parallel_loop3A_190 = arith.index_cast %parallel_loop3A_65 : i32 to index
          %parallel_loop3A_191 = arith.constant 256 : index
          %parallel_loop3A_192 = tpu.vector_load %arg7[%parallel_loop3A_190, %parallel_loop3A_191] {strides = array<i32>} : memref<64x512xf32, #tpu.memory_space<vmem>>, vector<16xf32>,
          tpu.vector_store %arg7[%parallel_loop3A_190, %parallel_loop3A_191], %parallel_loop3A_189 {strides = array<i32>} : memref<64x512xf32, #tpu.memory_space<vmem>>, vector<16xf32>,
          %parallel_loop3A_193 = arith.constant 272 : i32
          %parallel_loop3A_194 = vector.broadcast %parallel_loop3A_193 : i32 to vector<16xi32>
          %parallel_loop3A_195 = arith.addi %parallel_loop3A_73, %parallel_loop3A_194 : vector<16xi32>
          %parallel_loop3A_196 = tpu.vector_load_idx %arg5[%parallel_loop3A_195] : memref<48640xf32, #tpu.memory_space<vmem>>[vector<16xi32>], vector<16xf32>,
          %parallel_loop3A_197 = arith.index_cast %parallel_loop3A_65 : i32 to index
          %parallel_loop3A_198 = arith.constant 272 : index
          %parallel_loop3A_199 = tpu.vector_load %arg7[%parallel_loop3A_197, %parallel_loop3A_198] {strides = array<i32>} : memref<64x512xf32, #tpu.memory_space<vmem>>, vector<16xf32>,
          tpu.vector_store %arg7[%parallel_loop3A_197, %parallel_loop3A_198], %parallel_loop3A_196 {strides = array<i32>} : memref<64x512xf32, #tpu.memory_space<vmem>>, vector<16xf32>,
          %parallel_loop3A_200 = arith.constant 288 : i32
          %parallel_loop3A_201 = vector.broadcast %parallel_loop3A_200 : i32 to vector<16xi32>
          %parallel_loop3A_202 = arith.addi %parallel_loop3A_73, %parallel_loop3A_201 : vector<16xi32>
          %parallel_loop3A_203 = tpu.vector_load_idx %arg5[%parallel_loop3A_202] : memref<48640xf32, #tpu.memory_space<vmem>>[vector<16xi32>], vector<16xf32>,
          %parallel_loop3A_204 = arith.index_cast %parallel_loop3A_65 : i32 to index
          %parallel_loop3A_205 = arith.constant 288 : index
          %parallel_loop3A_206 = tpu.vector_load %arg7[%parallel_loop3A_204, %parallel_loop3A_205] {strides = array<i32>} : memref<64x512xf32, #tpu.memory_space<vmem>>, vector<16xf32>,
          tpu.vector_store %arg7[%parallel_loop3A_204, %parallel_loop3A_205], %parallel_loop3A_203 {strides = array<i32>} : memref<64x512xf32, #tpu.memory_space<vmem>>, vector<16xf32>,
          %parallel_loop3A_207 = arith.constant 304 : i32
          %parallel_loop3A_208 = vector.broadcast %parallel_loop3A_207 : i32 to vector<16xi32>
          %parallel_loop3A_209 = arith.addi %parallel_loop3A_73, %parallel_loop3A_208 : vector<16xi32>
          %parallel_loop3A_210 = tpu.vector_load_idx %arg5[%parallel_loop3A_209] : memref<48640xf32, #tpu.memory_space<vmem>>[vector<16xi32>], vector<16xf32>,
          %parallel_loop3A_211 = arith.index_cast %parallel_loop3A_65 : i32 to index
          %parallel_loop3A_212 = arith.constant 304 : index
          %parallel_loop3A_213 = tpu.vector_load %arg7[%parallel_loop3A_211, %parallel_loop3A_212] {strides = array<i32>} : memref<64x512xf32, #tpu.memory_space<vmem>>, vector<16xf32>,
          tpu.vector_store %arg7[%parallel_loop3A_211, %parallel_loop3A_212], %parallel_loop3A_210 {strides = array<i32>} : memref<64x512xf32, #tpu.memory_space<vmem>>, vector<16xf32>,
          %parallel_loop3A_214 = arith.constant 320 : i32
          %parallel_loop3A_215 = vector.broadcast %parallel_loop3A_214 : i32 to vector<16xi32>
          %parallel_loop3A_216 = arith.addi %parallel_loop3A_73, %parallel_loop3A_215 : vector<16xi32>
          %parallel_loop3A_217 = tpu.vector_load_idx %arg5[%parallel_loop3A_216] : memref<48640xf32, #tpu.memory_space<vmem>>[vector<16xi32>], vector<16xf32>,
          %parallel_loop3A_218 = arith.index_cast %parallel_loop3A_65 : i32 to index
          %parallel_loop3A_219 = arith.constant 320 : index
          %parallel_loop3A_220 = tpu.vector_load %arg7[%parallel_loop3A_218, %parallel_loop3A_219] {strides = array<i32>} : memref<64x512xf32, #tpu.memory_space<vmem>>, vector<16xf32>,
          tpu.vector_store %arg7[%parallel_loop3A_218, %parallel_loop3A_219], %parallel_loop3A_217 {strides = array<i32>} : memref<64x512xf32, #tpu.memory_space<vmem>>, vector<16xf32>,
          %parallel_loop3A_221 = arith.constant 336 : i32
          %parallel_loop3A_222 = vector.broadcast %parallel_loop3A_221 : i32 to vector<16xi32>
          %parallel_loop3A_223 = arith.addi %parallel_loop3A_73, %parallel_loop3A_222 : vector<16xi32>
          %parallel_loop3A_224 = tpu.vector_load_idx %arg5[%parallel_loop3A_223] : memref<48640xf32, #tpu.memory_space<vmem>>[vector<16xi32>], vector<16xf32>,
          %parallel_loop3A_225 = arith.index_cast %parallel_loop3A_65 : i32 to index
          %parallel_loop3A_226 = arith.constant 336 : index
          %parallel_loop3A_227 = tpu.vector_load %arg7[%parallel_loop3A_225, %parallel_loop3A_226] {strides = array<i32>} : memref<64x512xf32, #tpu.memory_space<vmem>>, vector<16xf32>,
          tpu.vector_store %arg7[%parallel_loop3A_225, %parallel_loop3A_226], %parallel_loop3A_224 {strides = array<i32>} : memref<64x512xf32, #tpu.memory_space<vmem>>, vector<16xf32>,
          %parallel_loop3A_228 = arith.constant 352 : i32
          %parallel_loop3A_229 = vector.broadcast %parallel_loop3A_228 : i32 to vector<16xi32>
          %parallel_loop3A_230 = arith.addi %parallel_loop3A_73, %parallel_loop3A_229 : vector<16xi32>
          %parallel_loop3A_231 = tpu.vector_load_idx %arg5[%parallel_loop3A_230] : memref<48640xf32, #tpu.memory_space<vmem>>[vector<16xi32>], vector<16xf32>,
          %parallel_loop3A_232 = arith.index_cast %parallel_loop3A_65 : i32 to index
          %parallel_loop3A_233 = arith.constant 352 : index
          %parallel_loop3A_234 = tpu.vector_load %arg7[%parallel_loop3A_232, %parallel_loop3A_233] {strides = array<i32>} : memref<64x512xf32, #tpu.memory_space<vmem>>, vector<16xf32>,
          tpu.vector_store %arg7[%parallel_loop3A_232, %parallel_loop3A_233], %parallel_loop3A_231 {strides = array<i32>} : memref<64x512xf32, #tpu.memory_space<vmem>>, vector<16xf32>,
          %parallel_loop3A_235 = arith.constant 368 : i32
          %parallel_loop3A_236 = vector.broadcast %parallel_loop3A_235 : i32 to vector<16xi32>
          %parallel_loop3A_237 = arith.addi %parallel_loop3A_73, %parallel_loop3A_236 : vector<16xi32>
          %parallel_loop3A_238 = tpu.vector_load_idx %arg5[%parallel_loop3A_237] : memref<48640xf32, #tpu.memory_space<vmem>>[vector<16xi32>], vector<16xf32>,
          %parallel_loop3A_239 = arith.index_cast %parallel_loop3A_65 : i32 to index
          %parallel_loop3A_240 = arith.constant 368 : index
          %parallel_loop3A_241 = tpu.vector_load %arg7[%parallel_loop3A_239, %parallel_loop3A_240] {strides = array<i32>} : memref<64x512xf32, #tpu.memory_space<vmem>>, vector<16xf32>,
          tpu.vector_store %arg7[%parallel_loop3A_239, %parallel_loop3A_240], %parallel_loop3A_238 {strides = array<i32>} : memref<64x512xf32, #tpu.memory_space<vmem>>, vector<16xf32>,
          %parallel_loop3A_242 = arith.constant 384 : i32
          %parallel_loop3A_243 = vector.broadcast %parallel_loop3A_242 : i32 to vector<16xi32>
          %parallel_loop3A_244 = arith.addi %parallel_loop3A_73, %parallel_loop3A_243 : vector<16xi32>
          %parallel_loop3A_245 = tpu.vector_load_idx %arg5[%parallel_loop3A_244] : memref<48640xf32, #tpu.memory_space<vmem>>[vector<16xi32>], vector<16xf32>,
          %parallel_loop3A_246 = arith.index_cast %parallel_loop3A_65 : i32 to index
          %parallel_loop3A_247 = arith.constant 384 : index
          %parallel_loop3A_248 = tpu.vector_load %arg7[%parallel_loop3A_246, %parallel_loop3A_247] {strides = array<i32>} : memref<64x512xf32, #tpu.memory_space<vmem>>, vector<16xf32>,
          tpu.vector_store %arg7[%parallel_loop3A_246, %parallel_loop3A_247], %parallel_loop3A_245 {strides = array<i32>} : memref<64x512xf32, #tpu.memory_space<vmem>>, vector<16xf32>,
          %parallel_loop3A_249 = arith.constant 400 : i32
          %parallel_loop3A_250 = vector.broadcast %parallel_loop3A_249 : i32 to vector<16xi32>
          %parallel_loop3A_251 = arith.addi %parallel_loop3A_73, %parallel_loop3A_250 : vector<16xi32>
          %parallel_loop3A_252 = tpu.vector_load_idx %arg5[%parallel_loop3A_251] : memref<48640xf32, #tpu.memory_space<vmem>>[vector<16xi32>], vector<16xf32>,
          %parallel_loop3A_253 = arith.index_cast %parallel_loop3A_65 : i32 to index
          %parallel_loop3A_254 = arith.constant 400 : index
          %parallel_loop3A_255 = tpu.vector_load %arg7[%parallel_loop3A_253, %parallel_loop3A_254] {strides = array<i32>} : memref<64x512xf32, #tpu.memory_space<vmem>>, vector<16xf32>,
          tpu.vector_store %arg7[%parallel_loop3A_253, %parallel_loop3A_254], %parallel_loop3A_252 {strides = array<i32>} : memref<64x512xf32, #tpu.memory_space<vmem>>, vector<16xf32>,
          %parallel_loop3A_256 = arith.constant 416 : i32
          %parallel_loop3A_257 = vector.broadcast %parallel_loop3A_256 : i32 to vector<16xi32>
          %parallel_loop3A_258 = arith.addi %parallel_loop3A_73, %parallel_loop3A_257 : vector<16xi32>
          %parallel_loop3A_259 = tpu.vector_load_idx %arg5[%parallel_loop3A_258] : memref<48640xf32, #tpu.memory_space<vmem>>[vector<16xi32>], vector<16xf32>,
          %parallel_loop3A_260 = arith.index_cast %parallel_loop3A_65 : i32 to index
          %parallel_loop3A_261 = arith.constant 416 : index
          %parallel_loop3A_262 = tpu.vector_load %arg7[%parallel_loop3A_260, %parallel_loop3A_261] {strides = array<i32>} : memref<64x512xf32, #tpu.memory_space<vmem>>, vector<16xf32>,
          tpu.vector_store %arg7[%parallel_loop3A_260, %parallel_loop3A_261], %parallel_loop3A_259 {strides = array<i32>} : memref<64x512xf32, #tpu.memory_space<vmem>>, vector<16xf32>,
          %parallel_loop3A_263 = arith.constant 432 : i32
          %parallel_loop3A_264 = vector.broadcast %parallel_loop3A_263 : i32 to vector<16xi32>
          %parallel_loop3A_265 = arith.addi %parallel_loop3A_73, %parallel_loop3A_264 : vector<16xi32>
          %parallel_loop3A_266 = tpu.vector_load_idx %arg5[%parallel_loop3A_265] : memref<48640xf32, #tpu.memory_space<vmem>>[vector<16xi32>], vector<16xf32>,
          %parallel_loop3A_267 = arith.index_cast %parallel_loop3A_65 : i32 to index
          %parallel_loop3A_268 = arith.constant 432 : index
          %parallel_loop3A_269 = tpu.vector_load %arg7[%parallel_loop3A_267, %parallel_loop3A_268] {strides = array<i32>} : memref<64x512xf32, #tpu.memory_space<vmem>>, vector<16xf32>,
          tpu.vector_store %arg7[%parallel_loop3A_267, %parallel_loop3A_268], %parallel_loop3A_266 {strides = array<i32>} : memref<64x512xf32, #tpu.memory_space<vmem>>, vector<16xf32>,
          %parallel_loop3A_270 = arith.constant 448 : i32
          %parallel_loop3A_271 = vector.broadcast %parallel_loop3A_270 : i32 to vector<16xi32>
          %parallel_loop3A_272 = arith.addi %parallel_loop3A_73, %parallel_loop3A_271 : vector<16xi32>
          %parallel_loop3A_273 = tpu.vector_load_idx %arg5[%parallel_loop3A_272] : memref<48640xf32, #tpu.memory_space<vmem>>[vector<16xi32>], vector<16xf32>,
          %parallel_loop3A_274 = arith.index_cast %parallel_loop3A_65 : i32 to index
          %parallel_loop3A_275 = arith.constant 448 : index
          %parallel_loop3A_276 = tpu.vector_load %arg7[%parallel_loop3A_274, %parallel_loop3A_275] {strides = array<i32>} : memref<64x512xf32, #tpu.memory_space<vmem>>, vector<16xf32>,
          tpu.vector_store %arg7[%parallel_loop3A_274, %parallel_loop3A_275], %parallel_loop3A_273 {strides = array<i32>} : memref<64x512xf32, #tpu.memory_space<vmem>>, vector<16xf32>,
          %parallel_loop3A_277 = arith.constant 464 : i32
          %parallel_loop3A_278 = vector.broadcast %parallel_loop3A_277 : i32 to vector<16xi32>
          %parallel_loop3A_279 = arith.addi %parallel_loop3A_73, %parallel_loop3A_278 : vector<16xi32>
          %parallel_loop3A_280 = tpu.vector_load_idx %arg5[%parallel_loop3A_279] : memref<48640xf32, #tpu.memory_space<vmem>>[vector<16xi32>], vector<16xf32>,
          %parallel_loop3A_281 = arith.index_cast %parallel_loop3A_65 : i32 to index
          %parallel_loop3A_282 = arith.constant 464 : index
          %parallel_loop3A_283 = tpu.vector_load %arg7[%parallel_loop3A_281, %parallel_loop3A_282] {strides = array<i32>} : memref<64x512xf32, #tpu.memory_space<vmem>>, vector<16xf32>,
          tpu.vector_store %arg7[%parallel_loop3A_281, %parallel_loop3A_282], %parallel_loop3A_280 {strides = array<i32>} : memref<64x512xf32, #tpu.memory_space<vmem>>, vector<16xf32>,
          %parallel_loop3A_284 = arith.constant 480 : i32
          %parallel_loop3A_285 = vector.broadcast %parallel_loop3A_284 : i32 to vector<16xi32>
          %parallel_loop3A_286 = arith.addi %parallel_loop3A_73, %parallel_loop3A_285 : vector<16xi32>
          %parallel_loop3A_287 = tpu.vector_load_idx %arg5[%parallel_loop3A_286] : memref<48640xf32, #tpu.memory_space<vmem>>[vector<16xi32>], vector<16xf32>,
          %parallel_loop3A_288 = arith.index_cast %parallel_loop3A_65 : i32 to index
          %parallel_loop3A_289 = arith.constant 480 : index
          %parallel_loop3A_290 = tpu.vector_load %arg7[%parallel_loop3A_288, %parallel_loop3A_289] {strides = array<i32>} : memref<64x512xf32, #tpu.memory_space<vmem>>, vector<16xf32>,
          tpu.vector_store %arg7[%parallel_loop3A_288, %parallel_loop3A_289], %parallel_loop3A_287 {strides = array<i32>} : memref<64x512xf32, #tpu.memory_space<vmem>>, vector<16xf32>,
          %parallel_loop3A_291 = arith.constant 496 : i32
          %parallel_loop3A_292 = vector.broadcast %parallel_loop3A_291 : i32 to vector<16xi32>
          %parallel_loop3A_293 = arith.addi %parallel_loop3A_73, %parallel_loop3A_292 : vector<16xi32>
          %parallel_loop3A_294 = tpu.vector_load_idx %arg5[%parallel_loop3A_293] : memref<48640xf32, #tpu.memory_space<vmem>>[vector<16xi32>], vector<16xf32>,
          %parallel_loop3A_295 = arith.index_cast %parallel_loop3A_65 : i32 to index
          %parallel_loop3A_296 = arith.constant 496 : index
          %parallel_loop3A_297 = tpu.vector_load %arg7[%parallel_loop3A_295, %parallel_loop3A_296] {strides = array<i32>} : memref<64x512xf32, #tpu.memory_space<vmem>>, vector<16xf32>,
          tpu.vector_store %arg7[%parallel_loop3A_295, %parallel_loop3A_296], %parallel_loop3A_294 {strides = array<i32>} : memref<64x512xf32, #tpu.memory_space<vmem>>, vector<16xf32>,
        } {sc.loop_unroll_factor = 2 : i64, sc.parallel_access}
        %add3A_57 = arith.addi %add3A_8, %add3A_32 : i32
        %mul3A_58 = arith.constant 64 : i32
        %mul3A_59 = arith.muli %add3A_57, %mul3A_58 : i32
        %min3A_60 = arith.constant 39936 : i32
        %min3A_61 = arith.minsi %mul3A_59, %min3A_60 : i32
        %dma_start3A = arith.constant 0 : i32
        %dma_start3A_62 = tpu.memref_slice %arg4[%min3A_61, %dma_start3A] : memref<100000x512xf32, #tpu.memory_space<hbm>> -> memref<64x512xf32, #tpu.memory_space<hbm>>
        %dma_start3A_63 = arith.constant 0 : i32
        %dma_start3A_64 = tpu.memref_slice %arg4[%min3A_61, %dma_start3A_63] : memref<100000x512xf32, #tpu.memory_space<hbm>> -> memref<64x512xf32, #tpu.memory_space<hbm>>
        tpu.enqueue_dma source(%arg7 : memref<64x512xf32, #tpu.memory_space<vmem>>) target(%dma_start3A_64 : memref<64x512xf32, #tpu.memory_space<hbm>>) target_semaphore(%arg9 : memref<!tpu.dma_semaphore, #tpu.memory_space<semaphore_mem>>)
      } else {
      }
      %mul3A_37 = arith.constant 2 : i32
      %mul3A_38 = arith.muli %mul3A_37, %scan3A_27 : i32
      %add3A_39 = arith.constant 1 : i32
      %add3A_40 = arith.addi %mul3A_38, %add3A_39 : i32
      %lt3A_41 = arith.cmpi slt, %add3A_40, %add3A_4 : i32
      %convert_element_type3A_42 = arith.extui %lt3A_41 : i1 to i32
      %cond3A_43 = arith.constant 0 : i32
      %cond3A_44 = arith.cmpi ne, %convert_element_type3A_42, %cond3A_43 : i32
      scf.if %cond3A_44 {
        %ge3A = arith.constant 2 : i32
        %ge3A_46 = arith.cmpi sge, %add3A_40, %ge3A : i32
        %convert_element_type3A_47 = arith.extui %ge3A_46 : i1 to i32
        %cond3A_48 = arith.constant 0 : i32
        %cond3A_49 = arith.cmpi ne, %convert_element_type3A_47, %cond3A_48 : i32
        scf.if %cond3A_49 {
          %add3A_65 = arith.addi %add3A_8, %add3A_40 : i32
          %mul3A_66 = arith.constant 64 : i32
          %mul3A_67 = arith.muli %add3A_65, %mul3A_66 : i32
          %min3A_68 = arith.constant 39936 : i32
          %min3A_69 = arith.minsi %mul3A_67, %min3A_68 : i32
          %dma_wait3A = arith.constant 0 : i32
          %dma_wait3A_70 = tpu.memref_slice %arg4[%min3A_69, %dma_wait3A] : memref<100000x512xf32, #tpu.memory_space<hbm>> -> memref<64x512xf32, #tpu.memory_space<hbm>>
          %dma_wait3A_71 = arith.constant 0 : i32
          %dma_wait3A_72 = tpu.memref_slice %arg4[%min3A_69, %dma_wait3A_71] : memref<100000x512xf32, #tpu.memory_space<hbm>> -> memref<64x512xf32, #tpu.memory_space<hbm>>
          tpu.wait_dma2 semaphore(%arg10 : memref<!tpu.dma_semaphore, #tpu.memory_space<semaphore_mem>>) src(%arg8 : memref<64x512xf32, #tpu.memory_space<vmem>>) dst(%dma_wait3A_72 : memref<64x512xf32, #tpu.memory_space<hbm>>)
        } else {
        }
        %add3A_50 = arith.addi %add3A_8, %add3A_40 : i32
        %mul3A_51 = arith.constant 64 : i32
        %mul3A_52 = arith.muli %add3A_50, %mul3A_51 : i32
        %min3A_53 = arith.constant 39936 : i32
        %min3A_54 = arith.minsi %mul3A_52, %min3A_53 : i32
        %sub3A = arith.subi %min3A_54, %min3A_12 : i32
        %parallel_loop3A = arith.constant 0 : i32
        %parallel_loop3A_55 = arith.constant 64 : i32
        %parallel_loop3A_56 = arith.constant 1 : i32
        scf.for %parallel_loop3A_65 = %parallel_loop3A to %parallel_loop3A_55 step %parallel_loop3A_56  : i32 {
          %parallel_loop3A_66 = arith.addi %sub3A, %parallel_loop3A_65 : i32
          %parallel_loop3A_67 = vector.broadcast %parallel_loop3A_66 : i32 to vector<16xi32>
          %parallel_loop3A_68 = arith.addi %broadcast_in_dim3A_13, %parallel_loop3A_67 : vector<16xi32>
          %parallel_loop3A_69 = tpu.vector_load_idx %arg6[%parallel_loop3A_68] : memref<1280xi32, #tpu.memory_space<vmem>>[vector<16xi32>], vector<16xi32>,
          %parallel_loop3A_70 = arith.constant 512 : i32
          %parallel_loop3A_71 = vector.broadcast %parallel_loop3A_70 : i32 to vector<16xi32>
          %parallel_loop3A_72 = arith.muli %parallel_loop3A_69, %parallel_loop3A_71 : vector<16xi32>
          %parallel_loop3A_73 = arith.addi %parallel_loop3A_72, %iota3A : vector<16xi32>
          %parallel_loop3A_74 = arith.constant 0 : i32
          %parallel_loop3A_75 = vector.broadcast %parallel_loop3A_74 : i32 to vector<16xi32>
          %parallel_loop3A_76 = arith.addi %parallel_loop3A_73, %parallel_loop3A_75 : vector<16xi32>
          %parallel_loop3A_77 = tpu.vector_load_idx %arg5[%parallel_loop3A_76] : memref<48640xf32, #tpu.memory_space<vmem>>[vector<16xi32>], vector<16xf32>,
          %parallel_loop3A_78 = arith.index_cast %parallel_loop3A_65 : i32 to index
          %parallel_loop3A_79 = arith.constant 0 : index
          %parallel_loop3A_80 = tpu.vector_load %arg8[%parallel_loop3A_78, %parallel_loop3A_79] {strides = array<i32>} : memref<64x512xf32, #tpu.memory_space<vmem>>, vector<16xf32>,
          tpu.vector_store %arg8[%parallel_loop3A_78, %parallel_loop3A_79], %parallel_loop3A_77 {strides = array<i32>} : memref<64x512xf32, #tpu.memory_space<vmem>>, vector<16xf32>,
          %parallel_loop3A_81 = arith.constant 16 : i32
          %parallel_loop3A_82 = vector.broadcast %parallel_loop3A_81 : i32 to vector<16xi32>
          %parallel_loop3A_83 = arith.addi %parallel_loop3A_73, %parallel_loop3A_82 : vector<16xi32>
          %parallel_loop3A_84 = tpu.vector_load_idx %arg5[%parallel_loop3A_83] : memref<48640xf32, #tpu.memory_space<vmem>>[vector<16xi32>], vector<16xf32>,
          %parallel_loop3A_85 = arith.index_cast %parallel_loop3A_65 : i32 to index
          %parallel_loop3A_86 = arith.constant 16 : index
          %parallel_loop3A_87 = tpu.vector_load %arg8[%parallel_loop3A_85, %parallel_loop3A_86] {strides = array<i32>} : memref<64x512xf32, #tpu.memory_space<vmem>>, vector<16xf32>,
          tpu.vector_store %arg8[%parallel_loop3A_85, %parallel_loop3A_86], %parallel_loop3A_84 {strides = array<i32>} : memref<64x512xf32, #tpu.memory_space<vmem>>, vector<16xf32>,
          %parallel_loop3A_88 = arith.constant 32 : i32
          %parallel_loop3A_89 = vector.broadcast %parallel_loop3A_88 : i32 to vector<16xi32>
          %parallel_loop3A_90 = arith.addi %parallel_loop3A_73, %parallel_loop3A_89 : vector<16xi32>
          %parallel_loop3A_91 = tpu.vector_load_idx %arg5[%parallel_loop3A_90] : memref<48640xf32, #tpu.memory_space<vmem>>[vector<16xi32>], vector<16xf32>,
          %parallel_loop3A_92 = arith.index_cast %parallel_loop3A_65 : i32 to index
          %parallel_loop3A_93 = arith.constant 32 : index
          %parallel_loop3A_94 = tpu.vector_load %arg8[%parallel_loop3A_92, %parallel_loop3A_93] {strides = array<i32>} : memref<64x512xf32, #tpu.memory_space<vmem>>, vector<16xf32>,
          tpu.vector_store %arg8[%parallel_loop3A_92, %parallel_loop3A_93], %parallel_loop3A_91 {strides = array<i32>} : memref<64x512xf32, #tpu.memory_space<vmem>>, vector<16xf32>,
          %parallel_loop3A_95 = arith.constant 48 : i32
          %parallel_loop3A_96 = vector.broadcast %parallel_loop3A_95 : i32 to vector<16xi32>
          %parallel_loop3A_97 = arith.addi %parallel_loop3A_73, %parallel_loop3A_96 : vector<16xi32>
          %parallel_loop3A_98 = tpu.vector_load_idx %arg5[%parallel_loop3A_97] : memref<48640xf32, #tpu.memory_space<vmem>>[vector<16xi32>], vector<16xf32>,
          %parallel_loop3A_99 = arith.index_cast %parallel_loop3A_65 : i32 to index
          %parallel_loop3A_100 = arith.constant 48 : index
          %parallel_loop3A_101 = tpu.vector_load %arg8[%parallel_loop3A_99, %parallel_loop3A_100] {strides = array<i32>} : memref<64x512xf32, #tpu.memory_space<vmem>>, vector<16xf32>,
          tpu.vector_store %arg8[%parallel_loop3A_99, %parallel_loop3A_100], %parallel_loop3A_98 {strides = array<i32>} : memref<64x512xf32, #tpu.memory_space<vmem>>, vector<16xf32>,
          %parallel_loop3A_102 = arith.constant 64 : i32
          %parallel_loop3A_103 = vector.broadcast %parallel_loop3A_102 : i32 to vector<16xi32>
          %parallel_loop3A_104 = arith.addi %parallel_loop3A_73, %parallel_loop3A_103 : vector<16xi32>
          %parallel_loop3A_105 = tpu.vector_load_idx %arg5[%parallel_loop3A_104] : memref<48640xf32, #tpu.memory_space<vmem>>[vector<16xi32>], vector<16xf32>,
          %parallel_loop3A_106 = arith.index_cast %parallel_loop3A_65 : i32 to index
          %parallel_loop3A_107 = arith.constant 64 : index
          %parallel_loop3A_108 = tpu.vector_load %arg8[%parallel_loop3A_106, %parallel_loop3A_107] {strides = array<i32>} : memref<64x512xf32, #tpu.memory_space<vmem>>, vector<16xf32>,
          tpu.vector_store %arg8[%parallel_loop3A_106, %parallel_loop3A_107], %parallel_loop3A_105 {strides = array<i32>} : memref<64x512xf32, #tpu.memory_space<vmem>>, vector<16xf32>,
          %parallel_loop3A_109 = arith.constant 80 : i32
          %parallel_loop3A_110 = vector.broadcast %parallel_loop3A_109 : i32 to vector<16xi32>
          %parallel_loop3A_111 = arith.addi %parallel_loop3A_73, %parallel_loop3A_110 : vector<16xi32>
          %parallel_loop3A_112 = tpu.vector_load_idx %arg5[%parallel_loop3A_111] : memref<48640xf32, #tpu.memory_space<vmem>>[vector<16xi32>], vector<16xf32>,
          %parallel_loop3A_113 = arith.index_cast %parallel_loop3A_65 : i32 to index
          %parallel_loop3A_114 = arith.constant 80 : index
          %parallel_loop3A_115 = tpu.vector_load %arg8[%parallel_loop3A_113, %parallel_loop3A_114] {strides = array<i32>} : memref<64x512xf32, #tpu.memory_space<vmem>>, vector<16xf32>,
          tpu.vector_store %arg8[%parallel_loop3A_113, %parallel_loop3A_114], %parallel_loop3A_112 {strides = array<i32>} : memref<64x512xf32, #tpu.memory_space<vmem>>, vector<16xf32>,
          %parallel_loop3A_116 = arith.constant 96 : i32
          %parallel_loop3A_117 = vector.broadcast %parallel_loop3A_116 : i32 to vector<16xi32>
          %parallel_loop3A_118 = arith.addi %parallel_loop3A_73, %parallel_loop3A_117 : vector<16xi32>
          %parallel_loop3A_119 = tpu.vector_load_idx %arg5[%parallel_loop3A_118] : memref<48640xf32, #tpu.memory_space<vmem>>[vector<16xi32>], vector<16xf32>,
          %parallel_loop3A_120 = arith.index_cast %parallel_loop3A_65 : i32 to index
          %parallel_loop3A_121 = arith.constant 96 : index
          %parallel_loop3A_122 = tpu.vector_load %arg8[%parallel_loop3A_120, %parallel_loop3A_121] {strides = array<i32>} : memref<64x512xf32, #tpu.memory_space<vmem>>, vector<16xf32>,
          tpu.vector_store %arg8[%parallel_loop3A_120, %parallel_loop3A_121], %parallel_loop3A_119 {strides = array<i32>} : memref<64x512xf32, #tpu.memory_space<vmem>>, vector<16xf32>,
          %parallel_loop3A_123 = arith.constant 112 : i32
          %parallel_loop3A_124 = vector.broadcast %parallel_loop3A_123 : i32 to vector<16xi32>
          %parallel_loop3A_125 = arith.addi %parallel_loop3A_73, %parallel_loop3A_124 : vector<16xi32>
          %parallel_loop3A_126 = tpu.vector_load_idx %arg5[%parallel_loop3A_125] : memref<48640xf32, #tpu.memory_space<vmem>>[vector<16xi32>], vector<16xf32>,
          %parallel_loop3A_127 = arith.index_cast %parallel_loop3A_65 : i32 to index
          %parallel_loop3A_128 = arith.constant 112 : index
          %parallel_loop3A_129 = tpu.vector_load %arg8[%parallel_loop3A_127, %parallel_loop3A_128] {strides = array<i32>} : memref<64x512xf32, #tpu.memory_space<vmem>>, vector<16xf32>,
          tpu.vector_store %arg8[%parallel_loop3A_127, %parallel_loop3A_128], %parallel_loop3A_126 {strides = array<i32>} : memref<64x512xf32, #tpu.memory_space<vmem>>, vector<16xf32>,
          %parallel_loop3A_130 = arith.constant 128 : i32
          %parallel_loop3A_131 = vector.broadcast %parallel_loop3A_130 : i32 to vector<16xi32>
          %parallel_loop3A_132 = arith.addi %parallel_loop3A_73, %parallel_loop3A_131 : vector<16xi32>
          %parallel_loop3A_133 = tpu.vector_load_idx %arg5[%parallel_loop3A_132] : memref<48640xf32, #tpu.memory_space<vmem>>[vector<16xi32>], vector<16xf32>,
          %parallel_loop3A_134 = arith.index_cast %parallel_loop3A_65 : i32 to index
          %parallel_loop3A_135 = arith.constant 128 : index
          %parallel_loop3A_136 = tpu.vector_load %arg8[%parallel_loop3A_134, %parallel_loop3A_135] {strides = array<i32>} : memref<64x512xf32, #tpu.memory_space<vmem>>, vector<16xf32>,
          tpu.vector_store %arg8[%parallel_loop3A_134, %parallel_loop3A_135], %parallel_loop3A_133 {strides = array<i32>} : memref<64x512xf32, #tpu.memory_space<vmem>>, vector<16xf32>,
          %parallel_loop3A_137 = arith.constant 144 : i32
          %parallel_loop3A_138 = vector.broadcast %parallel_loop3A_137 : i32 to vector<16xi32>
          %parallel_loop3A_139 = arith.addi %parallel_loop3A_73, %parallel_loop3A_138 : vector<16xi32>
          %parallel_loop3A_140 = tpu.vector_load_idx %arg5[%parallel_loop3A_139] : memref<48640xf32, #tpu.memory_space<vmem>>[vector<16xi32>], vector<16xf32>,
          %parallel_loop3A_141 = arith.index_cast %parallel_loop3A_65 : i32 to index
          %parallel_loop3A_142 = arith.constant 144 : index
          %parallel_loop3A_143 = tpu.vector_load %arg8[%parallel_loop3A_141, %parallel_loop3A_142] {strides = array<i32>} : memref<64x512xf32, #tpu.memory_space<vmem>>, vector<16xf32>,
          tpu.vector_store %arg8[%parallel_loop3A_141, %parallel_loop3A_142], %parallel_loop3A_140 {strides = array<i32>} : memref<64x512xf32, #tpu.memory_space<vmem>>, vector<16xf32>,
          %parallel_loop3A_144 = arith.constant 160 : i32
          %parallel_loop3A_145 = vector.broadcast %parallel_loop3A_144 : i32 to vector<16xi32>
          %parallel_loop3A_146 = arith.addi %parallel_loop3A_73, %parallel_loop3A_145 : vector<16xi32>
          %parallel_loop3A_147 = tpu.vector_load_idx %arg5[%parallel_loop3A_146] : memref<48640xf32, #tpu.memory_space<vmem>>[vector<16xi32>], vector<16xf32>,
          %parallel_loop3A_148 = arith.index_cast %parallel_loop3A_65 : i32 to index
          %parallel_loop3A_149 = arith.constant 160 : index
          %parallel_loop3A_150 = tpu.vector_load %arg8[%parallel_loop3A_148, %parallel_loop3A_149] {strides = array<i32>} : memref<64x512xf32, #tpu.memory_space<vmem>>, vector<16xf32>,
          tpu.vector_store %arg8[%parallel_loop3A_148, %parallel_loop3A_149], %parallel_loop3A_147 {strides = array<i32>} : memref<64x512xf32, #tpu.memory_space<vmem>>, vector<16xf32>,
          %parallel_loop3A_151 = arith.constant 176 : i32
          %parallel_loop3A_152 = vector.broadcast %parallel_loop3A_151 : i32 to vector<16xi32>
          %parallel_loop3A_153 = arith.addi %parallel_loop3A_73, %parallel_loop3A_152 : vector<16xi32>
          %parallel_loop3A_154 = tpu.vector_load_idx %arg5[%parallel_loop3A_153] : memref<48640xf32, #tpu.memory_space<vmem>>[vector<16xi32>], vector<16xf32>,
          %parallel_loop3A_155 = arith.index_cast %parallel_loop3A_65 : i32 to index
          %parallel_loop3A_156 = arith.constant 176 : index
          %parallel_loop3A_157 = tpu.vector_load %arg8[%parallel_loop3A_155, %parallel_loop3A_156] {strides = array<i32>} : memref<64x512xf32, #tpu.memory_space<vmem>>, vector<16xf32>,
          tpu.vector_store %arg8[%parallel_loop3A_155, %parallel_loop3A_156], %parallel_loop3A_154 {strides = array<i32>} : memref<64x512xf32, #tpu.memory_space<vmem>>, vector<16xf32>,
          %parallel_loop3A_158 = arith.constant 192 : i32
          %parallel_loop3A_159 = vector.broadcast %parallel_loop3A_158 : i32 to vector<16xi32>
          %parallel_loop3A_160 = arith.addi %parallel_loop3A_73, %parallel_loop3A_159 : vector<16xi32>
          %parallel_loop3A_161 = tpu.vector_load_idx %arg5[%parallel_loop3A_160] : memref<48640xf32, #tpu.memory_space<vmem>>[vector<16xi32>], vector<16xf32>,
          %parallel_loop3A_162 = arith.index_cast %parallel_loop3A_65 : i32 to index
          %parallel_loop3A_163 = arith.constant 192 : index
          %parallel_loop3A_164 = tpu.vector_load %arg8[%parallel_loop3A_162, %parallel_loop3A_163] {strides = array<i32>} : memref<64x512xf32, #tpu.memory_space<vmem>>, vector<16xf32>,
          tpu.vector_store %arg8[%parallel_loop3A_162, %parallel_loop3A_163], %parallel_loop3A_161 {strides = array<i32>} : memref<64x512xf32, #tpu.memory_space<vmem>>, vector<16xf32>,
          %parallel_loop3A_165 = arith.constant 208 : i32
          %parallel_loop3A_166 = vector.broadcast %parallel_loop3A_165 : i32 to vector<16xi32>
          %parallel_loop3A_167 = arith.addi %parallel_loop3A_73, %parallel_loop3A_166 : vector<16xi32>
          %parallel_loop3A_168 = tpu.vector_load_idx %arg5[%parallel_loop3A_167] : memref<48640xf32, #tpu.memory_space<vmem>>[vector<16xi32>], vector<16xf32>,
          %parallel_loop3A_169 = arith.index_cast %parallel_loop3A_65 : i32 to index
          %parallel_loop3A_170 = arith.constant 208 : index
          %parallel_loop3A_171 = tpu.vector_load %arg8[%parallel_loop3A_169, %parallel_loop3A_170] {strides = array<i32>} : memref<64x512xf32, #tpu.memory_space<vmem>>, vector<16xf32>,
          tpu.vector_store %arg8[%parallel_loop3A_169, %parallel_loop3A_170], %parallel_loop3A_168 {strides = array<i32>} : memref<64x512xf32, #tpu.memory_space<vmem>>, vector<16xf32>,
          %parallel_loop3A_172 = arith.constant 224 : i32
          %parallel_loop3A_173 = vector.broadcast %parallel_loop3A_172 : i32 to vector<16xi32>
          %parallel_loop3A_174 = arith.addi %parallel_loop3A_73, %parallel_loop3A_173 : vector<16xi32>
          %parallel_loop3A_175 = tpu.vector_load_idx %arg5[%parallel_loop3A_174] : memref<48640xf32, #tpu.memory_space<vmem>>[vector<16xi32>], vector<16xf32>,
          %parallel_loop3A_176 = arith.index_cast %parallel_loop3A_65 : i32 to index
          %parallel_loop3A_177 = arith.constant 224 : index
          %parallel_loop3A_178 = tpu.vector_load %arg8[%parallel_loop3A_176, %parallel_loop3A_177] {strides = array<i32>} : memref<64x512xf32, #tpu.memory_space<vmem>>, vector<16xf32>,
          tpu.vector_store %arg8[%parallel_loop3A_176, %parallel_loop3A_177], %parallel_loop3A_175 {strides = array<i32>} : memref<64x512xf32, #tpu.memory_space<vmem>>, vector<16xf32>,
          %parallel_loop3A_179 = arith.constant 240 : i32
          %parallel_loop3A_180 = vector.broadcast %parallel_loop3A_179 : i32 to vector<16xi32>
          %parallel_loop3A_181 = arith.addi %parallel_loop3A_73, %parallel_loop3A_180 : vector<16xi32>
          %parallel_loop3A_182 = tpu.vector_load_idx %arg5[%parallel_loop3A_181] : memref<48640xf32, #tpu.memory_space<vmem>>[vector<16xi32>], vector<16xf32>,
          %parallel_loop3A_183 = arith.index_cast %parallel_loop3A_65 : i32 to index
          %parallel_loop3A_184 = arith.constant 240 : index
          %parallel_loop3A_185 = tpu.vector_load %arg8[%parallel_loop3A_183, %parallel_loop3A_184] {strides = array<i32>} : memref<64x512xf32, #tpu.memory_space<vmem>>, vector<16xf32>,
          tpu.vector_store %arg8[%parallel_loop3A_183, %parallel_loop3A_184], %parallel_loop3A_182 {strides = array<i32>} : memref<64x512xf32, #tpu.memory_space<vmem>>, vector<16xf32>,
          %parallel_loop3A_186 = arith.constant 256 : i32
          %parallel_loop3A_187 = vector.broadcast %parallel_loop3A_186 : i32 to vector<16xi32>
          %parallel_loop3A_188 = arith.addi %parallel_loop3A_73, %parallel_loop3A_187 : vector<16xi32>
          %parallel_loop3A_189 = tpu.vector_load_idx %arg5[%parallel_loop3A_188] : memref<48640xf32, #tpu.memory_space<vmem>>[vector<16xi32>], vector<16xf32>,
          %parallel_loop3A_190 = arith.index_cast %parallel_loop3A_65 : i32 to index
          %parallel_loop3A_191 = arith.constant 256 : index
          %parallel_loop3A_192 = tpu.vector_load %arg8[%parallel_loop3A_190, %parallel_loop3A_191] {strides = array<i32>} : memref<64x512xf32, #tpu.memory_space<vmem>>, vector<16xf32>,
          tpu.vector_store %arg8[%parallel_loop3A_190, %parallel_loop3A_191], %parallel_loop3A_189 {strides = array<i32>} : memref<64x512xf32, #tpu.memory_space<vmem>>, vector<16xf32>,
          %parallel_loop3A_193 = arith.constant 272 : i32
          %parallel_loop3A_194 = vector.broadcast %parallel_loop3A_193 : i32 to vector<16xi32>
          %parallel_loop3A_195 = arith.addi %parallel_loop3A_73, %parallel_loop3A_194 : vector<16xi32>
          %parallel_loop3A_196 = tpu.vector_load_idx %arg5[%parallel_loop3A_195] : memref<48640xf32, #tpu.memory_space<vmem>>[vector<16xi32>], vector<16xf32>,
          %parallel_loop3A_197 = arith.index_cast %parallel_loop3A_65 : i32 to index
          %parallel_loop3A_198 = arith.constant 272 : index
          %parallel_loop3A_199 = tpu.vector_load %arg8[%parallel_loop3A_197, %parallel_loop3A_198] {strides = array<i32>} : memref<64x512xf32, #tpu.memory_space<vmem>>, vector<16xf32>,
          tpu.vector_store %arg8[%parallel_loop3A_197, %parallel_loop3A_198], %parallel_loop3A_196 {strides = array<i32>} : memref<64x512xf32, #tpu.memory_space<vmem>>, vector<16xf32>,
          %parallel_loop3A_200 = arith.constant 288 : i32
          %parallel_loop3A_201 = vector.broadcast %parallel_loop3A_200 : i32 to vector<16xi32>
          %parallel_loop3A_202 = arith.addi %parallel_loop3A_73, %parallel_loop3A_201 : vector<16xi32>
          %parallel_loop3A_203 = tpu.vector_load_idx %arg5[%parallel_loop3A_202] : memref<48640xf32, #tpu.memory_space<vmem>>[vector<16xi32>], vector<16xf32>,
          %parallel_loop3A_204 = arith.index_cast %parallel_loop3A_65 : i32 to index
          %parallel_loop3A_205 = arith.constant 288 : index
          %parallel_loop3A_206 = tpu.vector_load %arg8[%parallel_loop3A_204, %parallel_loop3A_205] {strides = array<i32>} : memref<64x512xf32, #tpu.memory_space<vmem>>, vector<16xf32>,
          tpu.vector_store %arg8[%parallel_loop3A_204, %parallel_loop3A_205], %parallel_loop3A_203 {strides = array<i32>} : memref<64x512xf32, #tpu.memory_space<vmem>>, vector<16xf32>,
          %parallel_loop3A_207 = arith.constant 304 : i32
          %parallel_loop3A_208 = vector.broadcast %parallel_loop3A_207 : i32 to vector<16xi32>
          %parallel_loop3A_209 = arith.addi %parallel_loop3A_73, %parallel_loop3A_208 : vector<16xi32>
          %parallel_loop3A_210 = tpu.vector_load_idx %arg5[%parallel_loop3A_209] : memref<48640xf32, #tpu.memory_space<vmem>>[vector<16xi32>], vector<16xf32>,
          %parallel_loop3A_211 = arith.index_cast %parallel_loop3A_65 : i32 to index
          %parallel_loop3A_212 = arith.constant 304 : index
          %parallel_loop3A_213 = tpu.vector_load %arg8[%parallel_loop3A_211, %parallel_loop3A_212] {strides = array<i32>} : memref<64x512xf32, #tpu.memory_space<vmem>>, vector<16xf32>,
          tpu.vector_store %arg8[%parallel_loop3A_211, %parallel_loop3A_212], %parallel_loop3A_210 {strides = array<i32>} : memref<64x512xf32, #tpu.memory_space<vmem>>, vector<16xf32>,
          %parallel_loop3A_214 = arith.constant 320 : i32
          %parallel_loop3A_215 = vector.broadcast %parallel_loop3A_214 : i32 to vector<16xi32>
          %parallel_loop3A_216 = arith.addi %parallel_loop3A_73, %parallel_loop3A_215 : vector<16xi32>
          %parallel_loop3A_217 = tpu.vector_load_idx %arg5[%parallel_loop3A_216] : memref<48640xf32, #tpu.memory_space<vmem>>[vector<16xi32>], vector<16xf32>,
          %parallel_loop3A_218 = arith.index_cast %parallel_loop3A_65 : i32 to index
          %parallel_loop3A_219 = arith.constant 320 : index
          %parallel_loop3A_220 = tpu.vector_load %arg8[%parallel_loop3A_218, %parallel_loop3A_219] {strides = array<i32>} : memref<64x512xf32, #tpu.memory_space<vmem>>, vector<16xf32>,
          tpu.vector_store %arg8[%parallel_loop3A_218, %parallel_loop3A_219], %parallel_loop3A_217 {strides = array<i32>} : memref<64x512xf32, #tpu.memory_space<vmem>>, vector<16xf32>,
          %parallel_loop3A_221 = arith.constant 336 : i32
          %parallel_loop3A_222 = vector.broadcast %parallel_loop3A_221 : i32 to vector<16xi32>
          %parallel_loop3A_223 = arith.addi %parallel_loop3A_73, %parallel_loop3A_222 : vector<16xi32>
          %parallel_loop3A_224 = tpu.vector_load_idx %arg5[%parallel_loop3A_223] : memref<48640xf32, #tpu.memory_space<vmem>>[vector<16xi32>], vector<16xf32>,
          %parallel_loop3A_225 = arith.index_cast %parallel_loop3A_65 : i32 to index
          %parallel_loop3A_226 = arith.constant 336 : index
          %parallel_loop3A_227 = tpu.vector_load %arg8[%parallel_loop3A_225, %parallel_loop3A_226] {strides = array<i32>} : memref<64x512xf32, #tpu.memory_space<vmem>>, vector<16xf32>,
          tpu.vector_store %arg8[%parallel_loop3A_225, %parallel_loop3A_226], %parallel_loop3A_224 {strides = array<i32>} : memref<64x512xf32, #tpu.memory_space<vmem>>, vector<16xf32>,
          %parallel_loop3A_228 = arith.constant 352 : i32
          %parallel_loop3A_229 = vector.broadcast %parallel_loop3A_228 : i32 to vector<16xi32>
          %parallel_loop3A_230 = arith.addi %parallel_loop3A_73, %parallel_loop3A_229 : vector<16xi32>
          %parallel_loop3A_231 = tpu.vector_load_idx %arg5[%parallel_loop3A_230] : memref<48640xf32, #tpu.memory_space<vmem>>[vector<16xi32>], vector<16xf32>,
          %parallel_loop3A_232 = arith.index_cast %parallel_loop3A_65 : i32 to index
          %parallel_loop3A_233 = arith.constant 352 : index
          %parallel_loop3A_234 = tpu.vector_load %arg8[%parallel_loop3A_232, %parallel_loop3A_233] {strides = array<i32>} : memref<64x512xf32, #tpu.memory_space<vmem>>, vector<16xf32>,
          tpu.vector_store %arg8[%parallel_loop3A_232, %parallel_loop3A_233], %parallel_loop3A_231 {strides = array<i32>} : memref<64x512xf32, #tpu.memory_space<vmem>>, vector<16xf32>,
          %parallel_loop3A_235 = arith.constant 368 : i32
          %parallel_loop3A_236 = vector.broadcast %parallel_loop3A_235 : i32 to vector<16xi32>
          %parallel_loop3A_237 = arith.addi %parallel_loop3A_73, %parallel_loop3A_236 : vector<16xi32>
          %parallel_loop3A_238 = tpu.vector_load_idx %arg5[%parallel_loop3A_237] : memref<48640xf32, #tpu.memory_space<vmem>>[vector<16xi32>], vector<16xf32>,
          %parallel_loop3A_239 = arith.index_cast %parallel_loop3A_65 : i32 to index
          %parallel_loop3A_240 = arith.constant 368 : index
          %parallel_loop3A_241 = tpu.vector_load %arg8[%parallel_loop3A_239, %parallel_loop3A_240] {strides = array<i32>} : memref<64x512xf32, #tpu.memory_space<vmem>>, vector<16xf32>,
          tpu.vector_store %arg8[%parallel_loop3A_239, %parallel_loop3A_240], %parallel_loop3A_238 {strides = array<i32>} : memref<64x512xf32, #tpu.memory_space<vmem>>, vector<16xf32>,
          %parallel_loop3A_242 = arith.constant 384 : i32
          %parallel_loop3A_243 = vector.broadcast %parallel_loop3A_242 : i32 to vector<16xi32>
          %parallel_loop3A_244 = arith.addi %parallel_loop3A_73, %parallel_loop3A_243 : vector<16xi32>
          %parallel_loop3A_245 = tpu.vector_load_idx %arg5[%parallel_loop3A_244] : memref<48640xf32, #tpu.memory_space<vmem>>[vector<16xi32>], vector<16xf32>,
          %parallel_loop3A_246 = arith.index_cast %parallel_loop3A_65 : i32 to index
          %parallel_loop3A_247 = arith.constant 384 : index
          %parallel_loop3A_248 = tpu.vector_load %arg8[%parallel_loop3A_246, %parallel_loop3A_247] {strides = array<i32>} : memref<64x512xf32, #tpu.memory_space<vmem>>, vector<16xf32>,
          tpu.vector_store %arg8[%parallel_loop3A_246, %parallel_loop3A_247], %parallel_loop3A_245 {strides = array<i32>} : memref<64x512xf32, #tpu.memory_space<vmem>>, vector<16xf32>,
          %parallel_loop3A_249 = arith.constant 400 : i32
          %parallel_loop3A_250 = vector.broadcast %parallel_loop3A_249 : i32 to vector<16xi32>
          %parallel_loop3A_251 = arith.addi %parallel_loop3A_73, %parallel_loop3A_250 : vector<16xi32>
          %parallel_loop3A_252 = tpu.vector_load_idx %arg5[%parallel_loop3A_251] : memref<48640xf32, #tpu.memory_space<vmem>>[vector<16xi32>], vector<16xf32>,
          %parallel_loop3A_253 = arith.index_cast %parallel_loop3A_65 : i32 to index
          %parallel_loop3A_254 = arith.constant 400 : index
          %parallel_loop3A_255 = tpu.vector_load %arg8[%parallel_loop3A_253, %parallel_loop3A_254] {strides = array<i32>} : memref<64x512xf32, #tpu.memory_space<vmem>>, vector<16xf32>,
          tpu.vector_store %arg8[%parallel_loop3A_253, %parallel_loop3A_254], %parallel_loop3A_252 {strides = array<i32>} : memref<64x512xf32, #tpu.memory_space<vmem>>, vector<16xf32>,
          %parallel_loop3A_256 = arith.constant 416 : i32
          %parallel_loop3A_257 = vector.broadcast %parallel_loop3A_256 : i32 to vector<16xi32>
          %parallel_loop3A_258 = arith.addi %parallel_loop3A_73, %parallel_loop3A_257 : vector<16xi32>
          %parallel_loop3A_259 = tpu.vector_load_idx %arg5[%parallel_loop3A_258] : memref<48640xf32, #tpu.memory_space<vmem>>[vector<16xi32>], vector<16xf32>,
          %parallel_loop3A_260 = arith.index_cast %parallel_loop3A_65 : i32 to index
          %parallel_loop3A_261 = arith.constant 416 : index
          %parallel_loop3A_262 = tpu.vector_load %arg8[%parallel_loop3A_260, %parallel_loop3A_261] {strides = array<i32>} : memref<64x512xf32, #tpu.memory_space<vmem>>, vector<16xf32>,
          tpu.vector_store %arg8[%parallel_loop3A_260, %parallel_loop3A_261], %parallel_loop3A_259 {strides = array<i32>} : memref<64x512xf32, #tpu.memory_space<vmem>>, vector<16xf32>,
          %parallel_loop3A_263 = arith.constant 432 : i32
          %parallel_loop3A_264 = vector.broadcast %parallel_loop3A_263 : i32 to vector<16xi32>
          %parallel_loop3A_265 = arith.addi %parallel_loop3A_73, %parallel_loop3A_264 : vector<16xi32>
          %parallel_loop3A_266 = tpu.vector_load_idx %arg5[%parallel_loop3A_265] : memref<48640xf32, #tpu.memory_space<vmem>>[vector<16xi32>], vector<16xf32>,
          %parallel_loop3A_267 = arith.index_cast %parallel_loop3A_65 : i32 to index
          %parallel_loop3A_268 = arith.constant 432 : index
          %parallel_loop3A_269 = tpu.vector_load %arg8[%parallel_loop3A_267, %parallel_loop3A_268] {strides = array<i32>} : memref<64x512xf32, #tpu.memory_space<vmem>>, vector<16xf32>,
          tpu.vector_store %arg8[%parallel_loop3A_267, %parallel_loop3A_268], %parallel_loop3A_266 {strides = array<i32>} : memref<64x512xf32, #tpu.memory_space<vmem>>, vector<16xf32>,
          %parallel_loop3A_270 = arith.constant 448 : i32
          %parallel_loop3A_271 = vector.broadcast %parallel_loop3A_270 : i32 to vector<16xi32>
          %parallel_loop3A_272 = arith.addi %parallel_loop3A_73, %parallel_loop3A_271 : vector<16xi32>
          %parallel_loop3A_273 = tpu.vector_load_idx %arg5[%parallel_loop3A_272] : memref<48640xf32, #tpu.memory_space<vmem>>[vector<16xi32>], vector<16xf32>,
          %parallel_loop3A_274 = arith.index_cast %parallel_loop3A_65 : i32 to index
          %parallel_loop3A_275 = arith.constant 448 : index
          %parallel_loop3A_276 = tpu.vector_load %arg8[%parallel_loop3A_274, %parallel_loop3A_275] {strides = array<i32>} : memref<64x512xf32, #tpu.memory_space<vmem>>, vector<16xf32>,
          tpu.vector_store %arg8[%parallel_loop3A_274, %parallel_loop3A_275], %parallel_loop3A_273 {strides = array<i32>} : memref<64x512xf32, #tpu.memory_space<vmem>>, vector<16xf32>,
          %parallel_loop3A_277 = arith.constant 464 : i32
          %parallel_loop3A_278 = vector.broadcast %parallel_loop3A_277 : i32 to vector<16xi32>
          %parallel_loop3A_279 = arith.addi %parallel_loop3A_73, %parallel_loop3A_278 : vector<16xi32>
          %parallel_loop3A_280 = tpu.vector_load_idx %arg5[%parallel_loop3A_279] : memref<48640xf32, #tpu.memory_space<vmem>>[vector<16xi32>], vector<16xf32>,
          %parallel_loop3A_281 = arith.index_cast %parallel_loop3A_65 : i32 to index
          %parallel_loop3A_282 = arith.constant 464 : index
          %parallel_loop3A_283 = tpu.vector_load %arg8[%parallel_loop3A_281, %parallel_loop3A_282] {strides = array<i32>} : memref<64x512xf32, #tpu.memory_space<vmem>>, vector<16xf32>,
          tpu.vector_store %arg8[%parallel_loop3A_281, %parallel_loop3A_282], %parallel_loop3A_280 {strides = array<i32>} : memref<64x512xf32, #tpu.memory_space<vmem>>, vector<16xf32>,
          %parallel_loop3A_284 = arith.constant 480 : i32
          %parallel_loop3A_285 = vector.broadcast %parallel_loop3A_284 : i32 to vector<16xi32>
          %parallel_loop3A_286 = arith.addi %parallel_loop3A_73, %parallel_loop3A_285 : vector<16xi32>
          %parallel_loop3A_287 = tpu.vector_load_idx %arg5[%parallel_loop3A_286] : memref<48640xf32, #tpu.memory_space<vmem>>[vector<16xi32>], vector<16xf32>,
          %parallel_loop3A_288 = arith.index_cast %parallel_loop3A_65 : i32 to index
          %parallel_loop3A_289 = arith.constant 480 : index
          %parallel_loop3A_290 = tpu.vector_load %arg8[%parallel_loop3A_288, %parallel_loop3A_289] {strides = array<i32>} : memref<64x512xf32, #tpu.memory_space<vmem>>, vector<16xf32>,
          tpu.vector_store %arg8[%parallel_loop3A_288, %parallel_loop3A_289], %parallel_loop3A_287 {strides = array<i32>} : memref<64x512xf32, #tpu.memory_space<vmem>>, vector<16xf32>,
          %parallel_loop3A_291 = arith.constant 496 : i32
          %parallel_loop3A_292 = vector.broadcast %parallel_loop3A_291 : i32 to vector<16xi32>
          %parallel_loop3A_293 = arith.addi %parallel_loop3A_73, %parallel_loop3A_292 : vector<16xi32>
          %parallel_loop3A_294 = tpu.vector_load_idx %arg5[%parallel_loop3A_293] : memref<48640xf32, #tpu.memory_space<vmem>>[vector<16xi32>], vector<16xf32>,
          %parallel_loop3A_295 = arith.index_cast %parallel_loop3A_65 : i32 to index
          %parallel_loop3A_296 = arith.constant 496 : index
          %parallel_loop3A_297 = tpu.vector_load %arg8[%parallel_loop3A_295, %parallel_loop3A_296] {strides = array<i32>} : memref<64x512xf32, #tpu.memory_space<vmem>>, vector<16xf32>,
          tpu.vector_store %arg8[%parallel_loop3A_295, %parallel_loop3A_296], %parallel_loop3A_294 {strides = array<i32>} : memref<64x512xf32, #tpu.memory_space<vmem>>, vector<16xf32>,
        } {sc.loop_unroll_factor = 2 : i64, sc.parallel_access}
        %add3A_57 = arith.addi %add3A_8, %add3A_40 : i32
        %mul3A_58 = arith.constant 64 : i32
        %mul3A_59 = arith.muli %add3A_57, %mul3A_58 : i32
        %min3A_60 = arith.constant 39936 : i32
        %min3A_61 = arith.minsi %mul3A_59, %min3A_60 : i32
        %dma_start3A = arith.constant 0 : i32
        %dma_start3A_62 = tpu.memref_slice %arg4[%min3A_61, %dma_start3A] : memref<100000x512xf32, #tpu.memory_space<hbm>> -> memref<64x512xf32, #tpu.memory_space<hbm>>
        %dma_start3A_63 = arith.constant 0 : i32
        %dma_start3A_64 = tpu.memref_slice %arg4[%min3A_61, %dma_start3A_63] : memref<100000x512xf32, #tpu.memory_space<hbm>> -> memref<64x512xf32, #tpu.memory_space<hbm>>
        tpu.enqueue_dma source(%arg8 : memref<64x512xf32, #tpu.memory_space<vmem>>) target(%dma_start3A_64 : memref<64x512xf32, #tpu.memory_space<hbm>>) target_semaphore(%arg10 : memref<!tpu.dma_semaphore, #tpu.memory_space<semaphore_mem>>)
      } else {
      }
      %scan3A_45 = arith.constant 0 : i32
      scf.yield %scan3A_45 : i32
    }
    %scan3A_19 = arith.constant 10 : i32
    %gt3A = arith.constant 0 : i32
    %gt3A_20 = arith.cmpi sgt, %add3A_4, %gt3A : i32
    %convert_element_type3A = arith.extui %gt3A_20 : i1 to i32
    %cond3A = arith.constant 0 : i32
    %cond3A_21 = arith.cmpi ne, %convert_element_type3A, %cond3A : i32
    scf.if %cond3A_21 {
      %add3A_27 = arith.constant 0 : i32
      %add3A_28 = arith.addi %add3A_8, %add3A_27 : i32
      %mul3A_29 = arith.constant 64 : i32
      %mul3A_30 = arith.muli %add3A_28, %mul3A_29 : i32
      %min3A_31 = arith.constant 39936 : i32
      %min3A_32 = arith.minsi %mul3A_30, %min3A_31 : i32
      %dma_wait3A = arith.constant 0 : i32
      %dma_wait3A_33 = tpu.memref_slice %arg4[%min3A_32, %dma_wait3A] : memref<100000x512xf32, #tpu.memory_space<hbm>> -> memref<64x512xf32, #tpu.memory_space<hbm>>
      %dma_wait3A_34 = arith.constant 0 : i32
      %dma_wait3A_35 = tpu.memref_slice %arg4[%min3A_32, %dma_wait3A_34] : memref<100000x512xf32, #tpu.memory_space<hbm>> -> memref<64x512xf32, #tpu.memory_space<hbm>>
      tpu.wait_dma2 semaphore(%arg9 : memref<!tpu.dma_semaphore, #tpu.memory_space<semaphore_mem>>) src(%arg7 : memref<64x512xf32, #tpu.memory_space<vmem>>) dst(%dma_wait3A_35 : memref<64x512xf32, #tpu.memory_space<hbm>>)
    } else {
    }
    %gt3A_22 = arith.constant 1 : i32
    %gt3A_23 = arith.cmpi sgt, %add3A_4, %gt3A_22 : i32
    %convert_element_type3A_24 = arith.extui %gt3A_23 : i1 to i32
    %cond3A_25 = arith.constant 0 : i32
    %cond3A_26 = arith.cmpi ne, %convert_element_type3A_24, %cond3A_25 : i32
    scf.if %cond3A_26 {
      %add3A_27 = arith.constant 1 : i32
      %add3A_28 = arith.addi %add3A_8, %add3A_27 : i32
      %mul3A_29 = arith.constant 64 : i32
      %mul3A_30 = arith.muli %add3A_28, %mul3A_29 : i32
      %min3A_31 = arith.constant 39936 : i32
      %min3A_32 = arith.minsi %mul3A_30, %min3A_31 : i32
      %dma_wait3A = arith.constant 0 : i32
      %dma_wait3A_33 = tpu.memref_slice %arg4[%min3A_32, %dma_wait3A] : memref<100000x512xf32, #tpu.memory_space<hbm>> -> memref<64x512xf32, #tpu.memory_space<hbm>>
      %dma_wait3A_34 = arith.constant 0 : i32
      %dma_wait3A_35 = tpu.memref_slice %arg4[%min3A_32, %dma_wait3A_34] : memref<100000x512xf32, #tpu.memory_space<hbm>> -> memref<64x512xf32, #tpu.memory_space<hbm>>
      tpu.wait_dma2 semaphore(%arg10 : memref<!tpu.dma_semaphore, #tpu.memory_space<semaphore_mem>>) src(%arg8 : memref<64x512xf32, #tpu.memory_space<vmem>>) dst(%dma_wait3A_35 : memref<64x512xf32, #tpu.memory_space<hbm>>)
    } else {
    }
    return
  }
}

module attributes {stable_mosaic.version = 14 : i64} {
  func.func @body(%arg0: i32, %arg1: memref<100000x512xf32, #tpu.memory_space<any>>, %arg2: memref<1x1x1000xi32, #tpu.memory_space<vmem>>, %arg3: memref<128x512xf32, #tpu.memory_space<vmem>>, %arg4: memref<1000x512xf32, #tpu.memory_space<vmem>>) attributes {dimension_semantics = [#tpu.dimension_semantics<arbitrary>], iteration_bounds = array<i64: 60>, scalar_prefetch = 0 : i64, scratch_operands = 0 : i64, tpu.core_type = #tpu.core_type<tc>, window_params = [{}, {transform_indices = @transform_1, window_bounds = array<i64: 1, 1, 1000>}, {pipeline_mode = #tpu.pipeline_mode<synchronous>, transform_indices = @transform_2, window_bounds = array<i64: 128, 512>}, {transform_indices = @transform_3, window_bounds = array<i64: 1000, 512>}]} {
    %get3A = arith.constant 0 : index
    %get3A_0 = arith.constant 0 : index
    %get3A_1 = arith.constant 0 : index
    %get3A_2 = vector.load %arg2[%get3A, %get3A_0, %get3A_1] : memref<1x1x1000xi32, #tpu.memory_space<vmem>>, vector<1x1x1000xi32>
    %get3A_3 = vector.shape_cast %get3A_2 : vector<1x1x1000xi32> to vector<1000xi32>
    %broadcast_in_dim3A = vector.shape_cast %get3A_3 : vector<1000xi32> to vector<1000x1xi32>
    %iota3A = tpu.iota {dimensions = array<i32: 1>} : vector<1x128xi32>
    %eq3A = vector.broadcast %broadcast_in_dim3A : vector<1000x1xi32> to vector<1000x128xi32>
    %eq3A_4 = vector.broadcast %iota3A : vector<1x128xi32> to vector<1000x128xi32>
    %eq3A_5 = arith.cmpi eq, %eq3A, %eq3A_4 : vector<1000x128xi32>
    %convert_element_type3A = arith.extui %eq3A_5 : vector<1000x128xi1> to vector<1000x128xi32>
    %convert_element_type3A_6 = arith.sitofp %convert_element_type3A : vector<1000x128xi32> to vector<1000x128xf32>
    %get3A_7 = arith.constant 0 : index
    %get3A_8 = arith.constant 0 : index
    %get3A_9 = vector.load %arg3[%get3A_7, %get3A_8] : memref<128x512xf32, #tpu.memory_space<vmem>>, vector<128x512xf32>
    %dot_general3A = arith.constant dense<0.000000e+00> : vector<1000x512xf32>
    %dot_general3A_10 = tpu.matmul %convert_element_type3A_6, %get3A_9, %dot_general3A {dimension_numbers = #tpu.dot_dimension_numbers<[1], [0], [0], [1], [0, 0, 1, 1], [], []>, transpose_lhs_hint = false} : vector<1000x128xf32>, vector<128x512xf32>, vector<1000x512xf32> -> vector<1000x512xf32>
    %swap3A = arith.constant 0 : index
    %swap3A_11 = arith.constant 0 : index
    %swap3A_12 = vector.load %arg4[%swap3A, %swap3A_11] : memref<1000x512xf32, #tpu.memory_space<vmem>>, vector<1000x512xf32>
    tpu.vector_store %arg4[%swap3A, %swap3A_11], %dot_general3A_10 {strides = array<i32>} : memref<1000x512xf32, #tpu.memory_space<vmem>>, vector<1000x512xf32>,
    return
  }
  func.func @transform_1(%arg0: i32) -> (i32, i32, i32) {
    %add3A = arith.constant 40 : i32
    %add3A_0 = arith.addi %add3A, %arg0 : i32
    %c0_i32 = arith.constant 0 : i32
    %c0_i32_1 = arith.constant 0 : i32
    %c0_i32_2 = arith.constant 0 : i32
    return %add3A_0, %c0_i32, %c0_i32_1 : i32, i32, i32
  }
  func.func @transform_2(%arg0: i32) -> (i32, i32) {
    %c0_i32 = arith.constant 0 : i32
    %c0_i32_0 = arith.constant 0 : i32
    %c0_i32_1 = arith.constant 0 : i32
    return %c0_i32, %c0_i32_0 : i32, i32
  }
  func.func @transform_3(%arg0: i32) -> (i32, i32) {
    %add3A = arith.constant 40 : i32
    %add3A_0 = arith.addi %add3A, %arg0 : i32
    %c0_i32 = arith.constant 0 : i32
    %c0_i32_1 = arith.constant 0 : i32
    return %add3A_0, %c0_i32 : i32, i32
  }
}

</mosaic_0001>

<sc_bundles>
// kernel: kernel.4.cloned.1.call-start
scs
__scs_entry_jumppad:
0x0: {  	(pc) =	sbr.rel $0x88, $3  }
0x1: {  	(tag) =	ssettag $0x0;
	lr =	simm.s32 $0x1  }
0x2: {  	[smem:$0x3F9F] =	sst lr;
	_ =	strace $0xD0000000  }
0x3: {  	_ = 	snop  }
0x4: {  	_ = 	snop  }
0x5: {  	_ = 	snop  }
0x6: {  	_ = 	snop  }
0x7: {  	_ = 	snop  }
__scs_overlays_trampoline_lowered:
0x8: {  	[smem:$0x3FAE] =	sst s0  }
0x9: {  	[smem:$0x3FAF] =	sst s1  }
0xa: {  	[smem:$0x3FB0] =	sst s2  }
0xb: {  	[smem:$0x3FB1] =	sst s3  }
0xc: {  	[smem:$0x3FB2] =	sst s4  }
0xd: {  	[smem:$0x3FB3] =	sst s5  }
0xe: {  	[smem:$0x3FB4] =	sst s6  }
0xf: {  	[smem:$0x3FB5] =	sst s7  }
0x10: {  	[smem:$0x3FB6] =	sst s8  }
0x11: {  	[smem:$0x3FB7] =	sst s9;
	s0 =	simm.s32 @!p0 $0x0  }
0x12: {  	s1 =	sld [smem:$0x3F9D];
	s0 =	simm.s32 @p0 $0x1  }
0x13: {  	[smem:$0x3FB8] =	sst s0;
	s0 =	simm.s32 @!p1 $0x0  }
0x14: {  	s2 =	sld [smem:$0x3F9C];
	s0 =	simm.s32 @p1 $0x1  }
0x15: {  	[smem:$0x3FB9] =	sst s0;
	s0 =	simm.s32 @!p2 $0x0  }
0x16: {  	s3 =	sld [smem:$0x3FDB];
	s0 =	simm.s32 @p2 $0x1  }
0x17: {  	s4 =	simm.s32 $0x1BF5;
	[smem:$0x3FBB] =	sst s0  }
0x18: {  	s0 =	sld [smem:$0x3F9E];
	_ =	swait.ge [sflag:s4], $0x0  }
0x19: {  	s7 =	sld [smem:$0x3F9F]  }
0x1a: {  	s8 =	sadd.s32 $0xFFFFE003, lr  }
0x1b: {  	s9 =	sadd.s32 $0xFFFFFEF7, lr;
	s5 =	simm.s32 $0xFFFFFFFF;
	p2 =	slt.u32 s8, $0xFFFFF086  }
0x1c: {  	p1 =	slt.u32 s9, $0xF7A;
	s5 =	simm.s32 @!p2 $0x0  }
0x1d: {  	s5 =	simm.s32 @p1 $0x1;
	p0 =	seq.s32 s7, s2  }
0x1e: {  	s7 =	smul.u32 @!p0 $0xF7A, s2;
	p2 =	seq.s32 @!p0 s5, $0x0  }
0x1f: {  	s9 =	smul.u32 $0xF7A, s1;
	s8 =	simm.s32 @!p0 $0x1BF5;
	p2 =	por !p2, p0  }
0x20: {  	[sflag:s8] =	ssyncset.s32 @!p0 $0xFFFFF086;
	s6 =	sadd.s32 @!p0 s3, s7;
	s7 =	simm.s32 @!p0 $0x108  }
0x21: {  	s3 =	sadd.s32 s3, s9;
	s6 =	sadd.s32 @!p0 $0x88, s6;
	s7 =	simm.s32 @p2 $0x1082  }
0x22: {  	[simem:s7], [sflag:s8] =	dma.local @!p0 [hbm:s6], $0xF7A  }
0x23: {  	s9 =	sor.u32 $0xD0000000, s2;
	s6 =	simm.s32 $0x108;
	_ =	swait.ge @!p0 [sflag:s8], $0x0  }
0x24: {  	s3 =	sadd.s32 $0x88, s3;
	s6 =	simm.s32 @!p1 $0x1082;
	[sflag:s4] =	ssyncset.s32 $0xFFFFF086  }
0x25: {  	[simem:s6], [sflag:s4] =	dma.local [hbm:s3], $0xF7A  }
0x26: {  	[smem:$0x3F9F] =	sst s1;
	(tag) =	ssettag s2;
	_ =	strace s9  }
0x27: {  	s1 =	sld [smem:$0x3FAF]  }
0x28: {  	s2 =	sld [smem:$0x3FB0]  }
0x29: {  	s4 =	sld [smem:$0x3FB2]  }
0x2a: {  	p0 =	seq.s32 s5, $0x0;
	s5 =	sld [smem:$0x3FB3]  }
0x2b: {  	s6 =	sld [smem:$0x3FB4]  }
0x2c: {  	s7 =	sld [smem:$0x3FB5]  }
0x2d: {  	s3 =	simm.s32 $0x108;
	s8 =	sld [smem:$0x3FB6]  }
0x2e: {  	s3 =	simm.s32 @!p0 $0x1082;
	s9 =	sld [smem:$0x3FB7]  }
0x2f: {  	lr =	sadd.s32 s0, s3;
	s0 =	sld [smem:$0x3FAE]  }
0x30: {  	s3 =	sld [smem:$0x3FB1]  }
0x31: {  	[smem:$0x3FBA] =	sst s10  }
0x32: {  	s10 =	sld [smem:$0x3FB8];
	_ =	sdelay $0x3  }
0x33: {  	p0 =	seq.s32 s10, $0x1;
	s10 =	sld [smem:$0x3FBA];
	_ =	sdelay $0x3  }
0x34: {  	[smem:$0x3FBA] =	sst s10  }
0x35: {  	s10 =	sld [smem:$0x3FB9];
	_ =	sdelay $0x3  }
0x36: {  	p1 =	seq.s32 s10, $0x1;
	s10 =	sld [smem:$0x3FBA];
	_ =	sdelay $0x3  }
0x37: {  	[smem:$0x3FBA] =	sst s10  }
0x38: {  	s10 =	sld [smem:$0x3FBB]  }
0x39: {  	_ = 	snop;
	(pc) =	sbr.ind lr, $3  }
0x3a: {  	_ = 	snop  }
0x3b: {  	_ = 	snop  }
0x3c: {  	p2 =	seq.s32 s10, $0x1;
	s10 =	sld [smem:$0x3FBA]  }
0x3d: {  	_ =	shalt  }
0x3e: {  	_ =	shalt  }
0x3f: {  	_ =	shalt  }
0x40: {  	_ =	shalt  }
0x41: {  	_ =	shalt  }
0x42: {  	_ =	shalt  }
0x43: {  	_ =	shalt  }
0x44: {  	_ =	shalt  }
0x45: {  	_ =	shalt  }
0x46: {  	_ =	shalt  }
0x47: {  	_ =	shalt  }
0x48: {  	_ =	shalt  }
0x49: {  	_ =	shalt  }
0x4a: {  	_ =	shalt  }
0x4b: {  	_ =	shalt  }
0x4c: {  	_ =	shalt  }
0x4d: {  	_ =	shalt  }
0x4e: {  	_ =	shalt  }
0x4f: {  	_ =	shalt  }
0x50: {  	_ =	shalt  }
0x51: {  	_ =	shalt  }
0x52: {  	_ =	shalt  }
0x53: {  	_ =	shalt  }
0x54: {  	_ =	shalt  }
0x55: {  	_ =	shalt  }
0x56: {  	_ =	shalt  }
0x57: {  	_ =	shalt  }
0x58: {  	_ =	shalt  }
0x59: {  	_ =	shalt  }
0x5a: {  	_ =	shalt  }
0x5b: {  	_ =	shalt  }
0x5c: {  	_ =	shalt  }
0x5d: {  	_ =	shalt  }
0x5e: {  	_ =	shalt  }
0x5f: {  	_ =	shalt  }
0x60: {  	_ =	shalt  }
0x61: {  	_ =	shalt  }
0x62: {  	_ =	shalt  }
0x63: {  	_ =	shalt  }
0x64: {  	_ =	shalt  }
0x65: {  	_ =	shalt  }
0x66: {  	_ =	shalt  }
0x67: {  	_ =	shalt  }
0x68: {  	_ =	shalt  }
0x69: {  	_ =	shalt  }
0x6a: {  	_ =	shalt  }
0x6b: {  	_ =	shalt  }
0x6c: {  	_ =	shalt  }
0x6d: {  	_ =	shalt  }
0x6e: {  	_ =	shalt  }
0x6f: {  	_ =	shalt  }
0x70: {  	_ =	shalt  }
0x71: {  	_ =	shalt  }
0x72: {  	_ =	shalt  }
0x73: {  	_ =	shalt  }
0x74: {  	_ =	shalt  }
0x75: {  	_ =	shalt  }
0x76: {  	_ =	shalt  }
0x77: {  	_ =	shalt  }
0x78: {  	_ =	shalt  }
0x79: {  	_ =	shalt  }
0x7a: {  	_ =	shalt  }
0x7b: {  	_ =	shalt  }
0x7c: {  	_ =	shalt  }
0x7d: {  	_ =	shalt  }
0x7e: {  	_ =	shalt  }
0x7f: {  	_ =	shalt  }
0x80: {  	_ =	shalt  }
0x81: {  	_ =	shalt  }
0x82: {  	_ =	shalt  }
0x83: {  	_ =	shalt  }
0x84: {  	_ =	shalt  }
0x85: {  	_ =	shalt  }
0x86: {  	_ =	shalt  }
0x87: {  	_ =	shalt  }
.Lfunc_end0:
.L_simem_size_0:
called_computation_lowered:
.L_overlay_start_0:
0x88: {  	s2 =	sld [smem:$0x3FD9]  }
0x89: {  	s3 =	sld [smem:$0x3FFE];
	_ =	sdelay $0x1  }
0x8a: {  	s1 =	srdreg.scid  }
0x8b: {  	s0 =	sand.u32 $0x1, s1  }
0x8c: {  	s17 =	sshll.u32 s0, $0xA;
	s2 =	sadd.s32 s3, s2  }
0x8d: {  	s2 =	sadd.s32 s2, s17  }
0x8e: {  	[smem:$0x3FC6] =	sst s2  }
0x8f: {  	_ = 	snop  }
0x90: {  	s2 =	sld [smem:$0x3FC9]  }
0x91: {  	s18 =	sld [smem:$0x3FD0];
	(tm) =	ssettm $0x1  }
0x92: {  	s4 =	sld [smem:$0x3FFB];
	_ =	sdelay $0x3  }
0x93: {  	_ =	strace s4  }
0x94: {  	s4 =	sld [smem:$0x3FFC];
	_ =	sdelay $0x3  }
0x95: {  	_ =	strace s4  }
0x96: {  	s4 =	sld [smem:$0x3FFD];
	_ =	sdelay $0x3  }
0x97: {  	_ =	strace s4  }
0x98: {  	_ =	strace $0x8FFFFFFF  }
0x99: {  	s19 =	sld [smem:$0x3FDB];
	_ =	sdelay $0x1  }
0x9a: {  	s5 =	simm.s32 $_scs_section_size  }
0x9b: {  	s6 =	simm.s32 $_size__tile_overlayer_lowered;
	s7 =	simm.s32 $_tile_overlayer_lowered  }
0x9c: {  	s22 =	simm.s32 $0x1BFF;
	s21 =	sshll.u32 s7, $0x1;
	s4 =	sadd.s32 s5, s19  }
0x9d: {  	s8 =	simm.s32 $0x0;
	s20 =	sshll.u32 s6, $0x1;
	s6 =	sadd.s32 s21, s4  }
0x9e: {  	[timem:s8], [sflag:s22] =	dma.local [hbm:s6], s20  }
0x9f: {  	_ =	swait.ge [sflag:s22], s20  }
0xa0: {  	s5 =	ssub.s32 $0x0, s20;
	[sflag:s22] =	ssyncset.done $0x0  }
0xa1: {  	[sflag:s22] =	ssyncadd.s32 s5;
	_ =	sdelay $0x1  }
0xa2: {  	s23 =	simm.s32 $0x1B8B  }
0xa3: {  	_ =	swait.ge [sflag:s23], $0x1  }
0xa4: {  	[sflag:s23] =	ssyncset.done $0x0  }
0xa5: {  	s25 =	simm.s32 $0x1B8E;
	s24 =	sld [smem:$0x3FFE];
	[sflag:s23] =	ssyncadd.s32 $0xFFFFFFFF  }
0xa6: {  	s26 =	simm.s32 $execute0_lowered;
	[smem:$0x3FD2] =	sst s25  }
0xa7: {  	s6 =	sshll.u32 s26, $0x1;
	_ =	strace $0x80000046;
	[dreg:$0x1] =	wrdreg $0xFFFFFFFF  }
0xa8: {  	s28 =	simm.s32 $_size_execute0_lowered;
	s4 =	sadd.s32 s4, s6;
	[dreg:$0x0] =	wrdreg $0x0  }
0xa9: {  	s6 =	sshll.u32 s28, $0x1;
	[dreg:$0x2] =	wrdreg s4  }
0xaa: {  	[dreg:$0x3] =	wrdreg s6  }
0xab: {  	[dreg:$0x4] =	wrdreg $0xC0  }
0xac: {  	_ =	task [dreg:s8], $0x5FFFF  }
0xad: {  	[dreg:$0x1] =	wrdreg $0xFFFFFFFF  }
0xae: {  	[dreg:$0x0] =	wrdreg $0x60  }
0xaf: {  	[dreg:$0x2] =	wrdreg s2  }
0xb0: {  	[dreg:$0x3] =	wrdreg s24  }
0xb1: {  	[dreg:$0x4] =	wrdreg s18  }
0xb2: {  	[dreg:$0x5] =	wrdreg $0x9  }
0xb3: {  	_ =	task.clear_ibuf [dreg:s8], $0x6FFFF;
	_ =	strace $0x90000046  }
0xb4: {  	s29 =	simm.s32 $0x9;
	_ =	strace $0x80000048  }
0xb5: {  	_ =	swait.ge [sflag:s29], $0x1  }
0xb6: {  	[sflag:s29] =	ssyncadd.s32 $0xFFFFFFFF  }
0xb7: {  	_ =	strace $0x90000048  }
0xb8: {  	_ =	sfence  }
0xb9: {  	s30 =	sld [smem:$0x0];
	_ =	sdelay $0x2  }
0xba: {  	s31 =	sshll.u32 s1, $0xD;
	s1 =	sshrl.u32 s1, $0x2  }
0xbb: {  	s3 =	sand.u32 $0x4000, s31;
	s1 =	sadd.s32 s1, s30  }
0xbc: {  	s0 =	sor.u32 s3, s0;
	s1 =	sshll.u32 s1, $0x11  }
0xbd: {  	s0 =	sor.u32 s1, s0  }
0xbe: {  	s0 =	sadd.s32 $0x8F2B, s0  }
0xbf: {  	[sflag:s0] =	ssyncadd.remote.s32 $0x1  }
0xc0: {  	_ =	sfence.sel $0xFFFF  }
0xc1: {  	[dreg:$0x0] =	wrdreg $0xFFFFFFFF;
	(pc) =	sbr.abs _section_cstart, $3  }
0xc2: {  	[dreg:$0x1] =	wrdreg $0xFFFFFFFF  }
0xc3: {  	_ =	task.clear_ibuf [dreg:s8], $0x2FFFF;
	_ =	strace $0x9FFFFFFF  }
0xc4: {  	(tm) =	ssettm $0x7FFFFFFF  }
0xc5: {  	_ =	shalt  }
tec
execute0_lowered:
.L_overlay_start_1:
0x0: {  	(tag) =	ssettag $0x1  }
0x1: {  	s0 =	rddreg [dreg:$0x0]  }
0x2: {  	s1 =	rddreg [dreg:$0x1]  }
0x3: {  	s15 =	rddreg [dreg:$0x2];
	s2 =	srdreg.scid  }
0x4: {  	s9 =	stileid.u32;
	s3 =	simm.s32 $0x0;
	s13 =	simm.s32 $0xBE00  }
0x5: {  	s2 =	sand.u32 $0x1, s2;
	s4 =	sshll.u32 s9, $0x1;
	s8 =	smul.u32 $0x980, s9  }
0x6: {  	[smem:$0x7FF] =	sst s3;
	s1 =	sadd.s32 $0x800, s1;
	s9 =	smul.u32 $0x26, s9  }
0x7: {  	v0 =	vlaneseq.u32;
	s5 =	ssub.s32 $0x2, s2;
	s4 =	sor.u32 s2, s4;
	s24 =	smul.u32 $0x13, s2  }
0x8: {  	v1 =	vor.u32 $0x10, v0;
	_ =	strace $0x80000047;
	s2 =	smul.u32 $0x4C0, s2;
	s6 =	sshrl.u32 s5, $0x1  }
0x9: {  	v2 =	vor.u32 $0x20, v0;
	v3 =	vor.u32 $0x30, v0;
	v4 =	vor.u32 $0x40, v0;
	s7 =	smul.u32 $0x13, s4;
	p0 =	slt.u32 s4, $0x11;
	s4 =	smin.u32 s4, $0x11  }
0xa: {  	v5 =	vor.u32 $0x50, v0;
	v6 =	vor.u32 $0x60, v0;
	v7 =	vor.u32 $0x70, v0;
	[dreg:$0x5] =	wrdreg s1;
	s23 =	ssub.s32 s5, s6;
	s9 =	sadd.s32 s9, s4  }
0xb: {  	v8 =	vor.u32 $0x80, v0;
	v9 =	vor.u32 $0x90, v0;
	v10 =	vor.u32 $0xA0, v0;
	s2 =	sadd.s32 s2, s8;
	s6 =	sadd.s32 s4, s7;
	s7 =	sadd.s32 s24, s9  }
0xc: {  	v11 =	vor.u32 $0xB0, v0;
	v12 =	vor.u32 $0xC0, v0;
	v13 =	vor.u32 $0xD0, v0;
	s4 =	sshll.u32 s4, $0x6;
	s28 =	smax.u32 s23, $0x1;
	s10 =	sshll.u32 s6, $0x6  }
0xd: {  	v14 =	vor.u32 $0xE0, v0;
	v15 =	vor.u32 $0xF0, v0;
	v16 =	vor.u32 $0x100, v0;
	s7 =	sshll.u32 s7, $0x6;
	s2 =	sadd.s32 s4, s2;
	[dreg:$0x7] =	wrdreg s28  }
.Ltmp0:
0xe: {  	v17 =	vor.u32 $0x110, v0;
	v18 =	vor.u32 $0x120, v0;
	v19 =	vor.u32 $0x130, v0;
	s26 =	smin.u32 s7, $0x9740;
	s31 =	sadd.s32 $0x40, s7;
	(pc) =	sbr.rel .LBB2_1-.Ltmp0, $4  }
0xf: {  	v20 =	vor.u32 $0x140, v0;
	v21 =	vor.u32 $0x150, v0;
	v22 =	vor.u32 $0x160, v0;
	s10 =	smin.u32 s10, $0x9740;
	s29 =	ssub.s32 s2, s26;
	[dreg:$0xa] =	wrdreg s31  }
0x10: {  	v23 =	vor.u32 $0x170, v0;
	v24 =	vor.u32 $0x180, v0;
	v25 =	vor.u32 $0x190, v0;
	s25 =	sshrl.u32 s10, $0x3;
	s30 =	ssub.s32 $0x0, s26;
	[dreg:$0x8] =	wrdreg s29  }
0x11: {  	v26 =	vor.u32 $0x1A0, v0;
	v27 =	vor.u32 $0x1B0, v0;
	v28 =	vor.u32 $0x1C0, v0;
	s5 =	simm.s32 $0x14;
	s0 =	sadd.s32 s0, s25;
	[dreg:$0x9] =	wrdreg s30  }
0x12: {  	v29 =	vor.u32 $0x1D0, v0;
	v30 =	vor.u32 $0x1E0, v0;
	v31 =	vor.u32 $0x1F0, v0;
	s5 =	simm.s32 @!p0 $0x13;
	s2 =	simm.s32 $0x0;
	[dreg:$0x6] =	wrdreg s0  }
.LBB2_11:
0x13: {  	s0 =	simm.s32 $0x1  }
0x14: {  	_ =	swait.ge [sflag:s0], $0x8000  }
0x15: {  	[sflag:s0] =	ssyncset.done $0x0  }
0x16: {  	s1 =	simm.s32 $0x2;
	[sflag:s0] =	ssyncadd.s32 $0xFFFF8000  }
0x17: {  	_ =	swait.ge [sflag:s1], $0x8000  }
0x18: {  	s2 =	rddreg [dreg:$0xb]  }
0x19: {  	s31 =	rddreg [dreg:$0x7];
	s2 =	sadd.s32 $0x1, s2  }
0x1a: {  	p0 =	sne.s32 s2, s31  }
.Ltmp1:
0x1b: {  	_ = 	snop;
	(pc) =	sbr.rel @!p0 .LBB2_12-.Ltmp1, $3  }
0x1c: {  	_ =	sdelay $0x1  }
0x1d: {  	[sflag:s1] =	ssyncset.done $0x0  }
0x1e: {  	[sflag:s1] =	ssyncadd.s32 $0xFFFF8000  }
.LBB2_1:
0x1f: {  	[dreg:$0xb] =	wrdreg s2  }
0x20: {  	s0 =	rddreg [dreg:$0x5];
	s1 =	simm.s32 $0x3  }
0x21: {  	[tilespmem:s3], [sflag:$0x3] =	stream.linear.gather [hbm4b:s0+s3], $0xBE00, $0x38;
	[tilespmem:$0x1C300] =	vst v63  }
0x22: {  	_ =	swait.ge [sflag:s1], $0xBE00  }
0x23: {  	[sflag:s1] =	ssyncset.done $0x0  }
.Ltmp2:
0x24: {  	s31 =	rddreg [dreg:$0x6];
	[sflag:s1] =	ssyncadd.s32 $0xFFFF4200;
	(pc) =	sbr.rel .LBB2_2-.Ltmp2, $4  }
0x25: {  	[tilespmem:s13], [sflag:$0x3] =	stream.linear.gather [hbm4b:s31+s3], $0x500, $0x38;
	[tilespmem:$0x1C300] =	vst v63  }
0x26: {  	_ =	swait.ge [sflag:s1], $0x500  }
0x27: {  	[sflag:s1] =	ssyncset.done $0x0;
	s19 =	rddreg [dreg:$0xa]  }
0x28: {  	s21 =	simm.s32 $0x0;
	s20 =	rddreg [dreg:$0x8];
	[sflag:s1] =	ssyncadd.s32 $0xFFFFFB00  }
.LBB2_10:
0x29: {  	s21 =	sadd.s32 $0x1, s21  }
0x2a: {  	p0 =	sne.s32 s21, $0xA  }
.Ltmp3:
0x2b: {  	_ = 	snop;
	(pc) =	sbr.rel @!p0 .LBB2_11-.Ltmp3, $2  }
0x2c: {  	_ =	sdelay $0x2  }
0x2d: {  	s20 =	sadd.s32 $0x80, s20;
	s19 =	sadd.s32 $0x80, s19  }
.LBB2_2:
0x2e: {  	s22 =	sshll.u32 s21, $0x1  }
0x2f: {  	p1 =	sge.u32 s22, s5  }
.Ltmp4:
0x30: {  	_ = 	snop;
	(pc) =	sbr.rel @p1 .LBB2_6-.Ltmp4, $2  }
0x31: {  	_ =	sdelay $0x2  }
0x32: {  	p0 =	seq.s32 s21, $0x0  }
0x33: {  	s0 =	sadd.s32 $0xFFFFFFFE, s20  }
0x34: {  	s1 =	sadd.s32 $0x3, s0  }
0x35: {  	v32 =	vmov s1  }
0x36: {  	s1 =	simm.s32 @!p0 $0x1  }
0x37: {  	_ =	swait.ge @!p0 [sflag:s1], $0x8000  }
0x38: {  	[sflag:s1] =	ssyncset.done @!p0 $0x0  }
0x39: {  	[sflag:s1] =	ssyncadd.s32 @!p0 $0xFFFF8000  }
0x3a: {  	v32 =	vld.idx.msk [tilespmem:v32+s13+$0x0], $0xffff;
	_ =	sdelay $0x3  }
0x3b: {  	s0 =	sadd.s32 $0x2, s0  }
0x3c: {  	v33 =	vmov s0;
	v38 =	vshll.u32 v32, $0x9  }
0x3d: {  	v33 =	vand.u32 $0xFFFFFFFE, v33;
	v32 =	vor.u32 v0, v38  }
0x3e: {  	v33 =	vbroadcast v33, $0x0;
	_ =	sdelay $0x3  }
0x3f: {  	v32 =	vld.idx.msk [tilespmem:v32+s3+$0x0], $0xffff  }
0x40: {  	s1 =	simm.s32 $0x0;
	v34 =	vor.u32 v1, v38  }
0x41: {  	s10 =	smov.u32 s15;
	s15 =	simm.s32 $0x80;
	s2 =	sand.u32 $0x7000, s1;
	v33 =	vld.idx.msk [tilespmem:v33+s13+$0x0], $0xffff  }
0x42: {  	s0 =	sand.u32 $0x380, s15;
	s2 =	sadd.s32 $0xC300, s2  }
0x43: {  	s7 =	sadd.s32 s0, s2  }
0x44: {  	[tilespmem:s7+$0x0] =	vst v32  }
0x45: {  	v32 =	vld.idx.msk [tilespmem:v34+s3+$0x0], $0xffff  }
0x46: {  	v47 =	vor.u32 v2, v38;
	v39 =	vshll.u32 v33, $0x9  }
0x47: {  	v33 =	vor.u32 v0, v39;
	_ =	sdelay $0x2  }
0x48: {  	[tilespmem:s7+$0x10] =	vst v32  }
0x49: {  	v32 =	vld.idx.msk [tilespmem:v47+s3+$0x0], $0xffff  }
0x4a: {  	v48 =	vor.u32 v3, v38;
	v33 =	vld.idx.msk [tilespmem:v33+s3+$0x0], $0xffff  }
0x4b: {  	v35 =	vor.u32 v1, v39  }
0x4c: {  	s16 =	simm.s32 $0x0  }
0x4d: {  	s0 =	sand.u32 $0x300, s16  }
0x4e: {  	s4 =	sadd.s32 s0, s2;
	[tilespmem:s7+$0x20] =	vst v32  }
0x4f: {  	[tilespmem:s4+$0x0] =	vst v33;
	v32 =	vld.idx.msk [tilespmem:v48+s3+$0x0], $0xffff  }
0x50: {  	v49 =	vor.u32 v4, v38;
	v51 =	vld.idx.msk [tilespmem:v35+s3+$0x0], $0xffff  }
0x51: {  	v52 =	vor.u32 v2, v39;
	_ =	sdelay $0x2  }
0x52: {  	[tilespmem:s7+$0x30] =	vst v32  }
0x53: {  	[tilespmem:s4+$0x10] =	vst v51;
	v32 =	vld.idx.msk [tilespmem:v49+s3+$0x0], $0xffff  }
0x54: {  	v50 =	vor.u32 v5, v38;
	v34 =	vld.idx.msk [tilespmem:v52+s3+$0x0], $0xffff  }
0x55: {  	v54 =	vor.u32 v3, v39;
	_ =	sdelay $0x2  }
0x56: {  	[tilespmem:s7+$0x40] =	vst v32  }
0x57: {  	[tilespmem:s4+$0x20] =	vst v34;
	v32 =	vld.idx.msk [tilespmem:v50+s3+$0x0], $0xffff  }
0x58: {  	v53 =	vor.u32 v6, v38;
	v34 =	vld.idx.msk [tilespmem:v54+s3+$0x0], $0xffff  }
0x59: {  	v56 =	vor.u32 v4, v39;
	_ =	sdelay $0x1  }
0x5a: {  	s17 =	sadd.s32 $0x0, s20  }
0x5b: {  	s18 =	sadd.s32 $0x3, s17;
	[tilespmem:s7+$0x50] =	vst v32  }
0x5c: {  	v57 =	vmov s18;
	[tilespmem:s4+$0x30] =	vst v34;
	v32 =	vld.idx.msk [tilespmem:v53+s3+$0x0], $0xffff  }
0x5d: {  	v55 =	vor.u32 v7, v38;
	v35 =	vld.idx.msk [tilespmem:v56+s3+$0x0], $0xffff  }
0x5e: {  	v36 =	vor.u32 v5, v39;
	_ =	sdelay $0x2  }
0x5f: {  	[tilespmem:s7+$0x60] =	vst v32;
	v32 =	vld.idx.msk [tilespmem:v57+s13+$0x0], $0xffff  }
0x60: {  	s0 =	sadd.s32 $0x2, s17;
	[tilespmem:s4+$0x40] =	vst v35;
	v33 =	vld.idx.msk [tilespmem:v55+s3+$0x0], $0xffff  }
0x61: {  	v37 =	vmov s0;
	v58 =	vor.u32 v8, v38;
	v35 =	vld.idx.msk [tilespmem:v36+s3+$0x0], $0xffff  }
0x62: {  	v37 =	vand.u32 $0xFFFFFFFE, v37;
	v60 =	vor.u32 v6, v39  }
0x63: {  	v37 =	vbroadcast v37, $0x0;
	_ =	sdelay $0x1  }
0x64: {  	v32 =	vshll.u32 v32, $0x9;
	[tilespmem:s7+$0x70] =	vst v33  }
0x65: {  	[tilespmem:s4+$0x50] =	vst v35;
	v40 =	vor.u32 v0, v32;
	v33 =	vld.idx.msk [tilespmem:v58+s3+$0x0], $0xffff  }
0x66: {  	v59 =	vor.u32 v9, v38;
	v36 =	vld.idx.msk [tilespmem:v60+s3+$0x0], $0xffff  }
0x67: {  	v41 =	vor.u32 v7, v39  }
0x68: {  	v37 =	vld.idx.msk [tilespmem:v37+s13+$0x0], $0xffff;
	_ =	sdelay $0x1  }
0x69: {  	v40 =	vld.idx.msk [tilespmem:v40+s3+$0x0], $0xffff;
	[tilespmem:s7+$0x400] =	vst v33  }
0x6a: {  	s23 =	simm.s32 $0x400;
	[tilespmem:s4+$0x60] =	vst v36;
	v62 =	vor.u32 v1, v32;
	v34 =	vld.idx.msk [tilespmem:v59+s3+$0x0], $0xffff  }
0x6b: {  	s24 =	simm.s32 $0x180;
	s0 =	sand.u32 $0x7000, s23;
	v61 =	vor.u32 v10, v38;
	v41 =	vld.idx.msk [tilespmem:v41+s3+$0x0], $0xffff  }
0x6c: {  	s25 =	sand.u32 $0x380, s24;
	s8 =	sadd.s32 $0xC300, s0;
	v42 =	vor.u32 v8, v39;
	v33 =	vshll.u32 v37, $0x9  }
0x6d: {  	s0 =	sadd.s32 s25, s8;
	v63 =	vor.u32 v0, v33  }
0x6e: {  	[tilespmem:s0+$0x0] =	vst v40  }
0x6f: {  	v37 =	vld.idx.msk [tilespmem:v62+s3+$0x0], $0xffff;
	[tilespmem:s7+$0x410] =	vst v34  }
0x70: {  	v46 =	vor.u32 v2, v32;
	[tilespmem:s4+$0x70] =	vst v41;
	v35 =	vld.idx.msk [tilespmem:v61+s3+$0x0], $0xffff  }
0x71: {  	v45 =	vor.u32 v11, v38;
	v42 =	vld.idx.msk [tilespmem:v42+s3+$0x0], $0xffff  }
0x72: {  	v43 =	vor.u32 v9, v39;
	v34 =	vld.idx.msk [tilespmem:v63+s3+$0x0], $0xffff  }
0x73: {  	v47 =	vor.u32 v1, v33  }
0x74: {  	s26 =	simm.s32 $0x100;
	[tilespmem:s0+$0x10] =	vst v37  }
0x75: {  	s2 =	sand.u32 $0x300, s26;
	v49 =	vld.idx.msk [tilespmem:v46+s3+$0x0], $0xffff;
	[tilespmem:s7+$0x420] =	vst v35  }
0x76: {  	s23 =	sadd.s32 s2, s8;
	v50 =	vor.u32 v3, v32;
	[tilespmem:s4+$0x400] =	vst v42;
	v36 =	vld.idx.msk [tilespmem:v45+s3+$0x0], $0xffff  }
0x77: {  	v48 =	vor.u32 v12, v38;
	v42 =	vld.idx.msk [tilespmem:v43+s3+$0x0], $0xffff;
	[tilespmem:s23+$0x0] =	vst v34  }
0x78: {  	v54 =	vor.u32 v10, v39;
	v35 =	vld.idx.msk [tilespmem:v47+s3+$0x0], $0xffff  }
0x79: {  	v51 =	vor.u32 v2, v33  }
0x7a: {  	[tilespmem:s0+$0x20] =	vst v49  }
0x7b: {  	v34 =	vld.idx.msk [tilespmem:v50+s3+$0x0], $0xffff;
	[tilespmem:s7+$0x430] =	vst v36  }
0x7c: {  	v55 =	vor.u32 v4, v32;
	[tilespmem:s4+$0x410] =	vst v42;
	v52 =	vld.idx.msk [tilespmem:v48+s3+$0x0], $0xffff  }
0x7d: {  	v53 =	vor.u32 v13, v38;
	v42 =	vld.idx.msk [tilespmem:v54+s3+$0x0], $0xffff;
	[tilespmem:s23+$0x10] =	vst v35  }
0x7e: {  	v58 =	vor.u32 v11, v39;
	v35 =	vld.idx.msk [tilespmem:v51+s3+$0x0], $0xffff  }
0x7f: {  	v56 =	vor.u32 v3, v33  }
0x80: {  	[tilespmem:s0+$0x30] =	vst v34  }
0x81: {  	v34 =	vld.idx.msk [tilespmem:v55+s3+$0x0], $0xffff;
	[tilespmem:s7+$0x440] =	vst v52  }
0x82: {  	v59 =	vor.u32 v5, v32;
	[tilespmem:s4+$0x420] =	vst v42;
	v40 =	vld.idx.msk [tilespmem:v53+s3+$0x0], $0xffff  }
0x83: {  	v57 =	vor.u32 v14, v38;
	v42 =	vld.idx.msk [tilespmem:v58+s3+$0x0], $0xffff;
	[tilespmem:s23+$0x20] =	vst v35  }
0x84: {  	v62 =	vor.u32 v12, v39;
	v35 =	vld.idx.msk [tilespmem:v56+s3+$0x0], $0xffff  }
0x85: {  	v60 =	vor.u32 v4, v33  }
0x86: {  	[tilespmem:s0+$0x40] =	vst v34  }
0x87: {  	v34 =	vld.idx.msk [tilespmem:v59+s3+$0x0], $0xffff;
	[tilespmem:s7+$0x450] =	vst v40  }
0x88: {  	v63 =	vor.u32 v6, v32;
	[tilespmem:s4+$0x430] =	vst v42;
	v40 =	vld.idx.msk [tilespmem:v57+s3+$0x0], $0xffff  }
0x89: {  	v61 =	vor.u32 v15, v38;
	v42 =	vld.idx.msk [tilespmem:v62+s3+$0x0], $0xffff;
	[tilespmem:s23+$0x30] =	vst v35  }
0x8a: {  	v47 =	vor.u32 v13, v39;
	v35 =	vld.idx.msk [tilespmem:v60+s3+$0x0], $0xffff  }
0x8b: {  	s8 =	sadd.s32 $0x2, s20;
	v45 =	vor.u32 v5, v33  }
0x8c: {  	s2 =	sadd.s32 $0x3, s8;
	[tilespmem:s0+$0x50] =	vst v34  }
0x8d: {  	v44 =	vmov s2;
	v34 =	vld.idx.msk [tilespmem:v63+s3+$0x0], $0xffff;
	[tilespmem:s7+$0x460] =	vst v40  }
0x8e: {  	v48 =	vor.u32 v7, v32;
	[tilespmem:s4+$0x440] =	vst v42;
	v40 =	vld.idx.msk [tilespmem:v61+s3+$0x0], $0xffff  }
0x8f: {  	s9 =	sadd.s32 $0x2, s8;
	v46 =	vor.u32 v16, v38;
	v43 =	vld.idx.msk [tilespmem:v47+s3+$0x0], $0xffff;
	[tilespmem:s23+$0x40] =	vst v35  }
0x90: {  	v51 =	vmov s9;
	v35 =	vld.idx.msk [tilespmem:v45+s3+$0x0], $0xffff;
	v45 =	vor.u32 v14, v39  }
0x91: {  	v49 =	vor.u32 v6, v33;
	v42 =	vand.u32 $0xFFFFFFFE, v51  }
0x92: {  	v52 =	vbroadcast v42, $0x0;
	v57 =	vld.idx.msk [tilespmem:v44+s13+$0x0], $0xffff;
	[tilespmem:s0+$0x60] =	vst v34  }
0x93: {  	v53 =	vld.idx.msk [tilespmem:v48+s3+$0x0], $0xffff;
	[tilespmem:s7+$0x470] =	vst v40  }
0x94: {  	v55 =	vor.u32 v8, v32;
	[tilespmem:s4+$0x450] =	vst v43;
	v40 =	vld.idx.msk [tilespmem:v46+s3+$0x0], $0xffff  }
0x95: {  	v50 =	vor.u32 v17, v38;
	[tilespmem:s23+$0x50] =	vst v35;
	v43 =	vld.idx.msk [tilespmem:v45+s3+$0x0], $0xffff  }
0x96: {  	v60 =	vor.u32 v15, v39;
	v54 =	vld.idx.msk [tilespmem:v49+s3+$0x0], $0xffff  }
0x97: {  	v56 =	vor.u32 v7, v33;
	v34 =	vshll.u32 v57, $0x9  }
0x98: {  	v59 =	vld.idx.msk [tilespmem:v52+s13+$0x0], $0xffff;
	v42 =	vor.u32 v0, v34;
	[tilespmem:s0+$0x70] =	vst v53  }
0x99: {  	v61 =	vld.idx.msk [tilespmem:v55+s3+$0x0], $0xffff;
	[tilespmem:s7+$0x800] =	vst v40  }
0x9a: {  	v63 =	vor.u32 v9, v32;
	[tilespmem:s4+$0x460] =	vst v43;
	v41 =	vld.idx.msk [tilespmem:v50+s3+$0x0], $0xffff  }
0x9b: {  	v58 =	vor.u32 v18, v38;
	[tilespmem:s23+$0x60] =	vst v54;
	v49 =	vld.idx.msk [tilespmem:v60+s3+$0x0], $0xffff  }
0x9c: {  	v51 =	vor.u32 v16, v39;
	v62 =	vld.idx.msk [tilespmem:v56+s3+$0x0], $0xffff  }
0x9d: {  	v46 =	vor.u32 v8, v33;
	v54 =	vld.idx.msk [tilespmem:v42+s3+$0x0], $0xffff  }
0x9e: {  	s11 =	simm.s32 $0x800;
	v35 =	vshll.u32 v59, $0x9;
	v56 =	vor.u32 v1, v34;
	[tilespmem:s0+$0x400] =	vst v61  }
0x9f: {  	s12 =	simm.s32 $0x280;
	s2 =	sand.u32 $0x7000, s11;
	v50 =	vor.u32 v0, v35;
	v40 =	vld.idx.msk [tilespmem:v63+s3+$0x0], $0xffff;
	[tilespmem:s7+$0x810] =	vst v41  }
0xa0: {  	s8 =	sand.u32 $0x380, s12;
	s2 =	sadd.s32 $0xC300, s2;
	v53 =	vor.u32 v10, v32;
	[tilespmem:s4+$0x470] =	vst v49;
	v41 =	vld.idx.msk [tilespmem:v58+s3+$0x0], $0xffff  }
0xa1: {  	s24 =	sadd.s32 s8, s2;
	v48 =	vor.u32 v19, v38;
	[tilespmem:s23+$0x70] =	vst v62;
	v37 =	vld.idx.msk [tilespmem:v51+s3+$0x0], $0xffff  }
0xa2: {  	[tilespmem:s24+$0x0] =	vst v54;
	v52 =	vld.idx.msk [tilespmem:v46+s3+$0x0], $0xffff  }
0xa3: {  	v47 =	vor.u32 v9, v33;
	v43 =	vld.idx.msk [tilespmem:v56+s3+$0x0], $0xffff  }
0xa4: {  	v63 =	vor.u32 v2, v34;
	v36 =	vld.idx.msk [tilespmem:v50+s3+$0x0], $0xffff;
	[tilespmem:s0+$0x410] =	vst v40  }
0xa5: {  	v58 =	vor.u32 v1, v35;
	v59 =	vld.idx.msk [tilespmem:v53+s3+$0x0], $0xffff;
	[tilespmem:s7+$0x820] =	vst v41  }
0xa6: {  	s9 =	simm.s32 $0x200;
	v60 =	vor.u32 v17, v39;
	[tilespmem:s4+$0x800] =	vst v37;
	v55 =	vld.idx.msk [tilespmem:v48+s3+$0x0], $0xffff  }
0xa7: {  	s14 =	sand.u32 $0x300, s9;
	v57 =	vor.u32 v20, v38;
	[tilespmem:s23+$0x400] =	vst v52  }
0xa8: {  	s25 =	sadd.s32 s14, s2;
	v61 =	vor.u32 v11, v32;
	[tilespmem:s24+$0x10] =	vst v43;
	v47 =	vld.idx.msk [tilespmem:v47+s3+$0x0], $0xffff  }
0xa9: {  	[tilespmem:s25+$0x0] =	vst v36;
	v42 =	vld.idx.msk [tilespmem:v63+s3+$0x0], $0xffff;
	v48 =	vor.u32 v10, v33  }
0xaa: {  	v52 =	vld.idx.msk [tilespmem:v58+s3+$0x0], $0xffff;
	[tilespmem:s0+$0x420] =	vst v59;
	v59 =	vor.u32 v3, v34  }
0xab: {  	v54 =	vld.idx.msk [tilespmem:v60+s3+$0x0], $0xffff;
	[tilespmem:s7+$0x830] =	vst v55;
	v55 =	vor.u32 v2, v35  }
0xac: {  	v56 =	vor.u32 v18, v39;
	v62 =	vld.idx.msk [tilespmem:v57+s3+$0x0], $0xffff  }
0xad: {  	v53 =	vor.u32 v21, v38;
	[tilespmem:s23+$0x410] =	vst v47;
	v41 =	vld.idx.msk [tilespmem:v61+s3+$0x0], $0xffff  }
0xae: {  	[tilespmem:s24+$0x20] =	vst v42;
	v47 =	vld.idx.msk [tilespmem:v48+s3+$0x0], $0xffff;
	v57 =	vor.u32 v12, v32  }
0xaf: {  	v58 =	vor.u32 v11, v33;
	[tilespmem:s25+$0x10] =	vst v52;
	v37 =	vld.idx.msk [tilespmem:v59+s3+$0x0], $0xffff  }
0xb0: {  	[tilespmem:s4+$0x810] =	vst v54;
	v60 =	vld.idx.msk [tilespmem:v55+s3+$0x0], $0xffff;
	v55 =	vor.u32 v4, v34  }
0xb1: {  	v63 =	vor.u32 v3, v35;
	[tilespmem:s7+$0x840] =	vst v62;
	v62 =	vld.idx.msk [tilespmem:v56+s3+$0x0], $0xffff  }
0xb2: {  	v52 =	vor.u32 v19, v39;
	[tilespmem:s0+$0x430] =	vst v41;
	v36 =	vld.idx.msk [tilespmem:v53+s3+$0x0], $0xffff  }
0xb3: {  	v61 =	vor.u32 v22, v38;
	[tilespmem:s23+$0x420] =	vst v47;
	v43 =	vld.idx.msk [tilespmem:v57+s3+$0x0], $0xffff  }
0xb4: {  	v47 =	vld.idx.msk [tilespmem:v58+s3+$0x0], $0xffff;
	v53 =	vor.u32 v13, v32;
	[tilespmem:s24+$0x30] =	vst v37  }
0xb5: {  	v54 =	vor.u32 v12, v33;
	[tilespmem:s25+$0x20] =	vst v60;
	v40 =	vld.idx.msk [tilespmem:v55+s3+$0x0], $0xffff  }
0xb6: {  	v56 =	vld.idx.msk [tilespmem:v63+s3+$0x0], $0xffff;
	[tilespmem:s4+$0x820] =	vst v62;
	v63 =	vor.u32 v5, v34  }
0xb7: {  	v59 =	vor.u32 v4, v35;
	[tilespmem:s7+$0x850] =	vst v36;
	v58 =	vld.idx.msk [tilespmem:v52+s3+$0x0], $0xffff  }
0xb8: {  	v60 =	vor.u32 v20, v39;
	[tilespmem:s0+$0x440] =	vst v43;
	v36 =	vld.idx.msk [tilespmem:v61+s3+$0x0], $0xffff  }
0xb9: {  	v57 =	vor.u32 v23, v38;
	[tilespmem:s23+$0x430] =	vst v47;
	v42 =	vld.idx.msk [tilespmem:v53+s3+$0x0], $0xffff  }
0xba: {  	v47 =	vld.idx.msk [tilespmem:v54+s3+$0x0], $0xffff;
	v61 =	vor.u32 v14, v32;
	[tilespmem:s24+$0x40] =	vst v40  }
0xbb: {  	v62 =	vor.u32 v13, v33;
	[tilespmem:s25+$0x30] =	vst v56;
	v41 =	vld.idx.msk [tilespmem:v63+s3+$0x0], $0xffff  }
0xbc: {  	v44 =	vld.idx.msk [tilespmem:v59+s3+$0x0], $0xffff;
	[tilespmem:s4+$0x830] =	vst v58;
	v58 =	vor.u32 v6, v34  }
0xbd: {  	v54 =	vor.u32 v5, v35;
	[tilespmem:s7+$0x860] =	vst v36;
	v53 =	vld.idx.msk [tilespmem:v60+s3+$0x0], $0xffff  }
0xbe: {  	v55 =	vor.u32 v21, v39;
	[tilespmem:s0+$0x450] =	vst v42;
	v36 =	vld.idx.msk [tilespmem:v57+s3+$0x0], $0xffff  }
0xbf: {  	v52 =	vor.u32 v24, v38;
	[tilespmem:s23+$0x440] =	vst v47;
	v37 =	vld.idx.msk [tilespmem:v61+s3+$0x0], $0xffff  }
0xc0: {  	v56 =	vor.u32 v15, v32;
	v47 =	vld.idx.msk [tilespmem:v62+s3+$0x0], $0xffff;
	[tilespmem:s24+$0x50] =	vst v41  }
0xc1: {  	v57 =	vor.u32 v14, v33;
	[tilespmem:s25+$0x40] =	vst v44;
	v43 =	vld.idx.msk [tilespmem:v58+s3+$0x0], $0xffff  }
0xc2: {  	v44 =	vld.idx.msk [tilespmem:v54+s3+$0x0], $0xffff;
	[tilespmem:s4+$0x840] =	vst v53;
	v53 =	vor.u32 v7, v34  }
0xc3: {  	v61 =	vor.u32 v6, v35;
	[tilespmem:s7+$0x870] =	vst v36;
	v60 =	vld.idx.msk [tilespmem:v55+s3+$0x0], $0xffff  }
0xc4: {  	v62 =	vor.u32 v22, v39;
	[tilespmem:s0+$0x460] =	vst v37;
	v36 =	vld.idx.msk [tilespmem:v52+s3+$0x0], $0xffff  }
0xc5: {  	s15 =	sand.u32 $0x7, s1;
	v59 =	vor.u32 v25, v38;
	[tilespmem:s23+$0x450] =	vst v47;
	v40 =	vld.idx.msk [tilespmem:v56+s3+$0x0], $0xffff  }
0xc6: {  	s2 =	sshll.u32 s15, $0x7;
	v63 =	vor.u32 v16, v32;
	v47 =	vld.idx.msk [tilespmem:v57+s3+$0x0], $0xffff;
	[tilespmem:s24+$0x60] =	vst v43  }
0xc7: {  	s14 =	sadd.s32 $0x80, s2;
	[tilespmem:s25+$0x50] =	vst v44;
	v42 =	vld.idx.msk [tilespmem:v53+s3+$0x0], $0xffff  }
0xc8: {  	s2 =	sor.u32 $0xC00, s14;
	v52 =	vor.u32 v15, v33;
	v44 =	vld.idx.msk [tilespmem:v61+s3+$0x0], $0xffff;
	[tilespmem:s4+$0x850] =	vst v60  }
0xc9: {  	v56 =	vor.u32 v7, v35;
	[tilespmem:s2+$0xC300] =	vst v36;
	v55 =	vld.idx.msk [tilespmem:v62+s3+$0x0], $0xffff  }
0xca: {  	[tilespmem:s0+$0x470] =	vst v40;
	v61 =	vor.u32 v8, v34;
	v36 =	vld.idx.msk [tilespmem:v59+s3+$0x0], $0xffff  }
0xcb: {  	s16 =	sadd.s32 $0x4, s20;
	v57 =	vor.u32 v23, v39;
	[tilespmem:s23+$0x460] =	vst v47;
	v41 =	vld.idx.msk [tilespmem:v63+s3+$0x0], $0xffff  }
0xcc: {  	s17 =	sadd.s32 $0x2, s16;
	v58 =	vor.u32 v17, v32;
	s2 =	sadd.s32 $0x3, s16;
	[tilespmem:s24+$0x70] =	vst v42  }
0xcd: {  	v47 =	vld.idx.msk [tilespmem:v52+s3+$0x0], $0xffff;
	v59 =	vmov s17;
	v49 =	vmov s2;
	[tilespmem:s25+$0x60] =	vst v44  }
0xce: {  	s18 =	sor.u32 $0xC10, s14;
	v54 =	vor.u32 v26, v38;
	v60 =	vand.u32 $0xFFFFFFFE, v59;
	v45 =	vld.idx.msk [tilespmem:v56+s3+$0x0], $0xffff;
	[tilespmem:s4+$0x860] =	vst v55  }
0xcf: {  	v62 =	vor.u32 v8, v35;
	v44 =	vld.idx.msk [tilespmem:v61+s3+$0x0], $0xffff;
	[tilespmem:s18+$0xC300] =	vst v36;
	v36 =	vbroadcast v60, $0x0  }
0xd0: {  	[tilespmem:s0+$0x800] =	vst v41;
	v40 =	vld.idx.msk [tilespmem:v57+s3+$0x0], $0xffff  }
0xd1: {  	v63 =	vor.u32 v24, v39;
	v43 =	vld.idx.msk [tilespmem:v58+s3+$0x0], $0xffff  }
0xd2: {  	v55 =	vor.u32 v9, v34;
	v52 =	vld.idx.msk [tilespmem:v49+s13+$0x0], $0xffff  }
0xd3: {  	v56 =	vor.u32 v16, v33;
	v37 =	vld.idx.msk [tilespmem:v54+s3+$0x0], $0xffff;
	[tilespmem:s25+$0x70] =	vst v45  }
0xd4: {  	v53 =	vor.u32 v18, v32;
	v41 =	vld.idx.msk [tilespmem:v62+s3+$0x0], $0xffff  }
0xd5: {  	v54 =	vor.u32 v27, v38;
	[tilespmem:s4+$0x870] =	vst v40;
	v50 =	vld.idx.msk [tilespmem:v36+s13+$0x0], $0xffff  }
0xd6: {  	v58 =	vor.u32 v9, v35;
	[tilespmem:s24+$0x400] =	vst v44;
	v57 =	vld.idx.msk [tilespmem:v63+s3+$0x0], $0xffff  }
0xd7: {  	s1 =	sand.u32 $0x3, s1;
	v59 =	vor.u32 v25, v39;
	[tilespmem:s23+$0x470] =	vst v47;
	v45 =	vld.idx.msk [tilespmem:v55+s3+$0x0], $0xffff;
	v36 =	vshll.u32 v52, $0x9  }
0xd8: {  	s1 =	sshll.u32 s1, $0x8;
	s26 =	sor.u32 $0xC20, s14;
	[tilespmem:s0+$0x810] =	vst v43;
	v40 =	vld.idx.msk [tilespmem:v56+s3+$0x0], $0xffff;
	v51 =	vor.u32 v0, v36  }
0xd9: {  	s17 =	sadd.s32 $0x0, s1;
	[tilespmem:s26+$0xC300] =	vst v37;
	v42 =	vld.idx.msk [tilespmem:v53+s3+$0x0], $0xffff;
	v63 =	vor.u32 v10, v34  }
0xda: {  	s1 =	sor.u32 $0xC00, s17;
	v61 =	vor.u32 v19, v32;
	v60 =	vld.idx.msk [tilespmem:v54+s3+$0x0], $0xffff;
	[tilespmem:s25+$0x400] =	vst v41;
	v37 =	vshll.u32 v50, $0x9  }
0xdb: {  	v41 =	vld.idx.msk [tilespmem:v58+s3+$0x0], $0xffff;
	[tilespmem:s1+$0xC300] =	vst v57;
	v62 =	vor.u32 v0, v37  }
0xdc: {  	v54 =	vor.u32 v28, v38;
	v43 =	vld.idx.msk [tilespmem:v59+s3+$0x0], $0xffff  }
0xdd: {  	v56 =	vor.u32 v10, v35;
	[tilespmem:s24+$0x410] =	vst v45;
	v55 =	vld.idx.msk [tilespmem:v51+s3+$0x0], $0xffff  }
0xde: {  	s31 =	simm.s32 $0xC00;
	s4 =	sor.u32 $0xC30, s14;
	[tilespmem:s0+$0x820] =	vst v42;
	v57 =	vor.u32 v26, v39;
	v45 =	vld.idx.msk [tilespmem:v63+s3+$0x0], $0xffff  }
0xdf: {  	s8 =	simm.s32 $0x380;
	s7 =	sand.u32 $0x7000, s31;
	v47 =	vld.idx.msk [tilespmem:v61+s3+$0x0], $0xffff;
	[tilespmem:s4+$0xC300] =	vst v60;
	v59 =	vor.u32 v1, v36  }
0xe0: {  	s9 =	sand.u32 $0x380, s8;
	s11 =	sor.u32 $0xC10, s17;
	s1 =	sadd.s32 $0xC300, s7;
	v60 =	vor.u32 v20, v32;
	[tilespmem:s25+$0x410] =	vst v41;
	v58 =	vld.idx.msk [tilespmem:v62+s3+$0x0], $0xffff  }
0xe1: {  	s30 =	sadd.s32 s9, s1;
	v62 =	vld.idx.msk [tilespmem:v54+s3+$0x0], $0xffff;
	v54 =	vor.u32 v17, v33;
	[tilespmem:s11+$0xC300] =	vst v43  }
0xe2: {  	v63 =	vld.idx.msk [tilespmem:v56+s3+$0x0], $0xffff;
	[tilespmem:s30+$0x0] =	vst v55;
	v55 =	vor.u32 v11, v34  }
0xe3: {  	s12 =	simm.s32 $0x300;
	[tilespmem:s23+$0x800] =	vst v40;
	v61 =	vor.u32 v1, v37;
	v43 =	vld.idx.msk [tilespmem:v57+s3+$0x0], $0xffff  }
0xe4: {  	s15 =	sand.u32 $0x300, s12;
	v56 =	vor.u32 v11, v35;
	[tilespmem:s0+$0x830] =	vst v47;
	v49 =	vld.idx.msk [tilespmem:v59+s3+$0x0], $0xffff  }
0xe5: {  	s1 =	sadd.s32 s15, s1;
	[tilespmem:s24+$0x420] =	vst v45;
	v40 =	vld.idx.msk [tilespmem:v60+s3+$0x0], $0xffff;
	v57 =	vor.u32 v27, v39  }
0xe6: {  	s16 =	sor.u32 $0xC40, s14;
	v60 =	vor.u32 v21, v32;
	[tilespmem:s1+$0x0] =	vst v58;
	v59 =	vld.idx.msk [tilespmem:v54+s3+$0x0], $0xffff  }
0xe7: {  	v58 =	vor.u32 v2, v36;
	[tilespmem:s16+$0xC300] =	vst v62;
	v42 =	vld.idx.msk [tilespmem:v55+s3+$0x0], $0xffff  }
0xe8: {  	s18 =	sor.u32 $0xC20, s17;
	[tilespmem:s25+$0x420] =	vst v63;
	v62 =	vor.u32 v18, v33;
	v46 =	vld.idx.msk [tilespmem:v61+s3+$0x0], $0xffff  }
0xe9: {  	v63 =	vor.u32 v12, v34;
	v48 =	vld.idx.msk [tilespmem:v56+s3+$0x0], $0xffff;
	[tilespmem:s18+$0xC300] =	vst v43  }
0xea: {  	v61 =	vor.u32 v2, v37;
	[tilespmem:s0+$0x840] =	vst v40;
	v44 =	vld.idx.msk [tilespmem:v57+s3+$0x0], $0xffff  }
0xeb: {  	v54 =	vor.u32 v12, v35;
	[tilespmem:s30+$0x10] =	vst v49;
	v40 =	vld.idx.msk [tilespmem:v60+s3+$0x0], $0xffff  }
0xec: {  	v55 =	vor.u32 v28, v39;
	v47 =	vld.idx.msk [tilespmem:v58+s3+$0x0], $0xffff;
	[tilespmem:s23+$0x810] =	vst v59  }
0xed: {  	[tilespmem:s24+$0x430] =	vst v42;
	v58 =	vor.u32 v22, v32;
	v57 =	vld.idx.msk [tilespmem:v62+s3+$0x0], $0xffff  }
0xee: {  	v56 =	vor.u32 v3, v36;
	[tilespmem:s1+$0x10] =	vst v46;
	v43 =	vld.idx.msk [tilespmem:v63+s3+$0x0], $0xffff  }
0xef: {  	s26 =	sor.u32 $0xC30, s17;
	v60 =	vor.u32 v19, v33;
	[tilespmem:s25+$0x430] =	vst v48;
	v41 =	vld.idx.msk [tilespmem:v61+s3+$0x0], $0xffff  }
0xf0: {  	v48 =	vld.idx.msk [tilespmem:v54+s3+$0x0], $0xffff;
	[tilespmem:s26+$0xC300] =	vst v44;
	v61 =	vor.u32 v13, v34  }
0xf1: {  	v59 =	vor.u32 v3, v37;
	[tilespmem:s0+$0x850] =	vst v40;
	v46 =	vld.idx.msk [tilespmem:v55+s3+$0x0], $0xffff  }
0xf2: {  	v62 =	vor.u32 v13, v35;
	[tilespmem:s30+$0x20] =	vst v47;
	v40 =	vld.idx.msk [tilespmem:v58+s3+$0x0], $0xffff  }
0xf3: {  	v63 =	vor.u32 v29, v39;
	v47 =	vld.idx.msk [tilespmem:v56+s3+$0x0], $0xffff;
	[tilespmem:s23+$0x820] =	vst v57  }
0xf4: {  	[tilespmem:s24+$0x440] =	vst v43;
	v56 =	vor.u32 v23, v32;
	v42 =	vld.idx.msk [tilespmem:v60+s3+$0x0], $0xffff  }
0xf5: {  	v55 =	vor.u32 v4, v36;
	[tilespmem:s1+$0x20] =	vst v41;
	v44 =	vld.idx.msk [tilespmem:v61+s3+$0x0], $0xffff  }
0xf6: {  	s4 =	sor.u32 $0xC40, s17;
	v58 =	vor.u32 v20, v33;
	[tilespmem:s25+$0x440] =	vst v48;
	v54 =	vld.idx.msk [tilespmem:v59+s3+$0x0], $0xffff  }
0xf7: {  	v48 =	vld.idx.msk [tilespmem:v62+s3+$0x0], $0xffff;
	[tilespmem:s4+$0xC300] =	vst v46;
	v59 =	vor.u32 v14, v34  }
0xf8: {  	v57 =	vor.u32 v4, v37;
	v41 =	vld.idx.msk [tilespmem:v63+s3+$0x0], $0xffff;
	[tilespmem:s0+$0x860] =	vst v40  }
0xf9: {  	v60 =	vor.u32 v14, v35;
	[tilespmem:s30+$0x30] =	vst v47;
	v40 =	vld.idx.msk [tilespmem:v56+s3+$0x0], $0xffff  }
0xfa: {  	v61 =	vor.u32 v30, v39;
	v47 =	vld.idx.msk [tilespmem:v55+s3+$0x0], $0xffff;
	[tilespmem:s23+$0x830] =	vst v42  }
0xfb: {  	v63 =	vor.u32 v24, v32;
	[tilespmem:s24+$0x450] =	vst v44;
	v42 =	vld.idx.msk [tilespmem:v58+s3+$0x0], $0xffff  }
0xfc: {  	v62 =	vor.u32 v5, v36;
	[tilespmem:s1+$0x30] =	vst v54;
	v46 =	vld.idx.msk [tilespmem:v59+s3+$0x0], $0xffff  }
0xfd: {  	s7 =	sor.u32 $0xC50, s17;
	v55 =	vor.u32 v21, v33;
	[tilespmem:s25+$0x450] =	vst v48;
	v45 =	vld.idx.msk [tilespmem:v57+s3+$0x0], $0xffff  }
0xfe: {  	v56 =	vor.u32 v15, v34;
	v48 =	vld.idx.msk [tilespmem:v60+s3+$0x0], $0xffff;
	[tilespmem:s7+$0xC300] =	vst v41  }
0xff: {  	v54 =	vor.u32 v5, v37;
	v43 =	vld.idx.msk [tilespmem:v61+s3+$0x0], $0xffff;
	[tilespmem:s0+$0x870] =	vst v40  }
0x100: {  	v57 =	vor.u32 v15, v35;
	[tilespmem:s30+$0x40] =	vst v47;
	v40 =	vld.idx.msk [tilespmem:v63+s3+$0x0], $0xffff  }
0x101: {  	v39 =	vor.u32 v31, v39;
	s4 =	simm.s32 $0x2;
	v47 =	vld.idx.msk [tilespmem:v62+s3+$0x0], $0xffff;
	[tilespmem:s23+$0x840] =	vst v42  }
0x102: {  	s9 =	sand.u32 $0x7, s4;
	v61 =	vor.u32 v25, v32;
	[tilespmem:s24+$0x460] =	vst v46;
	v60 =	vld.idx.msk [tilespmem:v55+s3+$0x0], $0xffff  }
0x103: {  	v59 =	vor.u32 v6, v36;
	s0 =	sshll.u32 s9, $0x7;
	[tilespmem:s1+$0x40] =	vst v45;
	v63 =	vld.idx.msk [tilespmem:v56+s3+$0x0], $0xffff  }
0x104: {  	v52 =	vor.u32 v22, v33;
	s11 =	sor.u32 $0xC60, s17;
	s9 =	sadd.s32 $0x480, s0;
	[tilespmem:s25+$0x460] =	vst v48;
	v58 =	vld.idx.msk [tilespmem:v54+s3+$0x0], $0xffff  }
0x105: {  	s12 =	simm.s32 $0x1;
	s16 =	simm.s32 $0x2;
	v62 =	vor.u32 v6, v37;
	s18 =	sor.u32 $0xC00, s9;
	v53 =	vld.idx.msk [tilespmem:v57+s3+$0x0], $0xffff;
	[tilespmem:s11+$0xC300] =	vst v43  }
0x106: {  	s15 =	sand.u32 $0x3, s12;
	s2 =	sand.u32 $0x3, s16;
	v54 =	vor.u32 v16, v34;
	v45 =	vld.idx.msk [tilespmem:v39+s3+$0x0], $0xffff;
	[tilespmem:s18+$0xC300] =	vst v40  }
0x107: {  	s16 =	simm.s32 $0x6;
	s12 =	sshll.u32 s2, $0x8;
	s2 =	sor.u32 $0xC70, s17;
	v46 =	vor.u32 v29, v38;
	[tilespmem:s30+$0x50] =	vst v47;
	v44 =	vld.idx.msk [tilespmem:v61+s3+$0x0], $0xffff  }
0x108: {  	v51 =	vor.u32 v7, v36;
	s17 =	sor.u32 $0xC70, s14;
	s29 =	sadd.s32 $0x800, s12;
	v41 =	vor.u32 v23, v37;
	s11 =	simm.s32 $0x3;
	v49 =	vld.idx.msk [tilespmem:v59+s3+$0x0], $0xffff;
	[tilespmem:s23+$0x850] =	vst v60  }
0x109: {  	s12 =	sor.u32 $0xC60, s14;
	s0 =	sshll.u32 s15, $0x8;
	v42 =	vor.u32 v31, v38;
	v43 =	vor.u32 v30, v38;
	s15 =	sand.u32 $0x3, s11;
	[tilespmem:s1+$0x50] =	vst v58;
	v47 =	vld.idx.msk [tilespmem:v52+s3+$0x0], $0xffff  }
0x10a: {  	s26 =	sadd.s32 s6, s22;
	s7 =	simm.s32 $0x480;
	v38 =	vor.u32 v26, v32;
	v39 =	vor.u32 v23, v33;
	s18 =	sshll.u32 s15, $0x8;
	[tilespmem:s24+$0x470] =	vst v63;
	v50 =	vld.idx.msk [tilespmem:v62+s3+$0x0], $0xffff  }
0x10b: {  	s28 =	sadd.s32 $0x400, s0;
	v40 =	vor.u32 v23, v35;
	s15 =	sor.u32 $0xC50, s14;
	s0 =	sadd.s32 $0xC00, s18;
	v52 =	vor.u32 v7, v37;
	[tilespmem:s25+$0x470] =	vst v53;
	v48 =	vld.idx.msk [tilespmem:v54+s3+$0x0], $0xffff  }
.LBB2_4:
0x10c: {  	s14 =	sadd.s32 s16, s20;
	s16 =	sadd.s32 $0x2, s16;
	[tilespmem:s2+$0xC300] =	vst v45;
	v45 =	vld.idx.msk [tilespmem:v46+s3+$0x0], $0xffff;
	s18 =	smov.u32 s29  }
0x10d: {  	v46 =	vor.u32 v17, v34;
	s29 =	sor.u32 $0xC10, s9;
	s2 =	sadd.s32 $0x2, s14;
	s14 =	sadd.s32 $0x3, s14;
	[tilespmem:s30+$0x60] =	vst v49  }
0x10e: {  	p1 =	slt.u32 s16, $0x3E;
	v49 =	vmov s2;
	v53 =	vmov s14;
	v51 =	vld.idx.msk [tilespmem:v51+s3+$0x0], $0xffff;
	[tilespmem:s29+$0xC300] =	vst v44;
	s29 =	smov.u32 s0;
	s14 =	smov.u32 s9  }
0x10f: {  	v44 =	vand.u32 $0xFFFFFFFE, v49;
	[tilespmem:s1+$0x60] =	vst v50;
	v38 =	vld.idx.msk [tilespmem:v38+s3+$0x0], $0xffff  }
0x110: {  	v50 =	vor.u32 v8, v36;
	v44 =	vbroadcast v44, $0x0;
	v49 =	vld.idx.msk [tilespmem:v52+s3+$0x0], $0xffff;
	[tilespmem:s23+$0x860] =	vst v47  }
0x111: {  	[tilespmem:s24+$0x800] =	vst v48;
	v47 =	vld.idx.msk [tilespmem:v39+s3+$0x0], $0xffff;
	v39 =	vmov v40;
	v40 =	vmov v41  }
0x112: {  	v41 =	vor.u32 v8, v37;
	v46 =	vld.idx.msk [tilespmem:v46+s3+$0x0], $0xffff;
	[tilespmem:s15+$0xC300] =	vst v45  }
0x113: {  	v45 =	vor.u32 v24, v33;
	v43 =	vld.idx.msk [tilespmem:v43+s3+$0x0], $0xffff  }
0x114: {  	s0 =	sor.u32 $0xC20, s14;
	v48 =	vld.idx.msk [tilespmem:v53+s13+$0x0], $0xffff;
	[tilespmem:s30+$0x70] =	vst v51;
	v51 =	vor.u32 v18, v34  }
0x115: {  	v50 =	vld.idx.msk [tilespmem:v50+s3+$0x0], $0xffff;
	[tilespmem:s0+$0xC300] =	vst v38  }
0x116: {  	v44 =	vld.idx.msk [tilespmem:v44+s13+$0x0], $0xffff;
	[tilespmem:s1+$0x70] =	vst v49;
	v49 =	vor.u32 v27, v32  }
0x117: {  	v52 =	vld.idx.msk [tilespmem:v41+s3+$0x0], $0xffff;
	v41 =	vor.u32 v9, v36;
	[tilespmem:s23+$0x870] =	vst v47;
	s23 =	smov.u32 s25;
	s25 =	smov.u32 s1  }
0x118: {  	v47 =	vor.u32 v16, v35;
	[tilespmem:s24+$0x810] =	vst v46;
	v45 =	vld.idx.msk [tilespmem:v45+s3+$0x0], $0xffff  }
0x119: {  	v46 =	vor.u32 v9, v37;
	v51 =	vld.idx.msk [tilespmem:v51+s3+$0x0], $0xffff;
	[tilespmem:s12+$0xC300] =	vst v43  }
0x11a: {  	v38 =	vshll.u32 v48, $0x9;
	v43 =	vor.u32 v25, v33;
	v42 =	vld.idx.msk [tilespmem:v42+s3+$0x0], $0xffff  }
0x11b: {  	v48 =	vor.u32 v0, v38;
	[tilespmem:s30+$0x400] =	vst v50;
	v49 =	vld.idx.msk [tilespmem:v49+s3+$0x0], $0xffff  }
0x11c: {  	v53 =	vor.u32 v19, v34;
	v44 =	vshll.u32 v44, $0x9;
	v50 =	vld.idx.msk [tilespmem:v41+s3+$0x0], $0xffff  }
0x11d: {  	s0 =	sor.u32 $0xC00, s28;
	v54 =	vor.u32 v0, v44;
	v41 =	vor.u32 v23, v44;
	[tilespmem:s25+$0x400] =	vst v52;
	v47 =	vld.idx.msk [tilespmem:v47+s3+$0x0], $0xffff  }
0x11e: {  	v52 =	vor.u32 v10, v36;
	v46 =	vld.idx.msk [tilespmem:v46+s3+$0x0], $0xffff;
	[tilespmem:s0+$0xC300] =	vst v45  }
0x11f: {  	v45 =	vor.u32 v28, v32;
	[tilespmem:s24+$0x820] =	vst v51;
	v43 =	vld.idx.msk [tilespmem:v43+s3+$0x0], $0xffff  }
0x120: {  	s11 =	sadd.s32 $0x1, s11;
	s0 =	sor.u32 $0xC30, s14;
	v51 =	vor.u32 v10, v37;
	v48 =	vld.idx.msk [tilespmem:v48+s3+$0x0], $0xffff;
	[tilespmem:s17+$0xC300] =	vst v42  }
0x121: {  	s1 =	sand.u32 $0x3, s11;
	v42 =	vld.idx.msk [tilespmem:v53+s3+$0x0], $0xffff;
	v53 =	vor.u32 v26, v33;
	[tilespmem:s0+$0xC300] =	vst v49  }
0x122: {  	s31 =	sadd.s32 $0x400, s31;
	s0 =	sshll.u32 s1, $0x8;
	v49 =	vld.idx.msk [tilespmem:v54+s3+$0x0], $0xffff;
	v54 =	vor.u32 v1, v38;
	[tilespmem:s30+$0x410] =	vst v50  }
0x123: {  	s8 =	sadd.s32 $0x100, s8;
	s1 =	sand.u32 $0x7000, s31;
	s0 =	sadd.s32 s0, s31;
	v50 =	vld.idx.msk [tilespmem:v52+s3+$0x0], $0xffff;
	[tilespmem:s23+$0x800] =	vst v47;
	v47 =	vor.u32 v20, v34  }
0x124: {  	s2 =	sand.u32 $0x380, s8;
	s9 =	sor.u32 $0xC10, s28;
	s1 =	sadd.s32 $0xC300, s1;
	v52 =	vor.u32 v1, v44;
	[tilespmem:s25+$0x410] =	vst v46;
	v45 =	vld.idx.msk [tilespmem:v45+s3+$0x0], $0xffff  }
0x125: {  	s12 =	sadd.s32 $0xFFFFFF80, s8;
	s2 =	sadd.s32 s2, s1;
	v46 =	vld.idx.msk [tilespmem:v51+s3+$0x0], $0xffff;
	v51 =	vor.u32 v17, v35;
	[tilespmem:s9+$0xC300] =	vst v43  }
0x126: {  	s9 =	sand.u32 $0x300, s12;
	v43 =	vor.u32 v11, v36;
	[tilespmem:s2+$0x0] =	vst v48;
	v48 =	vld.idx.msk [tilespmem:v53+s3+$0x0], $0xffff  }
0x127: {  	s1 =	sadd.s32 s9, s1;
	v53 =	vld.idx.msk [tilespmem:v54+s3+$0x0], $0xffff;
	v54 =	vor.u32 v11, v37;
	[tilespmem:s24+$0x830] =	vst v42  }
0x128: {  	[tilespmem:s1+$0x0] =	vst v49;
	v42 =	vld.idx.msk [tilespmem:v47+s3+$0x0], $0xffff;
	v47 =	vor.u32 v27, v33  }
0x129: {  	s9 =	sor.u32 $0xC40, s14;
	v49 =	vld.idx.msk [tilespmem:v52+s3+$0x0], $0xffff;
	v52 =	vor.u32 v2, v38;
	[tilespmem:s30+$0x420] =	vst v50  }
0x12a: {  	v50 =	vld.idx.msk [tilespmem:v51+s3+$0x0], $0xffff;
	v51 =	vor.u32 v21, v34;
	[tilespmem:s9+$0xC300] =	vst v45  }
0x12b: {  	v45 =	vor.u32 v2, v44;
	s9 =	sor.u32 $0xC20, s28;
	[tilespmem:s25+$0x420] =	vst v46;
	v43 =	vld.idx.msk [tilespmem:v43+s3+$0x0], $0xffff  }
0x12c: {  	v46 =	vld.idx.msk [tilespmem:v54+s3+$0x0], $0xffff;
	v54 =	vor.u32 v18, v35;
	[tilespmem:s9+$0xC300] =	vst v48  }
0x12d: {  	v48 =	vor.u32 v12, v36;
	[tilespmem:s2+$0x10] =	vst v53;
	v47 =	vld.idx.msk [tilespmem:v47+s3+$0x0], $0xffff  }
0x12e: {  	v53 =	vor.u32 v12, v37;
	v52 =	vld.idx.msk [tilespmem:v52+s3+$0x0], $0xffff;
	[tilespmem:s24+$0x840] =	vst v42  }
0x12f: {  	[tilespmem:s1+$0x10] =	vst v49;
	v42 =	vld.idx.msk [tilespmem:v51+s3+$0x0], $0xffff;
	v49 =	vor.u32 v28, v33  }
0x130: {  	v51 =	vor.u32 v3, v38;
	v45 =	vld.idx.msk [tilespmem:v45+s3+$0x0], $0xffff;
	[tilespmem:s23+$0x810] =	vst v50  }
0x131: {  	v50 =	vor.u32 v22, v34;
	[tilespmem:s30+$0x430] =	vst v43;
	v43 =	vld.idx.msk [tilespmem:v54+s3+$0x0], $0xffff  }
0x132: {  	s9 =	sor.u32 $0xC30, s28;
	v54 =	vor.u32 v3, v44;
	[tilespmem:s25+$0x430] =	vst v46;
	v46 =	vld.idx.msk [tilespmem:v48+s3+$0x0], $0xffff  }
0x133: {  	v48 =	vld.idx.msk [tilespmem:v53+s3+$0x0], $0xffff;
	v53 =	vor.u32 v19, v35;
	[tilespmem:s9+$0xC300] =	vst v47  }
0x134: {  	v47 =	vor.u32 v13, v36;
	[tilespmem:s2+$0x20] =	vst v52;
	v49 =	vld.idx.msk [tilespmem:v49+s3+$0x0], $0xffff  }
0x135: {  	v52 =	vor.u32 v13, v37;
	v51 =	vld.idx.msk [tilespmem:v51+s3+$0x0], $0xffff;
	[tilespmem:s24+$0x850] =	vst v42  }
0x136: {  	[tilespmem:s1+$0x20] =	vst v45;
	v42 =	vld.idx.msk [tilespmem:v50+s3+$0x0], $0xffff;
	v45 =	vor.u32 v29, v33  }
0x137: {  	v50 =	vld.idx.msk [tilespmem:v54+s3+$0x0], $0xffff;
	v54 =	vor.u32 v4, v38;
	[tilespmem:s23+$0x820] =	vst v43  }
0x138: {  	v43 =	vor.u32 v23, v34;
	[tilespmem:s30+$0x440] =	vst v46;
	v46 =	vld.idx.msk [tilespmem:v53+s3+$0x0], $0xffff  }
0x139: {  	s9 =	sor.u32 $0xC40, s28;
	v53 =	vor.u32 v4, v44;
	[tilespmem:s25+$0x440] =	vst v48;
	v47 =	vld.idx.msk [tilespmem:v47+s3+$0x0], $0xffff  }
0x13a: {  	v48 =	vld.idx.msk [tilespmem:v52+s3+$0x0], $0xffff;
	v52 =	vor.u32 v20, v35;
	[tilespmem:s9+$0xC300] =	vst v49  }
0x13b: {  	v49 =	vor.u32 v14, v36;
	[tilespmem:s2+$0x30] =	vst v51;
	v45 =	vld.idx.msk [tilespmem:v45+s3+$0x0], $0xffff  }
0x13c: {  	v51 =	vld.idx.msk [tilespmem:v54+s3+$0x0], $0xffff;
	v54 =	vor.u32 v14, v37;
	[tilespmem:s24+$0x860] =	vst v42  }
0x13d: {  	[tilespmem:s1+$0x30] =	vst v50;
	v42 =	vld.idx.msk [tilespmem:v43+s3+$0x0], $0xffff;
	v50 =	vor.u32 v30, v33;
	v43 =	vor.u32 v30, v32  }
0x13e: {  	v55 =	vor.u32 v5, v38;
	v53 =	vld.idx.msk [tilespmem:v53+s3+$0x0], $0xffff;
	[tilespmem:s23+$0x830] =	vst v46  }
0x13f: {  	[tilespmem:s30+$0x450] =	vst v47;
	v46 =	vld.idx.msk [tilespmem:v52+s3+$0x0], $0xffff;
	v47 =	vor.u32 v24, v34  }
0x140: {  	s15 =	sor.u32 $0xC50, s14;
	s9 =	sor.u32 $0xC50, s28;
	v52 =	vor.u32 v5, v44;
	[tilespmem:s25+$0x450] =	vst v48;
	v48 =	vld.idx.msk [tilespmem:v49+s3+$0x0], $0xffff  }
0x141: {  	v49 =	vld.idx.msk [tilespmem:v54+s3+$0x0], $0xffff;
	v54 =	vor.u32 v21, v35;
	[tilespmem:s9+$0xC300] =	vst v45  }
0x142: {  	v45 =	vor.u32 v15, v36;
	[tilespmem:s2+$0x40] =	vst v51;
	v50 =	vld.idx.msk [tilespmem:v50+s3+$0x0], $0xffff  }
0x143: {  	v51 =	vld.idx.msk [tilespmem:v55+s3+$0x0], $0xffff;
	v55 =	vor.u32 v15, v37;
	[tilespmem:s24+$0x870] =	vst v42;
	s24 =	smov.u32 s30;
	s30 =	smov.u32 s2  }
0x144: {  	v42 =	vor.u32 v31, v32;
	[tilespmem:s1+$0x40] =	vst v53;
	v47 =	vld.idx.msk [tilespmem:v47+s3+$0x0], $0xffff;
	v53 =	vor.u32 v31, v33;
	v33 =	vmov v35  }
0x145: {  	s4 =	sadd.s32 $0x2, s4;
	v56 =	vor.u32 v6, v38;
	v35 =	vmov v37;
	v37 =	vmov v44;
	v52 =	vld.idx.msk [tilespmem:v52+s3+$0x0], $0xffff;
	[tilespmem:s23+$0x840] =	vst v46  }
0x146: {  	s7 =	sadd.s32 $0x400, s7;
	s2 =	sand.u32 $0x7, s4;
	v44 =	vor.u32 v25, v34;
	[tilespmem:s24+$0x460] =	vst v48;
	v48 =	vld.idx.msk [tilespmem:v54+s3+$0x0], $0xffff  }
0x147: {  	s17 =	sor.u32 $0xC60, s28;
	s12 =	sor.u32 $0xC60, s14;
	s2 =	sshll.u32 s2, $0x7;
	v54 =	vor.u32 v6, v37;
	[tilespmem:s25+$0x460] =	vst v49;
	v57 =	vld.idx.msk [tilespmem:v45+s3+$0x0], $0xffff  }
0x148: {  	s9 =	sadd.s32 s2, s7;
	v58 =	vor.u32 v22, v33;
	v55 =	vld.idx.msk [tilespmem:v55+s3+$0x0], $0xffff;
	[tilespmem:s17+$0xC300] =	vst v50  }
0x149: {  	v59 =	vor.u32 v16, v36;
	v46 =	vor.u32 v29, v32;
	v32 =	vmov v34;
	s2 =	sor.u32 $0xC00, s9;
	[tilespmem:s30+$0x50] =	vst v51;
	v45 =	vld.idx.msk [tilespmem:v53+s3+$0x0], $0xffff  }
.Ltmp5:
0x14a: {  	v34 =	vmov v36;
	v36 =	vmov v38;
	v49 =	vld.idx.msk [tilespmem:v56+s3+$0x0], $0xffff;
	[tilespmem:s2+$0xC300] =	vst v47;
	(pc) =	sbr.rel @p1 .LBB2_4-.Ltmp5, $4  }
0x14b: {  	[tilespmem:s1+$0x50] =	vst v52;
	v44 =	vld.idx.msk [tilespmem:v44+s3+$0x0], $0xffff  }
0x14c: {  	v51 =	vor.u32 v7, v36;
	v50 =	vld.idx.msk [tilespmem:v54+s3+$0x0], $0xffff;
	[tilespmem:s23+$0x850] =	vst v48  }
0x14d: {  	v38 =	vor.u32 v26, v32;
	[tilespmem:s24+$0x470] =	vst v57;
	v47 =	vld.idx.msk [tilespmem:v58+s3+$0x0], $0xffff  }
0x14e: {  	s17 =	sor.u32 $0xC70, s14;
	s2 =	sor.u32 $0xC70, s28;
	s28 =	smov.u32 s18;
	v52 =	vor.u32 v7, v37;
	[tilespmem:s25+$0x470] =	vst v55;
	v48 =	vld.idx.msk [tilespmem:v59+s3+$0x0], $0xffff  }
0x14f: {  	_ =	sdelay $0x2  }
0x150: {  	[tilespmem:s30+$0x60] =	vst v49  }
0x151: {  	v58 =	vld.idx.msk [tilespmem:v51+s3+$0x0], $0xffff;
	[tilespmem:s1+$0x60] =	vst v50  }
0x152: {  	v60 =	vor.u32 v8, v36;
	v57 =	vld.idx.msk [tilespmem:v52+s3+$0x0], $0xffff  }
0x153: {  	v59 =	vor.u32 v8, v37;
	_ =	sdelay $0x2  }
0x154: {  	[tilespmem:s30+$0x70] =	vst v58  }
0x155: {  	v50 =	vld.idx.msk [tilespmem:v60+s3+$0x0], $0xffff;
	[tilespmem:s1+$0x70] =	vst v57  }
0x156: {  	v62 =	vor.u32 v9, v36;
	v49 =	vld.idx.msk [tilespmem:v59+s3+$0x0], $0xffff  }
0x157: {  	v61 =	vor.u32 v9, v37;
	_ =	sdelay $0x2  }
0x158: {  	[tilespmem:s30+$0x400] =	vst v50  }
0x159: {  	v50 =	vld.idx.msk [tilespmem:v62+s3+$0x0], $0xffff;
	[tilespmem:s1+$0x400] =	vst v49  }
0x15a: {  	v56 =	vor.u32 v10, v36;
	v49 =	vld.idx.msk [tilespmem:v61+s3+$0x0], $0xffff  }
0x15b: {  	v63 =	vor.u32 v10, v37;
	_ =	sdelay $0x2  }
0x15c: {  	[tilespmem:s30+$0x410] =	vst v50  }
0x15d: {  	v50 =	vld.idx.msk [tilespmem:v56+s3+$0x0], $0xffff;
	[tilespmem:s1+$0x410] =	vst v49  }
0x15e: {  	v58 =	vor.u32 v11, v36;
	v49 =	vld.idx.msk [tilespmem:v63+s3+$0x0], $0xffff  }
0x15f: {  	v57 =	vor.u32 v11, v37;
	_ =	sdelay $0x2  }
0x160: {  	[tilespmem:s30+$0x420] =	vst v50  }
0x161: {  	v50 =	vld.idx.msk [tilespmem:v58+s3+$0x0], $0xffff;
	[tilespmem:s1+$0x420] =	vst v49  }
0x162: {  	v60 =	vor.u32 v12, v36;
	v49 =	vld.idx.msk [tilespmem:v57+s3+$0x0], $0xffff  }
0x163: {  	v59 =	vor.u32 v12, v37;
	_ =	sdelay $0x2  }
0x164: {  	[tilespmem:s30+$0x430] =	vst v50  }
0x165: {  	v50 =	vld.idx.msk [tilespmem:v60+s3+$0x0], $0xffff;
	[tilespmem:s1+$0x430] =	vst v49  }
0x166: {  	v62 =	vor.u32 v13, v36;
	v49 =	vld.idx.msk [tilespmem:v59+s3+$0x0], $0xffff  }
0x167: {  	v61 =	vor.u32 v13, v37;
	_ =	sdelay $0x2  }
0x168: {  	[tilespmem:s30+$0x440] =	vst v50  }
0x169: {  	v50 =	vld.idx.msk [tilespmem:v62+s3+$0x0], $0xffff;
	[tilespmem:s1+$0x440] =	vst v49  }
0x16a: {  	v56 =	vor.u32 v14, v36;
	v49 =	vld.idx.msk [tilespmem:v61+s3+$0x0], $0xffff  }
0x16b: {  	v63 =	vor.u32 v14, v37;
	_ =	sdelay $0x2  }
0x16c: {  	[tilespmem:s30+$0x450] =	vst v50  }
0x16d: {  	v50 =	vld.idx.msk [tilespmem:v56+s3+$0x0], $0xffff;
	[tilespmem:s1+$0x450] =	vst v49  }
0x16e: {  	v58 =	vor.u32 v15, v36;
	v49 =	vld.idx.msk [tilespmem:v63+s3+$0x0], $0xffff  }
0x16f: {  	v57 =	vor.u32 v15, v37;
	_ =	sdelay $0x2  }
0x170: {  	v53 =	vor.u32 v16, v35;
	[tilespmem:s30+$0x460] =	vst v50  }
0x171: {  	v50 =	vld.idx.msk [tilespmem:v58+s3+$0x0], $0xffff;
	[tilespmem:s1+$0x460] =	vst v49  }
0x172: {  	v60 =	vor.u32 v16, v36;
	v49 =	vld.idx.msk [tilespmem:v57+s3+$0x0], $0xffff  }
0x173: {  	v59 =	vor.u32 v16, v37;
	_ =	sdelay $0x1  }
0x174: {  	v53 =	vld.idx.msk [tilespmem:v53+s3+$0x0], $0xffff  }
0x175: {  	v54 =	vor.u32 v17, v35;
	[tilespmem:s30+$0x470] =	vst v50  }
0x176: {  	v61 =	vor.u32 v17, v34;
	v63 =	vld.idx.msk [tilespmem:v60+s3+$0x0], $0xffff;
	[tilespmem:s1+$0x470] =	vst v49  }
0x177: {  	v55 =	vor.u32 v17, v36;
	v62 =	vld.idx.msk [tilespmem:v59+s3+$0x0], $0xffff  }
0x178: {  	v57 =	vor.u32 v17, v37  }
0x179: {  	[tilespmem:s25+$0x800] =	vst v53  }
0x17a: {  	[tilespmem:s24+$0x800] =	vst v48;
	v58 =	vld.idx.msk [tilespmem:v54+s3+$0x0], $0xffff  }
0x17b: {  	v49 =	vld.idx.msk [tilespmem:v61+s3+$0x0], $0xffff;
	v59 =	vor.u32 v18, v35;
	[tilespmem:s30+$0x800] =	vst v63  }
0x17c: {  	v60 =	vor.u32 v18, v34;
	[tilespmem:s1+$0x800] =	vst v62;
	v62 =	vld.idx.msk [tilespmem:v55+s3+$0x0], $0xffff  }
0x17d: {  	v61 =	vld.idx.msk [tilespmem:v57+s3+$0x0], $0xffff;
	v57 =	vor.u32 v18, v36  }
0x17e: {  	v63 =	vor.u32 v18, v37  }
0x17f: {  	[tilespmem:s25+$0x810] =	vst v58  }
0x180: {  	[tilespmem:s24+$0x810] =	vst v49;
	v48 =	vld.idx.msk [tilespmem:v59+s3+$0x0], $0xffff  }
0x181: {  	v58 =	vor.u32 v19, v35;
	v49 =	vld.idx.msk [tilespmem:v60+s3+$0x0], $0xffff;
	[tilespmem:s30+$0x810] =	vst v62  }
0x182: {  	v59 =	vor.u32 v19, v34;
	[tilespmem:s1+$0x810] =	vst v61;
	v61 =	vld.idx.msk [tilespmem:v57+s3+$0x0], $0xffff  }
0x183: {  	v60 =	vld.idx.msk [tilespmem:v63+s3+$0x0], $0xffff;
	v63 =	vor.u32 v19, v36  }
0x184: {  	v62 =	vor.u32 v19, v37  }
0x185: {  	[tilespmem:s25+$0x820] =	vst v48  }
0x186: {  	[tilespmem:s24+$0x820] =	vst v49;
	v48 =	vld.idx.msk [tilespmem:v58+s3+$0x0], $0xffff  }
0x187: {  	v49 =	vld.idx.msk [tilespmem:v59+s3+$0x0], $0xffff;
	v57 =	vor.u32 v20, v35;
	[tilespmem:s30+$0x820] =	vst v61  }
0x188: {  	v58 =	vor.u32 v20, v34;
	[tilespmem:s1+$0x820] =	vst v60;
	v53 =	vld.idx.msk [tilespmem:v63+s3+$0x0], $0xffff  }
0x189: {  	v60 =	vor.u32 v20, v36;
	v52 =	vld.idx.msk [tilespmem:v62+s3+$0x0], $0xffff  }
0x18a: {  	v59 =	vor.u32 v20, v37  }
0x18b: {  	[tilespmem:s25+$0x830] =	vst v48  }
0x18c: {  	[tilespmem:s24+$0x830] =	vst v49;
	v48 =	vld.idx.msk [tilespmem:v57+s3+$0x0], $0xffff  }
0x18d: {  	v61 =	vor.u32 v21, v35;
	v49 =	vld.idx.msk [tilespmem:v58+s3+$0x0], $0xffff;
	[tilespmem:s30+$0x830] =	vst v53  }
0x18e: {  	v62 =	vor.u32 v21, v34;
	[tilespmem:s1+$0x830] =	vst v52;
	v53 =	vld.idx.msk [tilespmem:v60+s3+$0x0], $0xffff  }
0x18f: {  	v57 =	vor.u32 v21, v36;
	v52 =	vld.idx.msk [tilespmem:v59+s3+$0x0], $0xffff  }
0x190: {  	v63 =	vor.u32 v21, v37  }
0x191: {  	[tilespmem:s25+$0x840] =	vst v48  }
0x192: {  	[tilespmem:s24+$0x840] =	vst v49;
	v48 =	vld.idx.msk [tilespmem:v61+s3+$0x0], $0xffff  }
0x193: {  	v58 =	vor.u32 v22, v35;
	v49 =	vld.idx.msk [tilespmem:v62+s3+$0x0], $0xffff;
	[tilespmem:s30+$0x840] =	vst v53  }
0x194: {  	v59 =	vor.u32 v22, v34;
	[tilespmem:s1+$0x840] =	vst v52;
	v53 =	vld.idx.msk [tilespmem:v57+s3+$0x0], $0xffff  }
0x195: {  	v61 =	vor.u32 v22, v36;
	v52 =	vld.idx.msk [tilespmem:v63+s3+$0x0], $0xffff  }
0x196: {  	[tilespmem:s2+$0xC300] =	vst v45;
	v60 =	vor.u32 v22, v37  }
0x197: {  	[tilespmem:s25+$0x850] =	vst v48  }
0x198: {  	[tilespmem:s24+$0x850] =	vst v49;
	v48 =	vld.idx.msk [tilespmem:v58+s3+$0x0], $0xffff  }
0x199: {  	v49 =	vld.idx.msk [tilespmem:v59+s3+$0x0], $0xffff;
	[tilespmem:s30+$0x850] =	vst v53  }
0x19a: {  	v62 =	vor.u32 v23, v34;
	[tilespmem:s1+$0x850] =	vst v52;
	v45 =	vld.idx.msk [tilespmem:v61+s3+$0x0], $0xffff  }
0x19b: {  	s11 =	sor.u32 $0xC10, s9;
	[tilespmem:s23+$0x860] =	vst v47;
	v53 =	vor.u32 v23, v36;
	v63 =	vld.idx.msk [tilespmem:v60+s3+$0x0], $0xffff  }
0x19c: {  	[tilespmem:s11+$0xC300] =	vst v44;
	v39 =	vld.idx.msk [tilespmem:v39+s3+$0x0], $0xffff  }
0x19d: {  	v46 =	vld.idx.msk [tilespmem:v46+s3+$0x0], $0xffff;
	v54 =	vor.u32 v24, v33;
	[tilespmem:s25+$0x860] =	vst v48  }
0x19e: {  	[tilespmem:s24+$0x860] =	vst v49;
	v40 =	vld.idx.msk [tilespmem:v40+s3+$0x0], $0xffff  }
0x19f: {  	v56 =	vor.u32 v24, v35;
	v55 =	vld.idx.msk [tilespmem:v62+s3+$0x0], $0xffff;
	[tilespmem:s30+$0x860] =	vst v45  }
0x1a0: {  	v57 =	vor.u32 v24, v34;
	[tilespmem:s1+$0x860] =	vst v63;
	v58 =	vld.idx.msk [tilespmem:v53+s3+$0x0], $0xffff  }
0x1a1: {  	[tilespmem:s23+$0x870] =	vst v39;
	v61 =	vor.u32 v24, v36;
	v41 =	vld.idx.msk [tilespmem:v41+s3+$0x0], $0xffff  }
0x1a2: {  	[tilespmem:s15+$0xC300] =	vst v46;
	v59 =	vor.u32 v24, v37;
	v60 =	vld.idx.msk [tilespmem:v54+s3+$0x0], $0xffff  }
0x1a3: {  	v38 =	vld.idx.msk [tilespmem:v38+s3+$0x0], $0xffff;
	v62 =	vor.u32 v25, v33;
	[tilespmem:s25+$0x870] =	vst v40  }
0x1a4: {  	[tilespmem:s24+$0x870] =	vst v55;
	v40 =	vld.idx.msk [tilespmem:v56+s3+$0x0], $0xffff  }
0x1a5: {  	s14 =	sadd.s32 $0x2, s4;
	s16 =	sor.u32 $0xC00, s28;
	s18 =	sadd.s32 $0x400, s7;
	v48 =	vld.idx.msk [tilespmem:v57+s3+$0x0], $0xffff;
	v63 =	vor.u32 v25, v35;
	[tilespmem:s30+$0x870] =	vst v58  }
0x1a6: {  	s8 =	sand.u32 $0x7, s14;
	s2 =	sadd.s32 $0x2, s14;
	s4 =	sadd.s32 $0x400, s18;
	v52 =	vor.u32 v25, v34;
	[tilespmem:s1+$0x870] =	vst v41;
	v54 =	vld.idx.msk [tilespmem:v61+s3+$0x0], $0xffff  }
0x1a7: {  	s2 =	sand.u32 $0x7, s2;
	s15 =	sor.u32 $0xC20, s9;
	s23 =	sshll.u32 s8, $0x7;
	[tilespmem:s16+$0xC300] =	vst v60;
	v57 =	vor.u32 v25, v36;
	v53 =	vld.idx.msk [tilespmem:v59+s3+$0x0], $0xffff  }
0x1a8: {  	s2 =	sshll.u32 s2, $0x7;
	[tilespmem:s15+$0xC300] =	vst v38;
	v55 =	vor.u32 v25, v37;
	s24 =	sor.u32 $0xC00, s29;
	v56 =	vld.idx.msk [tilespmem:v62+s3+$0x0], $0xffff;
	s1 =	sadd.s32 s23, s18  }
0x1a9: {  	s4 =	sadd.s32 s2, s4;
	v43 =	vld.idx.msk [tilespmem:v43+s3+$0x0], $0xffff;
	v58 =	vor.u32 v26, v33;
	[tilespmem:s24+$0xC300] =	vst v40;
	s25 =	sor.u32 $0xC00, s1  }
0x1aa: {  	s31 =	sor.u32 $0xC00, s4;
	v40 =	vld.idx.msk [tilespmem:v63+s3+$0x0], $0xffff;
	[tilespmem:s25+$0xC300] =	vst v48  }
0x1ab: {  	s30 =	sor.u32 $0xC00, s0;
	v59 =	vor.u32 v26, v35;
	v41 =	vld.idx.msk [tilespmem:v52+s3+$0x0], $0xffff;
	[tilespmem:s31+$0xC300] =	vst v54  }
0x1ac: {  	s8 =	sor.u32 $0xC10, s28;
	v60 =	vor.u32 v26, v34;
	[tilespmem:s30+$0xC300] =	vst v53;
	v62 =	vld.idx.msk [tilespmem:v57+s3+$0x0], $0xffff  }
0x1ad: {  	[tilespmem:s8+$0xC300] =	vst v56;
	v53 =	vor.u32 v26, v36;
	v61 =	vld.idx.msk [tilespmem:v55+s3+$0x0], $0xffff  }
0x1ae: {  	s11 =	sor.u32 $0xC10, s29;
	[tilespmem:s12+$0xC300] =	vst v43;
	v63 =	vor.u32 v26, v37;
	v52 =	vld.idx.msk [tilespmem:v58+s3+$0x0], $0xffff  }
0x1af: {  	v42 =	vld.idx.msk [tilespmem:v42+s3+$0x0], $0xffff;
	s12 =	sor.u32 $0xC10, s1;
	v54 =	vor.u32 v27, v33;
	[tilespmem:s11+$0xC300] =	vst v40  }
0x1b0: {  	s15 =	sor.u32 $0xC10, s4;
	v56 =	vld.idx.msk [tilespmem:v59+s3+$0x0], $0xffff;
	v55 =	vor.u32 v27, v32;
	[tilespmem:s12+$0xC300] =	vst v41  }
0x1b1: {  	s14 =	sor.u32 $0xC10, s0;
	v57 =	vor.u32 v27, v35;
	v39 =	vld.idx.msk [tilespmem:v60+s3+$0x0], $0xffff;
	[tilespmem:s15+$0xC300] =	vst v62  }
0x1b2: {  	s16 =	sor.u32 $0xC20, s28;
	v58 =	vor.u32 v27, v34;
	[tilespmem:s14+$0xC300] =	vst v61;
	v60 =	vld.idx.msk [tilespmem:v53+s3+$0x0], $0xffff  }
0x1b3: {  	[tilespmem:s16+$0xC300] =	vst v52;
	v59 =	vld.idx.msk [tilespmem:v63+s3+$0x0], $0xffff;
	v63 =	vor.u32 v27, v36  }
0x1b4: {  	[tilespmem:s17+$0xC300] =	vst v42;
	s18 =	sor.u32 $0xC20, s29;
	v62 =	vld.idx.msk [tilespmem:v54+s3+$0x0], $0xffff;
	v61 =	vor.u32 v27, v37  }
0x1b5: {  	s23 =	sor.u32 $0xC20, s1;
	v52 =	vor.u32 v28, v33;
	[tilespmem:s18+$0xC300] =	vst v56;
	v40 =	vld.idx.msk [tilespmem:v55+s3+$0x0], $0xffff  }
0x1b6: {  	s25 =	sor.u32 $0xC20, s4;
	v53 =	vor.u32 v28, v32;
	v54 =	vld.idx.msk [tilespmem:v57+s3+$0x0], $0xffff;
	[tilespmem:s23+$0xC300] =	vst v39  }
0x1b7: {  	s24 =	sor.u32 $0xC20, s0;
	v55 =	vor.u32 v28, v35;
	v44 =	vld.idx.msk [tilespmem:v58+s3+$0x0], $0xffff;
	[tilespmem:s25+$0xC300] =	vst v60  }
0x1b8: {  	s30 =	sor.u32 $0xC30, s28;
	v56 =	vor.u32 v28, v34;
	[tilespmem:s24+$0xC300] =	vst v59;
	v58 =	vld.idx.msk [tilespmem:v63+s3+$0x0], $0xffff  }
0x1b9: {  	s31 =	sor.u32 $0xC30, s9;
	[tilespmem:s30+$0xC300] =	vst v62;
	v57 =	vld.idx.msk [tilespmem:v61+s3+$0x0], $0xffff;
	v61 =	vor.u32 v28, v36  }
0x1ba: {  	s7 =	sor.u32 $0xC30, s29;
	[tilespmem:s31+$0xC300] =	vst v40;
	v60 =	vld.idx.msk [tilespmem:v52+s3+$0x0], $0xffff;
	v59 =	vor.u32 v28, v37  }
0x1bb: {  	s8 =	sor.u32 $0xC30, s1;
	v62 =	vor.u32 v29, v33;
	[tilespmem:s7+$0xC300] =	vst v54;
	v41 =	vld.idx.msk [tilespmem:v53+s3+$0x0], $0xffff  }
0x1bc: {  	s12 =	sor.u32 $0xC30, s4;
	v63 =	vor.u32 v29, v32;
	v52 =	vld.idx.msk [tilespmem:v55+s3+$0x0], $0xffff;
	[tilespmem:s8+$0xC300] =	vst v44  }
0x1bd: {  	s11 =	sor.u32 $0xC30, s0;
	v53 =	vor.u32 v29, v35;
	v38 =	vld.idx.msk [tilespmem:v56+s3+$0x0], $0xffff;
	[tilespmem:s12+$0xC300] =	vst v58  }
0x1be: {  	s14 =	sor.u32 $0xC40, s28;
	v54 =	vor.u32 v29, v34;
	[tilespmem:s11+$0xC300] =	vst v57;
	v56 =	vld.idx.msk [tilespmem:v61+s3+$0x0], $0xffff  }
0x1bf: {  	s15 =	sor.u32 $0xC40, s9;
	[tilespmem:s14+$0xC300] =	vst v60;
	v55 =	vld.idx.msk [tilespmem:v59+s3+$0x0], $0xffff;
	v59 =	vor.u32 v29, v36  }
0x1c0: {  	s16 =	sor.u32 $0xC40, s29;
	[tilespmem:s15+$0xC300] =	vst v41;
	v58 =	vld.idx.msk [tilespmem:v62+s3+$0x0], $0xffff;
	v57 =	vor.u32 v29, v37  }
0x1c1: {  	s17 =	sor.u32 $0xC40, s1;
	v60 =	vor.u32 v30, v33;
	[tilespmem:s16+$0xC300] =	vst v52;
	v39 =	vld.idx.msk [tilespmem:v63+s3+$0x0], $0xffff  }
0x1c2: {  	s23 =	sor.u32 $0xC40, s4;
	v61 =	vor.u32 v30, v32;
	v62 =	vld.idx.msk [tilespmem:v53+s3+$0x0], $0xffff;
	[tilespmem:s17+$0xC300] =	vst v38  }
0x1c3: {  	s18 =	sor.u32 $0xC40, s0;
	v63 =	vor.u32 v30, v35;
	v43 =	vld.idx.msk [tilespmem:v54+s3+$0x0], $0xffff;
	[tilespmem:s23+$0xC300] =	vst v56  }
0x1c4: {  	v51 =	vor.u32 v30, v34;
	s24 =	sor.u32 $0xC50, s28;
	[tilespmem:s18+$0xC300] =	vst v55;
	v54 =	vld.idx.msk [tilespmem:v59+s3+$0x0], $0xffff  }
0x1c5: {  	s25 =	sor.u32 $0xC50, s9;
	[tilespmem:s24+$0xC300] =	vst v58;
	v56 =	vor.u32 v30, v36;
	v52 =	vld.idx.msk [tilespmem:v57+s3+$0x0], $0xffff  }
0x1c6: {  	s30 =	sor.u32 $0xC50, s29;
	v53 =	vor.u32 v30, v37;
	[tilespmem:s25+$0xC300] =	vst v39;
	v55 =	vld.idx.msk [tilespmem:v60+s3+$0x0], $0xffff  }
0x1c7: {  	s31 =	sor.u32 $0xC50, s1;
	[tilespmem:s30+$0xC300] =	vst v62;
	v44 =	vld.idx.msk [tilespmem:v61+s3+$0x0], $0xffff;
	v57 =	vor.u32 v31, v33  }
0x1c8: {  	s11 =	sor.u32 $0xC50, s4;
	v58 =	vor.u32 v31, v32;
	v38 =	vld.idx.msk [tilespmem:v63+s3+$0x0], $0xffff;
	[tilespmem:s31+$0xC300] =	vst v43  }
0x1c9: {  	s8 =	sor.u32 $0xC50, s0;
	v59 =	vor.u32 v31, v35;
	v42 =	vld.idx.msk [tilespmem:v51+s3+$0x0], $0xffff;
	[tilespmem:s11+$0xC300] =	vst v54  }
0x1ca: {  	s12 =	sor.u32 $0xC60, s28;
	v60 =	vor.u32 v31, v34;
	[tilespmem:s8+$0xC300] =	vst v52;
	v39 =	vld.idx.msk [tilespmem:v56+s3+$0x0], $0xffff  }
0x1cb: {  	s14 =	sor.u32 $0xC60, s9;
	v62 =	vor.u32 v31, v36;
	[tilespmem:s12+$0xC300] =	vst v55;
	v40 =	vld.idx.msk [tilespmem:v53+s3+$0x0], $0xffff  }
0x1cc: {  	s15 =	sor.u32 $0xC60, s29;
	v61 =	vor.u32 v31, v37;
	[tilespmem:s14+$0xC300] =	vst v44;
	v33 =	vld.idx.msk [tilespmem:v57+s3+$0x0], $0xffff  }
0x1cd: {  	s16 =	sor.u32 $0xC60, s1;
	[tilespmem:s15+$0xC300] =	vst v38;
	v32 =	vld.idx.msk [tilespmem:v58+s3+$0x0], $0xffff  }
0x1ce: {  	s18 =	sor.u32 $0xC60, s4;
	v35 =	vld.idx.msk [tilespmem:v59+s3+$0x0], $0xffff;
	[tilespmem:s16+$0xC300] =	vst v42  }
0x1cf: {  	s17 =	sor.u32 $0xC60, s0;
	v34 =	vld.idx.msk [tilespmem:v60+s3+$0x0], $0xffff;
	[tilespmem:s18+$0xC300] =	vst v39  }
0x1d0: {  	s23 =	sor.u32 $0xC70, s28;
	[tilespmem:s17+$0xC300] =	vst v40;
	v63 =	vld.idx.msk [tilespmem:v62+s3+$0x0], $0xffff  }
0x1d1: {  	s24 =	sor.u32 $0xC70, s9;
	[tilespmem:s23+$0xC300] =	vst v33;
	v37 =	vld.idx.msk [tilespmem:v61+s3+$0x0], $0xffff  }
0x1d2: {  	s25 =	sor.u32 $0xC70, s29;
	[tilespmem:s24+$0xC300] =	vst v32  }
0x1d3: {  	s1 =	sor.u32 $0xC70, s1;
	[tilespmem:s25+$0xC300] =	vst v35  }
0x1d4: {  	s29 =	sor.u32 $0xC70, s4;
	[tilespmem:s1+$0xC300] =	vst v34  }
0x1d5: {  	s28 =	sor.u32 $0xC70, s0;
	s30 =	sshll.u32 s26, $0xC;
	[tilespmem:s29+$0xC300] =	vst v63  }
0x1d6: {  	s0 =	sadd.s32 s10, s30;
	s31 =	simm.s32 $0xC300;
	s15 =	smov.u32 s10;
	[tilespmem:s28+$0xC300] =	vst v37  }
0x1d7: {  	[hbm4b:s0+s3] =	stream.linear.scatter [tilespmem:s31], [sflag:$0x1], $0x8000, $0x38;
	[tilespmem:$0x1C300] =	vst v63  }
.LBB2_6:
0x1d8: {  	s1 =	sor.u32 $0x1, s22  }
0x1d9: {  	p1 =	sge.u32 s1, s5  }
.Ltmp6:
0x1da: {  	_ = 	snop;
	(pc) =	sbr.rel @p1 .LBB2_10-.Ltmp6, $1  }
0x1db: {  	_ =	sdelay $0x3  }
0x1dc: {  	p1 =	slt.s32 s19, $0x9C00;
	s0 =	smov.u32 s19  }
0x1dd: {  	s2 =	rddreg [dreg:$0x9];
	s0 =	simm.s32 @!p1 $0x9C00  }
0x1de: {  	s0 =	sadd.s32 s0, s2  }
0x1df: {  	[dreg:$0x4] =	wrdreg s0;
	s0 =	simm.s32 @!p0 $0x2  }
0x1e0: {  	_ =	swait.ge @!p0 [sflag:s0], $0x8000  }
0x1e1: {  	s9 =	rddreg [dreg:$0x4]  }
0x1e2: {  	s2 =	sadd.s32 $0xFFFFFFFE, s9  }
0x1e3: {  	s4 =	sadd.s32 $0x2, s2  }
0x1e4: {  	v32 =	vmov s4  }
0x1e5: {  	v32 =	vand.u32 $0xFFFFFFFE, v32  }
0x1e6: {  	v32 =	vbroadcast v32, $0x0;
	_ =	sdelay $0x3  }
0x1e7: {  	[sflag:s0] =	ssyncset.done @!p0 $0x0  }
0x1e8: {  	[sflag:s0] =	ssyncadd.s32 @!p0 $0xFFFF8000  }
0x1e9: {  	v32 =	vld.idx.msk [tilespmem:v32+s13+$0x0], $0xffff;
	_ =	sdelay $0x4  }
0x1ea: {  	v39 =	vshll.u32 v32, $0x9  }
0x1eb: {  	v32 =	vor.u32 v0, v39;
	_ =	sdelay $0x3  }
0x1ec: {  	s2 =	sadd.s32 $0x3, s2  }
0x1ed: {  	v34 =	vmov s2;
	v32 =	vld.idx.msk [tilespmem:v32+s3+$0x0], $0xffff  }
0x1ee: {  	s0 =	simm.s32 $0x0;
	v33 =	vor.u32 v1, v39  }
0x1ef: {  	s7 =	simm.s32 $0x0;
	s10 =	sand.u32 $0x7000, s0  }
0x1f0: {  	s7 =	sand.u32 $0x300, s7;
	s4 =	sadd.s32 $0x14300, s10  }
0x1f1: {  	s7 =	sadd.s32 s7, s4  }
0x1f2: {  	v34 =	vld.idx.msk [tilespmem:v34+s13+$0x0], $0xffff;
	[tilespmem:s7+$0x0] =	vst v32  }
0x1f3: {  	v32 =	vld.idx.msk [tilespmem:v33+s3+$0x0], $0xffff  }
0x1f4: {  	v61 =	vor.u32 v2, v39;
	_ =	sdelay $0x3  }
0x1f5: {  	v35 =	vshll.u32 v34, $0x9;
	[tilespmem:s7+$0x10] =	vst v32  }
0x1f6: {  	v34 =	vor.u32 v0, v35;
	v32 =	vld.idx.msk [tilespmem:v61+s3+$0x0], $0xffff  }
0x1f7: {  	v62 =	vor.u32 v3, v39;
	_ =	sdelay $0x3  }
0x1f8: {  	v34 =	vld.idx.msk [tilespmem:v34+s3+$0x0], $0xffff;
	[tilespmem:s7+$0x20] =	vst v32  }
0x1f9: {  	v36 =	vor.u32 v1, v35;
	v32 =	vld.idx.msk [tilespmem:v62+s3+$0x0], $0xffff  }
0x1fa: {  	s11 =	simm.s32 $0x80;
	v63 =	vor.u32 v4, v39  }
0x1fb: {  	s2 =	sand.u32 $0x380, s11  }
0x1fc: {  	s4 =	sadd.s32 s2, s4  }
0x1fd: {  	[tilespmem:s4+$0x0] =	vst v34  }
0x1fe: {  	v34 =	vld.idx.msk [tilespmem:v36+s3+$0x0], $0xffff;
	[tilespmem:s7+$0x30] =	vst v32  }
0x1ff: {  	v41 =	vor.u32 v2, v35;
	v32 =	vld.idx.msk [tilespmem:v63+s3+$0x0], $0xffff  }
0x200: {  	v40 =	vor.u32 v5, v39;
	_ =	sdelay $0x1  }
0x201: {  	s12 =	rddreg [dreg:$0x4]  }
0x202: {  	s2 =	sadd.s32 $0x0, s12;
	[tilespmem:s4+$0x10] =	vst v34  }
0x203: {  	s8 =	sadd.s32 $0x2, s2;
	v36 =	vld.idx.msk [tilespmem:v41+s3+$0x0], $0xffff;
	[tilespmem:s7+$0x40] =	vst v32  }
0x204: {  	v43 =	vmov s8;
	v37 =	vor.u32 v3, v35;
	v32 =	vld.idx.msk [tilespmem:v40+s3+$0x0], $0xffff  }
0x205: {  	v42 =	vor.u32 v6, v39;
	v34 =	vand.u32 $0xFFFFFFFE, v43  }
0x206: {  	v34 =	vbroadcast v34, $0x0;
	_ =	sdelay $0x1  }
0x207: {  	[tilespmem:s4+$0x20] =	vst v36  }
0x208: {  	v36 =	vld.idx.msk [tilespmem:v37+s3+$0x0], $0xffff;
	[tilespmem:s7+$0x50] =	vst v32  }
0x209: {  	v45 =	vor.u32 v4, v35;
	v32 =	vld.idx.msk [tilespmem:v42+s3+$0x0], $0xffff  }
0x20a: {  	v44 =	vor.u32 v7, v39  }
0x20b: {  	v46 =	vld.idx.msk [tilespmem:v34+s13+$0x0], $0xffff;
	_ =	sdelay $0x1  }
0x20c: {  	[tilespmem:s4+$0x30] =	vst v36  }
0x20d: {  	v36 =	vld.idx.msk [tilespmem:v45+s3+$0x0], $0xffff;
	[tilespmem:s7+$0x60] =	vst v32  }
0x20e: {  	v48 =	vor.u32 v5, v35;
	v33 =	vld.idx.msk [tilespmem:v44+s3+$0x0], $0xffff  }
0x20f: {  	v47 =	vor.u32 v8, v39;
	v32 =	vshll.u32 v46, $0x9  }
0x210: {  	v49 =	vor.u32 v0, v32;
	_ =	sdelay $0x1  }
0x211: {  	[tilespmem:s4+$0x40] =	vst v36  }
0x212: {  	v36 =	vld.idx.msk [tilespmem:v48+s3+$0x0], $0xffff;
	[tilespmem:s7+$0x70] =	vst v33  }
0x213: {  	v50 =	vor.u32 v6, v35;
	v34 =	vld.idx.msk [tilespmem:v47+s3+$0x0], $0xffff  }
0x214: {  	v38 =	vor.u32 v9, v39;
	v33 =	vld.idx.msk [tilespmem:v49+s3+$0x0], $0xffff  }
0x215: {  	s14 =	simm.s32 $0x400;
	v51 =	vor.u32 v1, v32  }
0x216: {  	s9 =	simm.s32 $0x100;
	s8 =	sand.u32 $0x7000, s14  }
0x217: {  	s9 =	sand.u32 $0x300, s9;
	s2 =	sadd.s32 $0x3, s2;
	s8 =	sadd.s32 $0x14300, s8;
	[tilespmem:s4+$0x50] =	vst v36  }
0x218: {  	v53 =	vmov s2;
	s23 =	sadd.s32 s9, s8;
	v36 =	vld.idx.msk [tilespmem:v50+s3+$0x0], $0xffff;
	[tilespmem:s7+$0x400] =	vst v34  }
0x219: {  	v52 =	vor.u32 v7, v35;
	[tilespmem:s23+$0x0] =	vst v33;
	v38 =	vld.idx.msk [tilespmem:v38+s3+$0x0], $0xffff  }
0x21a: {  	v40 =	vor.u32 v10, v39;
	v34 =	vld.idx.msk [tilespmem:v51+s3+$0x0], $0xffff  }
0x21b: {  	v54 =	vor.u32 v2, v32;
	_ =	sdelay $0x1  }
0x21c: {  	v55 =	vld.idx.msk [tilespmem:v53+s13+$0x0], $0xffff;
	[tilespmem:s4+$0x60] =	vst v36  }
0x21d: {  	v33 =	vld.idx.msk [tilespmem:v52+s3+$0x0], $0xffff;
	[tilespmem:s7+$0x410] =	vst v38  }
0x21e: {  	[tilespmem:s23+$0x10] =	vst v34;
	v40 =	vld.idx.msk [tilespmem:v40+s3+$0x0], $0xffff  }
0x21f: {  	v41 =	vor.u32 v11, v39;
	v57 =	vld.idx.msk [tilespmem:v54+s3+$0x0], $0xffff  }
0x220: {  	v59 =	vor.u32 v3, v32  }
0x221: {  	v56 =	vor.u32 v8, v35  }
0x222: {  	[tilespmem:s4+$0x70] =	vst v33;
	v33 =	vshll.u32 v55, $0x9  }
0x223: {  	v62 =	vor.u32 v0, v33;
	[tilespmem:s7+$0x420] =	vst v40  }
0x224: {  	[tilespmem:s23+$0x20] =	vst v57;
	v58 =	vld.idx.msk [tilespmem:v41+s3+$0x0], $0xffff  }
0x225: {  	v60 =	vor.u32 v12, v39;
	v40 =	vld.idx.msk [tilespmem:v59+s3+$0x0], $0xffff  }
0x226: {  	v63 =	vor.u32 v4, v32;
	v34 =	vld.idx.msk [tilespmem:v56+s3+$0x0], $0xffff  }
0x227: {  	v61 =	vor.u32 v9, v35  }
0x228: {  	v45 =	vld.idx.msk [tilespmem:v62+s3+$0x0], $0xffff  }
0x229: {  	v47 =	vor.u32 v1, v33;
	[tilespmem:s7+$0x430] =	vst v58  }
0x22a: {  	s16 =	simm.s32 $0x180;
	[tilespmem:s23+$0x30] =	vst v40;
	v38 =	vld.idx.msk [tilespmem:v60+s3+$0x0], $0xffff  }
0x22b: {  	s2 =	sand.u32 $0x380, s16;
	v42 =	vor.u32 v13, v39;
	[tilespmem:s4+$0x400] =	vst v34;
	v41 =	vld.idx.msk [tilespmem:v63+s3+$0x0], $0xffff  }
0x22c: {  	s22 =	sadd.s32 s2, s8;
	v48 =	vor.u32 v5, v32;
	v34 =	vld.idx.msk [tilespmem:v61+s3+$0x0], $0xffff  }
0x22d: {  	v46 =	vor.u32 v10, v35;
	[tilespmem:s22+$0x0] =	vst v45  }
0x22e: {  	v36 =	vld.idx.msk [tilespmem:v47+s3+$0x0], $0xffff  }
0x22f: {  	v50 =	vor.u32 v2, v33;
	[tilespmem:s7+$0x440] =	vst v38  }
0x230: {  	s17 =	rddreg [dreg:$0x4];
	[tilespmem:s23+$0x40] =	vst v41;
	v38 =	vld.idx.msk [tilespmem:v42+s3+$0x0], $0xffff  }
0x231: {  	s18 =	sadd.s32 $0x2, s17;
	v43 =	vor.u32 v14, v39;
	[tilespmem:s4+$0x410] =	vst v34;
	v41 =	vld.idx.msk [tilespmem:v48+s3+$0x0], $0xffff  }
0x232: {  	s24 =	sadd.s32 $0x2, s18;
	v51 =	vor.u32 v6, v32;
	v34 =	vld.idx.msk [tilespmem:v46+s3+$0x0], $0xffff  }
0x233: {  	v49 =	vor.u32 v11, v35;
	v52 =	vmov s24;
	[tilespmem:s22+$0x10] =	vst v36  }
0x234: {  	v36 =	vld.idx.msk [tilespmem:v50+s3+$0x0], $0xffff;
	v42 =	vand.u32 $0xFFFFFFFE, v52  }
0x235: {  	v54 =	vor.u32 v3, v33;
	v42 =	vbroadcast v42, $0x0;
	[tilespmem:s7+$0x450] =	vst v38  }
0x236: {  	[tilespmem:s23+$0x50] =	vst v41;
	v43 =	vld.idx.msk [tilespmem:v43+s3+$0x0], $0xffff  }
0x237: {  	v44 =	vor.u32 v15, v39;
	[tilespmem:s4+$0x420] =	vst v34;
	v38 =	vld.idx.msk [tilespmem:v51+s3+$0x0], $0xffff  }
0x238: {  	v56 =	vor.u32 v7, v32;
	v34 =	vld.idx.msk [tilespmem:v49+s3+$0x0], $0xffff  }
0x239: {  	v53 =	vor.u32 v12, v35;
	[tilespmem:s22+$0x20] =	vst v36  }
0x23a: {  	v59 =	vld.idx.msk [tilespmem:v54+s3+$0x0], $0xffff  }
0x23b: {  	v42 =	vld.idx.msk [tilespmem:v42+s13+$0x0], $0xffff;
	[tilespmem:s7+$0x460] =	vst v43  }
0x23c: {  	v62 =	vor.u32 v4, v33;
	[tilespmem:s23+$0x60] =	vst v38;
	v55 =	vld.idx.msk [tilespmem:v44+s3+$0x0], $0xffff  }
0x23d: {  	v57 =	vor.u32 v16, v39;
	[tilespmem:s4+$0x430] =	vst v34;
	v61 =	vld.idx.msk [tilespmem:v56+s3+$0x0], $0xffff  }
0x23e: {  	v63 =	vor.u32 v8, v32;
	v58 =	vld.idx.msk [tilespmem:v53+s3+$0x0], $0xffff  }
0x23f: {  	v60 =	vor.u32 v13, v35  }
0x240: {  	[tilespmem:s22+$0x30] =	vst v59;
	v34 =	vshll.u32 v42, $0x9  }
0x241: {  	v49 =	vld.idx.msk [tilespmem:v62+s3+$0x0], $0xffff;
	v48 =	vor.u32 v0, v34;
	[tilespmem:s7+$0x470] =	vst v55  }
0x242: {  	v52 =	vor.u32 v5, v33;
	[tilespmem:s23+$0x70] =	vst v61;
	v44 =	vld.idx.msk [tilespmem:v57+s3+$0x0], $0xffff  }
0x243: {  	v45 =	vor.u32 v17, v39;
	[tilespmem:s4+$0x440] =	vst v58;
	v51 =	vld.idx.msk [tilespmem:v63+s3+$0x0], $0xffff  }
0x244: {  	v53 =	vor.u32 v9, v32;
	v36 =	vld.idx.msk [tilespmem:v60+s3+$0x0], $0xffff  }
0x245: {  	v50 =	vor.u32 v14, v35  }
0x246: {  	[tilespmem:s22+$0x40] =	vst v49;
	v55 =	vld.idx.msk [tilespmem:v48+s3+$0x0], $0xffff  }
0x247: {  	s25 =	simm.s32 $0x800;
	v59 =	vld.idx.msk [tilespmem:v52+s3+$0x0], $0xffff;
	v57 =	vor.u32 v1, v34;
	[tilespmem:s7+$0x800] =	vst v44  }
0x248: {  	s26 =	simm.s32 $0x200;
	s2 =	sand.u32 $0x7000, s25;
	v61 =	vor.u32 v6, v33;
	[tilespmem:s23+$0x400] =	vst v51;
	v44 =	vld.idx.msk [tilespmem:v45+s3+$0x0], $0xffff  }
0x249: {  	s9 =	sand.u32 $0x300, s26;
	s2 =	sadd.s32 $0x14300, s2;
	v54 =	vor.u32 v18, v39;
	[tilespmem:s4+$0x450] =	vst v36;
	v60 =	vld.idx.msk [tilespmem:v53+s3+$0x0], $0xffff  }
0x24a: {  	s24 =	sadd.s32 s9, s2;
	v62 =	vor.u32 v10, v32;
	v56 =	vld.idx.msk [tilespmem:v50+s3+$0x0], $0xffff  }
0x24b: {  	s8 =	sadd.s32 $0x3, s18;
	v58 =	vor.u32 v15, v35;
	[tilespmem:s24+$0x0] =	vst v55  }
0x24c: {  	v63 =	vmov s8;
	[tilespmem:s22+$0x50] =	vst v59;
	v48 =	vld.idx.msk [tilespmem:v57+s3+$0x0], $0xffff  }
0x24d: {  	v50 =	vor.u32 v2, v34;
	v52 =	vld.idx.msk [tilespmem:v61+s3+$0x0], $0xffff;
	[tilespmem:s7+$0x810] =	vst v44  }
0x24e: {  	[tilespmem:s23+$0x410] =	vst v60;
	v45 =	vld.idx.msk [tilespmem:v54+s3+$0x0], $0xffff;
	v54 =	vor.u32 v7, v33  }
0x24f: {  	v46 =	vor.u32 v19, v39;
	[tilespmem:s4+$0x460] =	vst v56;
	v53 =	vld.idx.msk [tilespmem:v62+s3+$0x0], $0xffff  }
0x250: {  	v49 =	vld.idx.msk [tilespmem:v58+s3+$0x0], $0xffff;
	v55 =	vor.u32 v11, v32  }
0x251: {  	v51 =	vor.u32 v16, v35;
	v36 =	vld.idx.msk [tilespmem:v63+s13+$0x0], $0xffff;
	[tilespmem:s24+$0x10] =	vst v48  }
0x252: {  	[tilespmem:s22+$0x60] =	vst v52;
	v37 =	vld.idx.msk [tilespmem:v50+s3+$0x0], $0xffff  }
0x253: {  	v56 =	vor.u32 v3, v34;
	[tilespmem:s7+$0x820] =	vst v45;
	v42 =	vld.idx.msk [tilespmem:v54+s3+$0x0], $0xffff  }
0x254: {  	v58 =	vor.u32 v8, v33;
	[tilespmem:s23+$0x420] =	vst v53;
	v46 =	vld.idx.msk [tilespmem:v46+s3+$0x0], $0xffff  }
0x255: {  	v47 =	vor.u32 v20, v39;
	[tilespmem:s4+$0x470] =	vst v49;
	v43 =	vld.idx.msk [tilespmem:v55+s3+$0x0], $0xffff  }
0x256: {  	v59 =	vor.u32 v12, v32;
	v38 =	vld.idx.msk [tilespmem:v51+s3+$0x0], $0xffff  }
0x257: {  	v57 =	vor.u32 v17, v35;
	v36 =	vshll.u32 v36, $0x9;
	[tilespmem:s24+$0x20] =	vst v37  }
0x258: {  	v61 =	vor.u32 v0, v36;
	v62 =	vld.idx.msk [tilespmem:v56+s3+$0x0], $0xffff;
	[tilespmem:s22+$0x70] =	vst v42  }
0x259: {  	v52 =	vor.u32 v4, v34;
	[tilespmem:s7+$0x830] =	vst v46;
	v54 =	vld.idx.msk [tilespmem:v58+s3+$0x0], $0xffff  }
0x25a: {  	v56 =	vor.u32 v9, v33;
	[tilespmem:s23+$0x430] =	vst v43;
	v46 =	vld.idx.msk [tilespmem:v47+s3+$0x0], $0xffff  }
0x25b: {  	v60 =	vor.u32 v21, v39;
	[tilespmem:s4+$0x800] =	vst v38;
	v55 =	vld.idx.msk [tilespmem:v59+s3+$0x0], $0xffff  }
0x25c: {  	v63 =	vld.idx.msk [tilespmem:v57+s3+$0x0], $0xffff;
	v57 =	vor.u32 v13, v32  }
0x25d: {  	v53 =	vor.u32 v18, v35;
	v37 =	vld.idx.msk [tilespmem:v61+s3+$0x0], $0xffff;
	[tilespmem:s24+$0x30] =	vst v62  }
0x25e: {  	v58 =	vor.u32 v1, v36;
	v59 =	vld.idx.msk [tilespmem:v52+s3+$0x0], $0xffff;
	[tilespmem:s22+$0x400] =	vst v54  }
0x25f: {  	s9 =	simm.s32 $0x280;
	v61 =	vor.u32 v5, v34;
	[tilespmem:s7+$0x840] =	vst v46;
	v43 =	vld.idx.msk [tilespmem:v56+s3+$0x0], $0xffff  }
0x260: {  	s8 =	sand.u32 $0x380, s9;
	v52 =	vor.u32 v10, v33;
	[tilespmem:s23+$0x440] =	vst v55;
	v47 =	vld.idx.msk [tilespmem:v60+s3+$0x0], $0xffff  }
0x261: {  	s25 =	sadd.s32 s8, s2;
	v48 =	vor.u32 v22, v39;
	[tilespmem:s4+$0x810] =	vst v63;
	v63 =	vld.idx.msk [tilespmem:v57+s3+$0x0], $0xffff  }
0x262: {  	[tilespmem:s25+$0x0] =	vst v37;
	v60 =	vld.idx.msk [tilespmem:v53+s3+$0x0], $0xffff;
	v53 =	vor.u32 v14, v32  }
0x263: {  	s10 =	rddreg [dreg:$0x4];
	v62 =	vor.u32 v19, v35;
	v37 =	vld.idx.msk [tilespmem:v58+s3+$0x0], $0xffff;
	[tilespmem:s24+$0x40] =	vst v59  }
0x264: {  	s2 =	sadd.s32 $0x4, s10;
	v42 =	vld.idx.msk [tilespmem:v61+s3+$0x0], $0xffff;
	[tilespmem:s22+$0x410] =	vst v43  }
0x265: {  	s11 =	sadd.s32 $0x2, s2;
	s2 =	sadd.s32 $0x3, s2;
	v56 =	vor.u32 v6, v34;
	[tilespmem:s7+$0x850] =	vst v47;
	v57 =	vld.idx.msk [tilespmem:v52+s3+$0x0], $0xffff  }
0x266: {  	v49 =	vmov s2;
	[tilespmem:s23+$0x450] =	vst v63;
	v48 =	vld.idx.msk [tilespmem:v48+s3+$0x0], $0xffff  }
0x267: {  	v54 =	vor.u32 v23, v39;
	[tilespmem:s4+$0x820] =	vst v60;
	v59 =	vld.idx.msk [tilespmem:v53+s3+$0x0], $0xffff  }
0x268: {  	v41 =	vld.idx.msk [tilespmem:v62+s3+$0x0], $0xffff;
	v62 =	vor.u32 v15, v32  }
0x269: {  	v60 =	vor.u32 v11, v33;
	[tilespmem:s24+$0x50] =	vst v42  }
0x26a: {  	v58 =	vor.u32 v20, v35;
	v43 =	vld.idx.msk [tilespmem:v56+s3+$0x0], $0xffff;
	[tilespmem:s22+$0x420] =	vst v57  }
0x26b: {  	v55 =	vor.u32 v2, v36;
	v61 =	vmov s11;
	v57 =	vld.idx.msk [tilespmem:v49+s13+$0x0], $0xffff;
	[tilespmem:s7+$0x860] =	vst v48  }
0x26c: {  	[tilespmem:s23+$0x460] =	vst v59;
	v59 =	vor.u32 v7, v34;
	v48 =	vand.u32 $0xFFFFFFFE, v61;
	v38 =	vld.idx.msk [tilespmem:v54+s3+$0x0], $0xffff  }
0x26d: {  	[tilespmem:s25+$0x10] =	vst v37;
	v52 =	vor.u32 v24, v39;
	v37 =	vld.idx.msk [tilespmem:v62+s3+$0x0], $0xffff;
	v63 =	vbroadcast v48, $0x0  }
0x26e: {  	[tilespmem:s4+$0x830] =	vst v41;
	v54 =	vld.idx.msk [tilespmem:v60+s3+$0x0], $0xffff  }
0x26f: {  	v56 =	vor.u32 v12, v33;
	v53 =	vld.idx.msk [tilespmem:v58+s3+$0x0], $0xffff  }
0x270: {  	v40 =	vld.idx.msk [tilespmem:v55+s3+$0x0], $0xffff;
	v55 =	vor.u32 v21, v35;
	[tilespmem:s24+$0x60] =	vst v43  }
0x271: {  	v49 =	vld.idx.msk [tilespmem:v59+s3+$0x0], $0xffff;
	[tilespmem:s7+$0x870] =	vst v38  }
0x272: {  	v58 =	vor.u32 v3, v36;
	[tilespmem:s23+$0x470] =	vst v37;
	v41 =	vld.idx.msk [tilespmem:v52+s3+$0x0], $0xffff  }
0x273: {  	v60 =	vor.u32 v16, v32;
	[tilespmem:s22+$0x430] =	vst v54;
	v42 =	vld.idx.msk [tilespmem:v63+s13+$0x0], $0xffff  }
0x274: {  	s12 =	sand.u32 $0x3, s0;
	v37 =	vshll.u32 v57, $0x9;
	v57 =	vor.u32 v8, v34;
	[tilespmem:s4+$0x840] =	vst v53;
	v63 =	vld.idx.msk [tilespmem:v56+s3+$0x0], $0xffff  }
0x275: {  	s2 =	sshll.u32 s12, $0x8;
	v62 =	vor.u32 v25, v39;
	v61 =	vld.idx.msk [tilespmem:v55+s3+$0x0], $0xffff  }
0x276: {  	s31 =	sadd.s32 $0x0, s2;
	[tilespmem:s25+$0x20] =	vst v40;
	v54 =	vor.u32 v22, v35  }
0x277: {  	s2 =	sor.u32 $0xC00, s31;
	v55 =	vld.idx.msk [tilespmem:v58+s3+$0x0], $0xffff;
	v56 =	vor.u32 v13, v33;
	[tilespmem:s24+$0x70] =	vst v49  }
0x278: {  	v50 =	vor.u32 v4, v36;
	v44 =	vld.idx.msk [tilespmem:v60+s3+$0x0], $0xffff;
	[tilespmem:s2+$0x14300] =	vst v41  }
0x279: {  	v58 =	vor.u32 v17, v32;
	[tilespmem:s22+$0x440] =	vst v63;
	v63 =	vld.idx.msk [tilespmem:v57+s3+$0x0], $0xffff  }
0x27a: {  	[tilespmem:s4+$0x850] =	vst v61;
	v46 =	vld.idx.msk [tilespmem:v62+s3+$0x0], $0xffff  }
0x27b: {  	v57 =	vor.u32 v9, v34;
	v59 =	vld.idx.msk [tilespmem:v54+s3+$0x0], $0xffff  }
0x27c: {  	[tilespmem:s25+$0x30] =	vst v55;
	v61 =	vor.u32 v26, v39;
	v60 =	vld.idx.msk [tilespmem:v56+s3+$0x0], $0xffff  }
0x27d: {  	[tilespmem:s23+$0x800] =	vst v44;
	v48 =	vld.idx.msk [tilespmem:v50+s3+$0x0], $0xffff;
	v62 =	vor.u32 v23, v35  }
0x27e: {  	s14 =	sor.u32 $0xC10, s31;
	v38 =	vshll.u32 v42, $0x9;
	v45 =	vld.idx.msk [tilespmem:v58+s3+$0x0], $0xffff;
	v58 =	vor.u32 v5, v36;
	[tilespmem:s24+$0x400] =	vst v63  }
0x27f: {  	v52 =	vor.u32 v0, v38;
	[tilespmem:s14+$0x14300] =	vst v46  }
0x280: {  	v51 =	vor.u32 v0, v37;
	[tilespmem:s4+$0x860] =	vst v59;
	v44 =	vld.idx.msk [tilespmem:v57+s3+$0x0], $0xffff  }
0x281: {  	v56 =	vor.u32 v14, v33;
	[tilespmem:s22+$0x450] =	vst v60;
	v47 =	vld.idx.msk [tilespmem:v61+s3+$0x0], $0xffff  }
0x282: {  	v59 =	vor.u32 v18, v32;
	[tilespmem:s25+$0x40] =	vst v48;
	v60 =	vld.idx.msk [tilespmem:v62+s3+$0x0], $0xffff  }
0x283: {  	v46 =	vld.idx.msk [tilespmem:v58+s3+$0x0], $0xffff;
	v58 =	vor.u32 v10, v34  }
0x284: {  	v61 =	vor.u32 v27, v39;
	v62 =	vld.idx.msk [tilespmem:v52+s3+$0x0], $0xffff  }
0x285: {  	s9 =	simm.s32 $0xC00;
	v41 =	vld.idx.msk [tilespmem:v51+s3+$0x0], $0xffff;
	[tilespmem:s23+$0x810] =	vst v45;
	v57 =	vor.u32 v1, v38  }
0x286: {  	s18 =	simm.s32 $0x300;
	s17 =	sand.u32 $0x7000, s9;
	s16 =	sor.u32 $0xC20, s31;
	v63 =	vor.u32 v24, v35;
	v49 =	vld.idx.msk [tilespmem:v56+s3+$0x0], $0xffff;
	[tilespmem:s24+$0x410] =	vst v44  }
0x287: {  	s8 =	sand.u32 $0x300, s18;
	s2 =	sadd.s32 $0x14300, s17;
	v56 =	vor.u32 v15, v33;
	v40 =	vld.idx.msk [tilespmem:v59+s3+$0x0], $0xffff;
	[tilespmem:s16+$0x14300] =	vst v47  }
0x288: {  	s7 =	sadd.s32 s8, s2;
	v59 =	vor.u32 v6, v36;
	[tilespmem:s4+$0x870] =	vst v60;
	v45 =	vld.idx.msk [tilespmem:v58+s3+$0x0], $0xffff  }
0x289: {  	v60 =	vor.u32 v19, v32;
	[tilespmem:s7+$0x0] =	vst v62;
	v50 =	vld.idx.msk [tilespmem:v61+s3+$0x0], $0xffff  }
0x28a: {  	v51 =	vld.idx.msk [tilespmem:v57+s3+$0x0], $0xffff;
	v57 =	vor.u32 v11, v34  }
0x28b: {  	[tilespmem:s22+$0x460] =	vst v49;
	v42 =	vld.idx.msk [tilespmem:v63+s3+$0x0], $0xffff;
	v61 =	vor.u32 v28, v39  }
0x28c: {  	s0 =	sand.u32 $0x7, s0;
	v62 =	vor.u32 v25, v35;
	[tilespmem:s25+$0x50] =	vst v46;
	v48 =	vld.idx.msk [tilespmem:v56+s3+$0x0], $0xffff  }
0x28d: {  	s0 =	sshll.u32 s0, $0x7;
	v63 =	vor.u32 v16, v33;
	v47 =	vld.idx.msk [tilespmem:v59+s3+$0x0], $0xffff;
	[tilespmem:s23+$0x820] =	vst v40  }
0x28e: {  	s0 =	sadd.s32 $0x80, s0;
	s26 =	sor.u32 $0xC30, s31;
	v56 =	vor.u32 v2, v38;
	v43 =	vld.idx.msk [tilespmem:v60+s3+$0x0], $0xffff;
	[tilespmem:s24+$0x420] =	vst v45  }
0x28f: {  	s8 =	sor.u32 $0xC00, s0;
	v58 =	vor.u32 v7, v36;
	[tilespmem:s26+$0x14300] =	vst v50;
	v40 =	vld.idx.msk [tilespmem:v57+s3+$0x0], $0xffff  }
0x290: {  	v59 =	vor.u32 v20, v32;
	[tilespmem:s8+$0x14300] =	vst v42;
	v49 =	vld.idx.msk [tilespmem:v61+s3+$0x0], $0xffff  }
0x291: {  	v55 =	vor.u32 v12, v34;
	[tilespmem:s22+$0x470] =	vst v48;
	v44 =	vld.idx.msk [tilespmem:v62+s3+$0x0], $0xffff  }
0x292: {  	v60 =	vor.u32 v29, v39;
	[tilespmem:s7+$0x10] =	vst v51;
	v46 =	vld.idx.msk [tilespmem:v63+s3+$0x0], $0xffff  }
0x293: {  	v51 =	vld.idx.msk [tilespmem:v56+s3+$0x0], $0xffff;
	v62 =	vor.u32 v17, v33;
	[tilespmem:s25+$0x60] =	vst v47  }
0x294: {  	v61 =	vor.u32 v26, v35;
	v50 =	vld.idx.msk [tilespmem:v58+s3+$0x0], $0xffff;
	[tilespmem:s23+$0x830] =	vst v43  }
0x295: {  	s10 =	sor.u32 $0xC40, s31;
	v63 =	vor.u32 v3, v38;
	v42 =	vld.idx.msk [tilespmem:v59+s3+$0x0], $0xffff;
	[tilespmem:s24+$0x430] =	vst v40  }
0x296: {  	v56 =	vor.u32 v8, v36;
	[tilespmem:s10+$0x14300] =	vst v49;
	v43 =	vld.idx.msk [tilespmem:v55+s3+$0x0], $0xffff  }
0x297: {  	s11 =	sor.u32 $0xC10, s0;
	v57 =	vor.u32 v21, v32;
	[tilespmem:s22+$0x800] =	vst v46;
	v48 =	vld.idx.msk [tilespmem:v60+s3+$0x0], $0xffff  }
0x298: {  	[tilespmem:s11+$0x14300] =	vst v44;
	v46 =	vld.idx.msk [tilespmem:v62+s3+$0x0], $0xffff;
	v62 =	vor.u32 v13, v34  }
0x299: {  	v58 =	vor.u32 v30, v39;
	[tilespmem:s7+$0x20] =	vst v51;
	v45 =	vld.idx.msk [tilespmem:v61+s3+$0x0], $0xffff  }
0x29a: {  	v59 =	vor.u32 v27, v35;
	v51 =	vld.idx.msk [tilespmem:v63+s3+$0x0], $0xffff;
	[tilespmem:s25+$0x70] =	vst v50  }
0x29b: {  	v60 =	vor.u32 v18, v33;
	v53 =	vld.idx.msk [tilespmem:v56+s3+$0x0], $0xffff;
	[tilespmem:s23+$0x840] =	vst v42  }
0x29c: {  	s12 =	sor.u32 $0xC50, s31;
	v61 =	vor.u32 v4, v38;
	v54 =	vld.idx.msk [tilespmem:v57+s3+$0x0], $0xffff;
	[tilespmem:s24+$0x440] =	vst v43  }
0x29d: {  	s1 =	sadd.s32 s6, s1;
	s14 =	sor.u32 $0xC20, s0;
	s16 =	simm.s32 $0x1;
	v63 =	vor.u32 v9, v36;
	[tilespmem:s12+$0x14300] =	vst v48;
	v49 =	vld.idx.msk [tilespmem:v62+s3+$0x0], $0xffff  }
0x29e: {  	s1 =	sshll.u32 s1, $0x6;
	s18 =	simm.s32 $0x2;
	s17 =	sand.u32 $0x3, s16;
	v55 =	vor.u32 v22, v32;
	[tilespmem:s14+$0x14300] =	vst v45;
	v47 =	vld.idx.msk [tilespmem:v58+s3+$0x0], $0xffff  }
0x29f: {  	s16 =	simm.s32 $0x6;
	s4 =	sshll.u32 s17, $0x8;
	s17 =	simm.s32 $0x380;
	v57 =	vor.u32 v31, v39;
	[tilespmem:s22+$0x810] =	vst v46;
	v56 =	vld.idx.msk [tilespmem:v59+s3+$0x0], $0xffff  }
0x2a0: {  	s28 =	sadd.s32 $0x400, s4;
	s4 =	simm.s32 $0x2;
	s26 =	smin.u32 s1, $0x9C00;
	[tilespmem:s7+$0x30] =	vst v51;
	v45 =	vld.idx.msk [tilespmem:v60+s3+$0x0], $0xffff  }
0x2a1: {  	v52 =	vor.u32 v10, v36;
	s8 =	sand.u32 $0x3, s18;
	s18 =	sand.u32 $0x380, s17;
	v40 =	vor.u32 v14, v38;
	s11 =	simm.s32 $0x3;
	v51 =	vld.idx.msk [tilespmem:v61+s3+$0x0], $0xffff;
	[tilespmem:s25+$0x400] =	vst v53  }
0x2a2: {  	s10 =	sshll.u32 s8, $0x8;
	v44 =	vor.u32 v1, v37;
	v39 =	vor.u32 v14, v34;
	s12 =	sand.u32 $0x3, s11;
	s14 =	sor.u32 $0xC60, s31;
	v50 =	vld.idx.msk [tilespmem:v63+s3+$0x0], $0xffff;
	[tilespmem:s23+$0x850] =	vst v54  }
0x2a3: {  	s8 =	sadd.s32 s18, s2;
	v43 =	vor.u32 v2, v37;
	v48 =	vor.u32 v28, v35;
	s1 =	sshll.u32 s12, $0x8;
	s12 =	sor.u32 $0xC30, s0;
	v46 =	vld.idx.msk [tilespmem:v55+s3+$0x0], $0xffff;
	[tilespmem:s14+$0x14300] =	vst v47  }
0x2a4: {  	s29 =	sadd.s32 $0x800, s10;
	s30 =	sadd.s32 $0xC00, s1;
	s1 =	simm.s32 $0x480;
	v53 =	vor.u32 v5, v38;
	v47 =	vor.u32 v19, v33;
	[tilespmem:s12+$0x14300] =	vst v56;
	v42 =	vld.idx.msk [tilespmem:v57+s3+$0x0], $0xffff  }
.LBB2_8:
0x2a5: {  	_ =	sdelay $0x1  }
0x2a6: {  	[tilespmem:s8+$0x0] =	vst v41  }
0x2a7: {  	v41 =	vld.idx.msk [tilespmem:v48+s3+$0x0], $0xffff;
	[tilespmem:s7+$0x40] =	vst v51  }
0x2a8: {  	v59 =	vor.u32 v23, v32;
	v44 =	vld.idx.msk [tilespmem:v44+s3+$0x0], $0xffff;
	[tilespmem:s22+$0x820] =	vst v45  }
0x2a9: {  	v51 =	vld.idx.msk [tilespmem:v53+s3+$0x0], $0xffff;
	[tilespmem:s24+$0x450] =	vst v49  }
0x2aa: {  	v60 =	vor.u32 v29, v35;
	v54 =	vld.idx.msk [tilespmem:v39+s3+$0x0], $0xffff;
	[tilespmem:s25+$0x410] =	vst v50  }
0x2ab: {  	v61 =	vor.u32 v6, v38;
	v47 =	vld.idx.msk [tilespmem:v47+s3+$0x0], $0xffff  }
0x2ac: {  	s2 =	rddreg [dreg:$0x4];
	s12 =	smov.u32 s16;
	s14 =	sor.u32 $0xC40, s0;
	[tilespmem:s23+$0x860] =	vst v46;
	v62 =	vld.idx.msk [tilespmem:v52+s3+$0x0], $0xffff  }
0x2ad: {  	s2 =	sadd.s32 s12, s2;
	v48 =	vld.idx.msk [tilespmem:v59+s3+$0x0], $0xffff;
	v59 =	vor.u32 v15, v34;
	[tilespmem:s14+$0x14300] =	vst v41  }
0x2ae: {  	v56 =	vor.u32 v20, v33;
	s12 =	sadd.s32 $0x2, s2;
	[tilespmem:s8+$0x10] =	vst v44  }
0x2af: {  	v58 =	vor.u32 v11, v36;
	s2 =	sadd.s32 $0x3, s2;
	v63 =	vmov s12;
	[tilespmem:s7+$0x50] =	vst v51;
	v44 =	vld.idx.msk [tilespmem:v60+s3+$0x0], $0xffff  }
0x2b0: {  	v53 =	vmov s2;
	v57 =	vand.u32 $0xFFFFFFFE, v63;
	v60 =	vld.idx.msk [tilespmem:v61+s3+$0x0], $0xffff;
	[tilespmem:s24+$0x460] =	vst v54  }
0x2b1: {  	v39 =	vmov v40;
	v40 =	vbroadcast v57, $0x0;
	v43 =	vld.idx.msk [tilespmem:v43+s3+$0x0], $0xffff;
	[tilespmem:s22+$0x830] =	vst v47  }
0x2b2: {  	[tilespmem:s25+$0x420] =	vst v62;
	v41 =	vld.idx.msk [tilespmem:v59+s3+$0x0], $0xffff  }
0x2b3: {  	v61 =	vor.u32 v30, v35;
	v46 =	vld.idx.msk [tilespmem:v56+s3+$0x0], $0xffff  }
0x2b4: {  	s18 =	sor.u32 $0xC50, s0;
	v62 =	vor.u32 v24, v32;
	[tilespmem:s23+$0x870] =	vst v48;
	v63 =	vld.idx.msk [tilespmem:v58+s3+$0x0], $0xffff  }
0x2b5: {  	s23 =	smov.u32 s24;
	s24 =	smov.u32 s7;
	v56 =	vor.u32 v21, v33;
	v51 =	vld.idx.msk [tilespmem:v53+s13+$0x0], $0xffff;
	[tilespmem:s18+$0x14300] =	vst v44  }
0x2b6: {  	v57 =	vor.u32 v12, v36;
	[tilespmem:s24+$0x60] =	vst v60  }
0x2b7: {  	v58 =	vor.u32 v3, v37;
	[tilespmem:s8+$0x20] =	vst v43;
	v40 =	vld.idx.msk [tilespmem:v40+s13+$0x0], $0xffff  }
0x2b8: {  	v59 =	vor.u32 v7, v38;
	v44 =	vld.idx.msk [tilespmem:v61+s3+$0x0], $0xffff;
	[tilespmem:s22+$0x840] =	vst v46  }
0x2b9: {  	v60 =	vld.idx.msk [tilespmem:v62+s3+$0x0], $0xffff;
	v61 =	vor.u32 v31, v35;
	[tilespmem:s25+$0x430] =	vst v63  }
0x2ba: {  	v62 =	vor.u32 v16, v34;
	v48 =	vld.idx.msk [tilespmem:v56+s3+$0x0], $0xffff  }
0x2bb: {  	s10 =	sor.u32 $0xC70, s31;
	v35 =	vmov v33;
	[tilespmem:s23+$0x470] =	vst v41;
	v63 =	vld.idx.msk [tilespmem:v57+s3+$0x0], $0xffff;
	v56 =	vor.u32 v25, v32  }
0x2bc: {  	s31 =	smov.u32 s28;
	s12 =	sor.u32 $0xC60, s0;
	v33 =	vmov v36;
	[tilespmem:s10+$0x14300] =	vst v42;
	v43 =	vld.idx.msk [tilespmem:v58+s3+$0x0], $0xffff;
	v57 =	vor.u32 v22, v35  }
0x2bd: {  	s14 =	sor.u32 $0xC00, s31;
	v36 =	vmov v37;
	v45 =	vld.idx.msk [tilespmem:v59+s3+$0x0], $0xffff;
	v58 =	vor.u32 v13, v33;
	[tilespmem:s12+$0x14300] =	vst v44  }
0x2be: {  	v59 =	vor.u32 v4, v36;
	[tilespmem:s14+$0x14300] =	vst v60;
	v46 =	vld.idx.msk [tilespmem:v61+s3+$0x0], $0xffff  }
0x2bf: {  	v37 =	vshll.u32 v51, $0x9;
	v60 =	vor.u32 v8, v38;
	v49 =	vld.idx.msk [tilespmem:v62+s3+$0x0], $0xffff;
	[tilespmem:s22+$0x850] =	vst v48  }
0x2c0: {  	v47 =	vor.u32 v0, v37;
	v50 =	vld.idx.msk [tilespmem:v56+s3+$0x0], $0xffff;
	[tilespmem:s25+$0x440] =	vst v63  }
0x2c1: {  	v61 =	vor.u32 v17, v34;
	v52 =	vld.idx.msk [tilespmem:v57+s3+$0x0], $0xffff;
	[tilespmem:s8+$0x30] =	vst v43  }
0x2c2: {  	v42 =	vshll.u32 v40, $0x9;
	v62 =	vor.u32 v26, v32;
	v43 =	vld.idx.msk [tilespmem:v58+s3+$0x0], $0xffff  }
0x2c3: {  	s7 =	sor.u32 $0xC70, s0;
	v54 =	vor.u32 v0, v42;
	[tilespmem:s24+$0x70] =	vst v45;
	v63 =	vld.idx.msk [tilespmem:v59+s3+$0x0], $0xffff  }
0x2c4: {  	v55 =	vor.u32 v23, v35;
	v53 =	vld.idx.msk [tilespmem:v60+s3+$0x0], $0xffff;
	[tilespmem:s7+$0x14300] =	vst v46  }
0x2c5: {  	s10 =	sor.u32 $0xC10, s31;
	v56 =	vor.u32 v14, v33;
	[tilespmem:s23+$0x800] =	vst v49;
	v41 =	vld.idx.msk [tilespmem:v47+s3+$0x0], $0xffff  }
0x2c6: {  	v60 =	vor.u32 v9, v38;
	v47 =	vld.idx.msk [tilespmem:v61+s3+$0x0], $0xffff;
	[tilespmem:s10+$0x14300] =	vst v50  }
0x2c7: {  	v61 =	vor.u32 v5, v36;
	v49 =	vld.idx.msk [tilespmem:v62+s3+$0x0], $0xffff;
	[tilespmem:s22+$0x860] =	vst v52  }
0x2c8: {  	v62 =	vor.u32 v18, v34;
	v54 =	vld.idx.msk [tilespmem:v54+s3+$0x0], $0xffff;
	[tilespmem:s25+$0x450] =	vst v43  }
0x2c9: {  	v51 =	vld.idx.msk [tilespmem:v55+s3+$0x0], $0xffff;
	[tilespmem:s8+$0x40] =	vst v63  }
0x2ca: {  	s28 =	smov.u32 s29;
	s11 =	sadd.s32 $0x1, s11;
	v52 =	vor.u32 v27, v32;
	[tilespmem:s24+$0x400] =	vst v53;
	v45 =	vld.idx.msk [tilespmem:v56+s3+$0x0], $0xffff  }
0x2cb: {  	s29 =	smov.u32 s30;
	s9 =	sadd.s32 $0x400, s9;
	s18 =	sand.u32 $0x3, s11;
	v63 =	vor.u32 v24, v35;
	v46 =	vld.idx.msk [tilespmem:v60+s3+$0x0], $0xffff  }
0x2cc: {  	s17 =	sadd.s32 $0x100, s17;
	s2 =	sshll.u32 s18, $0x8;
	s12 =	sor.u32 $0xC20, s31;
	v55 =	vor.u32 v1, v42;
	v48 =	vld.idx.msk [tilespmem:v61+s3+$0x0], $0xffff;
	[tilespmem:s23+$0x810] =	vst v47  }
0x2cd: {  	s18 =	sadd.s32 $0xFFFFFF80, s17;
	s30 =	sadd.s32 s2, s9;
	s14 =	sand.u32 $0x7000, s9;
	v60 =	vor.u32 v15, v33;
	v50 =	vld.idx.msk [tilespmem:v62+s3+$0x0], $0xffff;
	[tilespmem:s12+$0x14300] =	vst v49  }
0x2ce: {  	s2 =	sadd.s32 $0x14300, s14;
	s7 =	sand.u32 $0x300, s18;
	v61 =	vor.u32 v10, v38;
	[tilespmem:s22+$0x870] =	vst v51;
	s22 =	smov.u32 s25  }
0x2cf: {  	s7 =	sadd.s32 s7, s2;
	v52 =	vld.idx.msk [tilespmem:v52+s3+$0x0], $0xffff;
	v51 =	vor.u32 v19, v34;
	[tilespmem:s22+$0x460] =	vst v45  }
0x2d0: {  	v62 =	vor.u32 v6, v36;
	[tilespmem:s7+$0x0] =	vst v54;
	v45 =	vld.idx.msk [tilespmem:v63+s3+$0x0], $0xffff  }
0x2d1: {  	s25 =	smov.u32 s8;
	v55 =	vld.idx.msk [tilespmem:v55+s3+$0x0], $0xffff;
	s8 =	sand.u32 $0x7, s4;
	[tilespmem:s24+$0x410] =	vst v46;
	v63 =	vor.u32 v28, v32  }
0x2d2: {  	v56 =	vor.u32 v2, v42;
	s0 =	sshll.u32 s8, $0x7;
	v53 =	vld.idx.msk [tilespmem:v60+s3+$0x0], $0xffff;
	[tilespmem:s25+$0x50] =	vst v48  }
0x2d3: {  	s10 =	sor.u32 $0xC30, s31;
	v60 =	vor.u32 v25, v35;
	v47 =	vld.idx.msk [tilespmem:v61+s3+$0x0], $0xffff;
	s0 =	sadd.s32 s0, s1;
	[tilespmem:s23+$0x820] =	vst v50  }
0x2d4: {  	v61 =	vor.u32 v16, v33;
	s12 =	sor.u32 $0xC00, s0;
	v51 =	vld.idx.msk [tilespmem:v51+s3+$0x0], $0xffff;
	[tilespmem:s10+$0x14300] =	vst v52  }
0x2d5: {  	v49 =	vld.idx.msk [tilespmem:v62+s3+$0x0], $0xffff;
	v62 =	vor.u32 v11, v38;
	[tilespmem:s12+$0x14300] =	vst v45  }
0x2d6: {  	v54 =	vld.idx.msk [tilespmem:v63+s3+$0x0], $0xffff;
	[tilespmem:s7+$0x10] =	vst v55  }
0x2d7: {  	v63 =	vor.u32 v20, v34;
	[tilespmem:s22+$0x470] =	vst v53;
	v55 =	vld.idx.msk [tilespmem:v56+s3+$0x0], $0xffff  }
0x2d8: {  	v52 =	vor.u32 v7, v36;
	v46 =	vld.idx.msk [tilespmem:v60+s3+$0x0], $0xffff  }
0x2d9: {  	[tilespmem:s24+$0x420] =	vst v47;
	v48 =	vld.idx.msk [tilespmem:v61+s3+$0x0], $0xffff;
	v60 =	vor.u32 v29, v32  }
0x2da: {  	v50 =	vld.idx.msk [tilespmem:v62+s3+$0x0], $0xffff;
	[tilespmem:s25+$0x60] =	vst v49;
	v62 =	vor.u32 v3, v42  }
0x2db: {  	s14 =	sor.u32 $0xC40, s31;
	v47 =	vor.u32 v26, v35;
	[tilespmem:s23+$0x830] =	vst v51  }
0x2dc: {  	s18 =	sor.u32 $0xC10, s0;
	v61 =	vor.u32 v17, v33;
	v45 =	vld.idx.msk [tilespmem:v63+s3+$0x0], $0xffff;
	[tilespmem:s14+$0x14300] =	vst v54  }
0x2dd: {  	v52 =	vld.idx.msk [tilespmem:v52+s3+$0x0], $0xffff;
	[tilespmem:s18+$0x14300] =	vst v46  }
0x2de: {  	v59 =	vor.u32 v12, v38;
	v53 =	vld.idx.msk [tilespmem:v60+s3+$0x0], $0xffff;
	[tilespmem:s7+$0x20] =	vst v55  }
0x2df: {  	v60 =	vor.u32 v21, v34;
	[tilespmem:s22+$0x800] =	vst v48;
	v55 =	vld.idx.msk [tilespmem:v62+s3+$0x0], $0xffff  }
0x2e0: {  	v63 =	vor.u32 v8, v36;
	v47 =	vld.idx.msk [tilespmem:v47+s3+$0x0], $0xffff  }
0x2e1: {  	[tilespmem:s24+$0x430] =	vst v50;
	v48 =	vld.idx.msk [tilespmem:v61+s3+$0x0], $0xffff;
	v61 =	vor.u32 v30, v32  }
0x2e2: {  	v62 =	vor.u32 v27, v35;
	[tilespmem:s25+$0x70] =	vst v52  }
0x2e3: {  	s10 =	sor.u32 $0xC50, s31;
	v51 =	vor.u32 v18, v33;
	v56 =	vld.idx.msk [tilespmem:v59+s3+$0x0], $0xffff;
	[tilespmem:s23+$0x840] =	vst v45  }
0x2e4: {  	s12 =	sor.u32 $0xC20, s0;
	v52 =	vor.u32 v4, v42;
	v46 =	vld.idx.msk [tilespmem:v60+s3+$0x0], $0xffff;
	[tilespmem:s10+$0x14300] =	vst v53  }
0x2e5: {  	v57 =	vor.u32 v13, v38;
	v54 =	vld.idx.msk [tilespmem:v63+s3+$0x0], $0xffff;
	[tilespmem:s12+$0x14300] =	vst v47  }
0x2e6: {  	v58 =	vor.u32 v9, v36;
	v59 =	vld.idx.msk [tilespmem:v61+s3+$0x0], $0xffff;
	[tilespmem:s22+$0x810] =	vst v48  }
0x2e7: {  	s16 =	sadd.s32 $0x2, s16;
	v47 =	vor.u32 v22, v34;
	v60 =	vld.idx.msk [tilespmem:v62+s3+$0x0], $0xffff  }
0x2e8: {  	p0 =	slt.u32 s16, $0x3E;
	v63 =	vor.u32 v31, v32;
	[tilespmem:s7+$0x30] =	vst v55;
	v45 =	vld.idx.msk [tilespmem:v51+s3+$0x0], $0xffff  }
.Ltmp7:
0x2e9: {  	v51 =	vld.idx.msk [tilespmem:v52+s3+$0x0], $0xffff;
	[tilespmem:s24+$0x440] =	vst v56;
	(pc) =	sbr.rel @p0 .LBB2_8-.Ltmp7, $4  }
0x2ea: {  	v40 =	vor.u32 v14, v42;
	v44 =	vor.u32 v1, v37;
	[tilespmem:s25+$0x400] =	vst v54;
	v49 =	vld.idx.msk [tilespmem:v57+s3+$0x0], $0xffff  }
0x2eb: {  	v43 =	vor.u32 v2, v37;
	s14 =	sor.u32 $0xC60, s31;
	v32 =	vmovc v34;
	v34 =	vmov v38;
	v38 =	vmov v42;
	v50 =	vld.idx.msk [tilespmem:v58+s3+$0x0], $0xffff;
	[tilespmem:s23+$0x850] =	vst v46  }
0x2ec: {  	s18 =	sand.u32 $0x380, s17;
	v48 =	vor.u32 v28, v35;
	v53 =	vor.u32 v5, v38;
	v46 =	vld.idx.msk [tilespmem:v47+s3+$0x0], $0xffff;
	[tilespmem:s14+$0x14300] =	vst v59;
	s14 =	sor.u32 $0xC30, s0  }
0x2ed: {  	s4 =	sadd.s32 $0x2, s4;
	s1 =	sadd.s32 $0x400, s1;
	s8 =	sadd.s32 s18, s2;
	v52 =	vor.u32 v10, v36;
	v47 =	vor.u32 v19, v33;
	v42 =	vld.idx.msk [tilespmem:v63+s3+$0x0], $0xffff;
	[tilespmem:s14+$0x14300] =	vst v60  }
0x2ee: {  	_ =	sdelay $0x2  }
0x2ef: {  	[tilespmem:s8+$0x0] =	vst v41  }
0x2f0: {  	v41 =	vld.idx.msk [tilespmem:v44+s3+$0x0], $0xffff;
	_ =	sdelay $0x4  }
0x2f1: {  	[tilespmem:s8+$0x10] =	vst v41  }
0x2f2: {  	v41 =	vld.idx.msk [tilespmem:v43+s3+$0x0], $0xffff  }
0x2f3: {  	v62 =	vor.u32 v3, v37;
	_ =	sdelay $0x3  }
0x2f4: {  	[tilespmem:s8+$0x20] =	vst v41  }
0x2f5: {  	v41 =	vld.idx.msk [tilespmem:v62+s3+$0x0], $0xffff  }
0x2f6: {  	v63 =	vor.u32 v4, v37;
	_ =	sdelay $0x3  }
0x2f7: {  	[tilespmem:s8+$0x30] =	vst v41  }
0x2f8: {  	v41 =	vld.idx.msk [tilespmem:v63+s3+$0x0], $0xffff  }
0x2f9: {  	v54 =	vor.u32 v5, v37;
	_ =	sdelay $0x1  }
0x2fa: {  	[tilespmem:s7+$0x40] =	vst v51  }
0x2fb: {  	v55 =	vld.idx.msk [tilespmem:v53+s3+$0x0], $0xffff  }
0x2fc: {  	v56 =	vor.u32 v6, v38;
	[tilespmem:s8+$0x40] =	vst v41  }
0x2fd: {  	v43 =	vld.idx.msk [tilespmem:v54+s3+$0x0], $0xffff  }
0x2fe: {  	v57 =	vor.u32 v6, v37;
	_ =	sdelay $0x1  }
0x2ff: {  	[tilespmem:s7+$0x50] =	vst v55  }
0x300: {  	v41 =	vld.idx.msk [tilespmem:v56+s3+$0x0], $0xffff  }
0x301: {  	v58 =	vor.u32 v7, v38;
	[tilespmem:s8+$0x50] =	vst v43  }
0x302: {  	v59 =	vld.idx.msk [tilespmem:v57+s3+$0x0], $0xffff  }
0x303: {  	v60 =	vor.u32 v7, v37;
	_ =	sdelay $0x1  }
0x304: {  	[tilespmem:s7+$0x60] =	vst v41  }
0x305: {  	v41 =	vld.idx.msk [tilespmem:v58+s3+$0x0], $0xffff  }
0x306: {  	v61 =	vor.u32 v8, v38;
	[tilespmem:s8+$0x60] =	vst v59  }
0x307: {  	v44 =	vld.idx.msk [tilespmem:v60+s3+$0x0], $0xffff  }
0x308: {  	v62 =	vor.u32 v8, v37;
	_ =	sdelay $0x1  }
0x309: {  	[tilespmem:s7+$0x70] =	vst v41  }
0x30a: {  	v41 =	vld.idx.msk [tilespmem:v61+s3+$0x0], $0xffff  }
0x30b: {  	v63 =	vor.u32 v9, v38;
	[tilespmem:s8+$0x70] =	vst v44  }
0x30c: {  	v44 =	vld.idx.msk [tilespmem:v62+s3+$0x0], $0xffff  }
0x30d: {  	v54 =	vor.u32 v9, v37;
	_ =	sdelay $0x1  }
0x30e: {  	[tilespmem:s7+$0x400] =	vst v41  }
0x30f: {  	v41 =	vld.idx.msk [tilespmem:v63+s3+$0x0], $0xffff  }
0x310: {  	v55 =	vor.u32 v10, v38;
	[tilespmem:s8+$0x400] =	vst v44  }
0x311: {  	v44 =	vld.idx.msk [tilespmem:v54+s3+$0x0], $0xffff  }
0x312: {  	v56 =	vor.u32 v10, v37;
	_ =	sdelay $0x1  }
0x313: {  	[tilespmem:s7+$0x410] =	vst v41  }
0x314: {  	[tilespmem:s25+$0x410] =	vst v50;
	v43 =	vld.idx.msk [tilespmem:v55+s3+$0x0], $0xffff  }
0x315: {  	v50 =	vld.idx.msk [tilespmem:v52+s3+$0x0], $0xffff;
	v58 =	vor.u32 v11, v38;
	[tilespmem:s8+$0x410] =	vst v44  }
0x316: {  	v57 =	vor.u32 v11, v36;
	v51 =	vld.idx.msk [tilespmem:v56+s3+$0x0], $0xffff  }
0x317: {  	v59 =	vor.u32 v11, v37;
	_ =	sdelay $0x1  }
0x318: {  	[tilespmem:s7+$0x420] =	vst v43  }
0x319: {  	[tilespmem:s25+$0x420] =	vst v50;
	v44 =	vld.idx.msk [tilespmem:v58+s3+$0x0], $0xffff  }
0x31a: {  	v61 =	vor.u32 v12, v38;
	v41 =	vld.idx.msk [tilespmem:v57+s3+$0x0], $0xffff;
	[tilespmem:s8+$0x420] =	vst v51  }
0x31b: {  	v60 =	vor.u32 v12, v36;
	v51 =	vld.idx.msk [tilespmem:v59+s3+$0x0], $0xffff  }
0x31c: {  	v62 =	vor.u32 v12, v37;
	_ =	sdelay $0x1  }
0x31d: {  	[tilespmem:s7+$0x430] =	vst v44  }
0x31e: {  	[tilespmem:s25+$0x430] =	vst v41;
	v44 =	vld.idx.msk [tilespmem:v61+s3+$0x0], $0xffff  }
0x31f: {  	v41 =	vld.idx.msk [tilespmem:v60+s3+$0x0], $0xffff;
	v56 =	vor.u32 v13, v38;
	[tilespmem:s8+$0x430] =	vst v51  }
0x320: {  	v63 =	vor.u32 v13, v36;
	v51 =	vld.idx.msk [tilespmem:v62+s3+$0x0], $0xffff  }
0x321: {  	v57 =	vor.u32 v13, v37;
	_ =	sdelay $0x1  }
0x322: {  	[tilespmem:s7+$0x440] =	vst v44  }
0x323: {  	[tilespmem:s25+$0x440] =	vst v41;
	v44 =	vld.idx.msk [tilespmem:v56+s3+$0x0], $0xffff  }
0x324: {  	v41 =	vld.idx.msk [tilespmem:v63+s3+$0x0], $0xffff;
	[tilespmem:s8+$0x440] =	vst v51  }
0x325: {  	v58 =	vor.u32 v14, v36;
	v59 =	vld.idx.msk [tilespmem:v57+s3+$0x0], $0xffff  }
0x326: {  	[tilespmem:s24+$0x450] =	vst v49;
	v60 =	vor.u32 v14, v37  }
0x327: {  	v39 =	vld.idx.msk [tilespmem:v39+s3+$0x0], $0xffff  }
0x328: {  	v61 =	vor.u32 v15, v34;
	[tilespmem:s7+$0x450] =	vst v44  }
0x329: {  	[tilespmem:s25+$0x450] =	vst v41;
	v40 =	vld.idx.msk [tilespmem:v40+s3+$0x0], $0xffff  }
0x32a: {  	v63 =	vor.u32 v15, v38;
	v43 =	vld.idx.msk [tilespmem:v58+s3+$0x0], $0xffff;
	[tilespmem:s8+$0x450] =	vst v59  }
0x32b: {  	v62 =	vor.u32 v15, v36;
	v50 =	vld.idx.msk [tilespmem:v60+s3+$0x0], $0xffff  }
0x32c: {  	[tilespmem:s24+$0x460] =	vst v39;
	v54 =	vor.u32 v15, v37  }
0x32d: {  	v39 =	vld.idx.msk [tilespmem:v61+s3+$0x0], $0xffff  }
0x32e: {  	v55 =	vor.u32 v16, v34;
	[tilespmem:s7+$0x460] =	vst v40  }
0x32f: {  	[tilespmem:s25+$0x460] =	vst v43;
	v57 =	vld.idx.msk [tilespmem:v63+s3+$0x0], $0xffff  }
0x330: {  	v58 =	vor.u32 v16, v38;
	v43 =	vld.idx.msk [tilespmem:v62+s3+$0x0], $0xffff;
	[tilespmem:s8+$0x460] =	vst v50  }
0x331: {  	v56 =	vor.u32 v16, v36;
	v50 =	vld.idx.msk [tilespmem:v54+s3+$0x0], $0xffff  }
0x332: {  	[tilespmem:s24+$0x470] =	vst v39;
	v59 =	vor.u32 v16, v37  }
0x333: {  	v39 =	vld.idx.msk [tilespmem:v55+s3+$0x0], $0xffff  }
0x334: {  	v60 =	vor.u32 v17, v34;
	[tilespmem:s7+$0x470] =	vst v57  }
0x335: {  	[tilespmem:s25+$0x470] =	vst v43;
	v44 =	vld.idx.msk [tilespmem:v58+s3+$0x0], $0xffff  }
0x336: {  	v62 =	vor.u32 v17, v38;
	v40 =	vld.idx.msk [tilespmem:v56+s3+$0x0], $0xffff;
	[tilespmem:s8+$0x470] =	vst v50  }
0x337: {  	v61 =	vor.u32 v17, v36;
	v50 =	vld.idx.msk [tilespmem:v59+s3+$0x0], $0xffff  }
0x338: {  	[tilespmem:s24+$0x800] =	vst v39;
	v63 =	vor.u32 v17, v37  }
0x339: {  	v39 =	vld.idx.msk [tilespmem:v60+s3+$0x0], $0xffff  }
0x33a: {  	v53 =	vor.u32 v18, v34;
	[tilespmem:s7+$0x800] =	vst v44  }
0x33b: {  	[tilespmem:s25+$0x800] =	vst v40;
	v44 =	vld.idx.msk [tilespmem:v62+s3+$0x0], $0xffff  }
0x33c: {  	v56 =	vor.u32 v18, v38;
	v54 =	vld.idx.msk [tilespmem:v61+s3+$0x0], $0xffff;
	[tilespmem:s8+$0x800] =	vst v50  }
0x33d: {  	v55 =	vor.u32 v18, v36;
	v50 =	vld.idx.msk [tilespmem:v63+s3+$0x0], $0xffff  }
0x33e: {  	v57 =	vor.u32 v18, v37;
	[tilespmem:s24+$0x810] =	vst v39  }
0x33f: {  	[tilespmem:s22+$0x820] =	vst v45;
	v40 =	vld.idx.msk [tilespmem:v53+s3+$0x0], $0xffff  }
0x340: {  	v47 =	vld.idx.msk [tilespmem:v47+s3+$0x0], $0xffff;
	v59 =	vor.u32 v19, v34;
	[tilespmem:s7+$0x810] =	vst v44  }
0x341: {  	v52 =	vor.u32 v20, v33;
	[tilespmem:s25+$0x810] =	vst v54;
	v49 =	vld.idx.msk [tilespmem:v56+s3+$0x0], $0xffff  }
0x342: {  	v61 =	vor.u32 v19, v38;
	v43 =	vld.idx.msk [tilespmem:v55+s3+$0x0], $0xffff;
	[tilespmem:s8+$0x810] =	vst v50  }
0x343: {  	[tilespmem:s23+$0x860] =	vst v46;
	v60 =	vor.u32 v19, v36;
	v45 =	vld.idx.msk [tilespmem:v57+s3+$0x0], $0xffff  }
0x344: {  	v48 =	vld.idx.msk [tilespmem:v48+s3+$0x0], $0xffff;
	v62 =	vor.u32 v19, v37;
	[tilespmem:s24+$0x820] =	vst v40  }
0x345: {  	[tilespmem:s22+$0x830] =	vst v47;
	v58 =	vor.u32 v23, v32;
	v41 =	vld.idx.msk [tilespmem:v59+s3+$0x0], $0xffff  }
0x346: {  	v53 =	vor.u32 v20, v34;
	v40 =	vld.idx.msk [tilespmem:v52+s3+$0x0], $0xffff;
	[tilespmem:s7+$0x820] =	vst v49  }
0x347: {  	[tilespmem:s25+$0x820] =	vst v43;
	v59 =	vor.u32 v21, v33;
	v46 =	vld.idx.msk [tilespmem:v61+s3+$0x0], $0xffff  }
0x348: {  	s2 =	sor.u32 $0xC40, s0;
	v55 =	vor.u32 v20, v38;
	v44 =	vld.idx.msk [tilespmem:v60+s3+$0x0], $0xffff;
	[tilespmem:s8+$0x820] =	vst v45  }
0x349: {  	[tilespmem:s2+$0x14300] =	vst v48;
	v54 =	vor.u32 v20, v36;
	v56 =	vld.idx.msk [tilespmem:v62+s3+$0x0], $0xffff  }
0x34a: {  	v39 =	vld.idx.msk [tilespmem:v58+s3+$0x0], $0xffff;
	v58 =	vor.u32 v20, v37;
	[tilespmem:s24+$0x830] =	vst v41  }
0x34b: {  	v63 =	vor.u32 v29, v35;
	[tilespmem:s22+$0x840] =	vst v40;
	v43 =	vld.idx.msk [tilespmem:v53+s3+$0x0], $0xffff  }
0x34c: {  	v60 =	vor.u32 v21, v34;
	v41 =	vld.idx.msk [tilespmem:v59+s3+$0x0], $0xffff;
	[tilespmem:s7+$0x830] =	vst v46  }
0x34d: {  	[tilespmem:s25+$0x830] =	vst v44;
	v45 =	vld.idx.msk [tilespmem:v55+s3+$0x0], $0xffff  }
0x34e: {  	v49 =	vld.idx.msk [tilespmem:v54+s3+$0x0], $0xffff;
	v62 =	vor.u32 v21, v38;
	[tilespmem:s8+$0x830] =	vst v56  }
0x34f: {  	[tilespmem:s23+$0x870] =	vst v39;
	v61 =	vor.u32 v21, v36;
	v39 =	vld.idx.msk [tilespmem:v58+s3+$0x0], $0xffff  }
0x350: {  	s12 =	sor.u32 $0xC70, s31;
	v57 =	vld.idx.msk [tilespmem:v63+s3+$0x0], $0xffff;
	v63 =	vor.u32 v21, v37;
	[tilespmem:s24+$0x840] =	vst v43  }
0x351: {  	[tilespmem:s12+$0x14300] =	vst v42;
	v53 =	vor.u32 v22, v33;
	v44 =	vld.idx.msk [tilespmem:v60+s3+$0x0], $0xffff  }
0x352: {  	v54 =	vor.u32 v22, v34;
	[tilespmem:s7+$0x840] =	vst v45  }
0x353: {  	v52 =	vor.u32 v30, v35;
	[tilespmem:s25+$0x840] =	vst v49;
	v47 =	vld.idx.msk [tilespmem:v62+s3+$0x0], $0xffff  }
0x354: {  	v46 =	vld.idx.msk [tilespmem:v61+s3+$0x0], $0xffff;
	v56 =	vor.u32 v22, v38;
	[tilespmem:s8+$0x840] =	vst v39  }
0x355: {  	[tilespmem:s22+$0x850] =	vst v41;
	v55 =	vor.u32 v22, v36;
	v40 =	vld.idx.msk [tilespmem:v63+s3+$0x0], $0xffff  }
0x356: {  	s11 =	sor.u32 $0xC50, s0;
	v43 =	vld.idx.msk [tilespmem:v53+s3+$0x0], $0xffff;
	[tilespmem:s24+$0x850] =	vst v44;
	v58 =	vor.u32 v22, v37  }
0x357: {  	v59 =	vor.u32 v24, v32;
	[tilespmem:s11+$0x14300] =	vst v57;
	v49 =	vld.idx.msk [tilespmem:v54+s3+$0x0], $0xffff  }
0x358: {  	v57 =	vld.idx.msk [tilespmem:v52+s3+$0x0], $0xffff;
	v61 =	vor.u32 v23, v34;
	[tilespmem:s7+$0x850] =	vst v47  }
0x359: {  	v60 =	vor.u32 v23, v33;
	[tilespmem:s25+$0x850] =	vst v46;
	v39 =	vld.idx.msk [tilespmem:v56+s3+$0x0], $0xffff  }
0x35a: {  	v45 =	vld.idx.msk [tilespmem:v55+s3+$0x0], $0xffff;
	v63 =	vor.u32 v23, v38;
	[tilespmem:s8+$0x850] =	vst v40  }
0x35b: {  	[tilespmem:s22+$0x860] =	vst v43;
	v62 =	vor.u32 v23, v36;
	v41 =	vld.idx.msk [tilespmem:v58+s3+$0x0], $0xffff  }
0x35c: {  	s14 =	sor.u32 $0xC60, s0;
	v53 =	vor.u32 v23, v37;
	v52 =	vld.idx.msk [tilespmem:v59+s3+$0x0], $0xffff;
	[tilespmem:s24+$0x860] =	vst v49  }
0x35d: {  	[tilespmem:s14+$0x14300] =	vst v57;
	v54 =	vor.u32 v31, v35;
	v46 =	vld.idx.msk [tilespmem:v61+s3+$0x0], $0xffff  }
0x35e: {  	v44 =	vld.idx.msk [tilespmem:v60+s3+$0x0], $0xffff;
	v56 =	vor.u32 v24, v34;
	[tilespmem:s7+$0x860] =	vst v39  }
0x35f: {  	v55 =	vor.u32 v24, v33;
	[tilespmem:s25+$0x860] =	vst v45;
	v40 =	vld.idx.msk [tilespmem:v63+s3+$0x0], $0xffff  }
0x360: {  	s16 =	sor.u32 $0xC00, s28;
	v47 =	vld.idx.msk [tilespmem:v62+s3+$0x0], $0xffff;
	v58 =	vor.u32 v24, v38;
	[tilespmem:s8+$0x860] =	vst v41  }
0x361: {  	v57 =	vor.u32 v24, v36;
	[tilespmem:s16+$0x14300] =	vst v52;
	v59 =	vld.idx.msk [tilespmem:v53+s3+$0x0], $0xffff  }
0x362: {  	v60 =	vor.u32 v24, v37;
	v35 =	vld.idx.msk [tilespmem:v54+s3+$0x0], $0xffff;
	[tilespmem:s24+$0x870] =	vst v46  }
0x363: {  	[tilespmem:s22+$0x870] =	vst v44;
	v61 =	vor.u32 v25, v32;
	v45 =	vld.idx.msk [tilespmem:v56+s3+$0x0], $0xffff  }
0x364: {  	s17 =	sand.u32 $0x7, s4;
	v48 =	vld.idx.msk [tilespmem:v55+s3+$0x0], $0xffff;
	v63 =	vor.u32 v25, v34;
	[tilespmem:s7+$0x870] =	vst v40  }
0x365: {  	s18 =	sadd.s32 $0x2, s4;
	s10 =	sor.u32 $0xC00, s30;
	s2 =	sshll.u32 s17, $0x7;
	v62 =	vor.u32 v25, v33;
	[tilespmem:s25+$0x870] =	vst v47;
	v41 =	vld.idx.msk [tilespmem:v58+s3+$0x0], $0xffff  }
0x366: {  	s9 =	sadd.s32 s2, s1;
	s2 =	sadd.s32 $0x2, s18;
	s22 =	sor.u32 $0xC70, s0;
	v39 =	vld.idx.msk [tilespmem:v57+s3+$0x0], $0xffff;
	v53 =	vor.u32 v25, v38;
	[tilespmem:s8+$0x870] =	vst v59  }
0x367: {  	s2 =	sand.u32 $0x7, s2;
	v52 =	vor.u32 v25, v36;
	[tilespmem:s22+$0x14300] =	vst v35;
	s24 =	sand.u32 $0x7, s18;
	s7 =	sor.u32 $0xC00, s29;
	v42 =	vld.idx.msk [tilespmem:v60+s3+$0x0], $0xffff  }
0x368: {  	s23 =	sor.u32 $0xC00, s9;
	v55 =	vor.u32 v25, v37;
	v54 =	vld.idx.msk [tilespmem:v61+s3+$0x0], $0xffff;
	s25 =	sadd.s32 $0x400, s1;
	s31 =	sshll.u32 s24, $0x7;
	[tilespmem:s7+$0x14300] =	vst v45  }
0x369: {  	s2 =	sshll.u32 s2, $0x7;
	[tilespmem:s23+$0x14300] =	vst v48;
	v56 =	vor.u32 v26, v32;
	s0 =	sadd.s32 s31, s25;
	s1 =	sadd.s32 $0x400, s25;
	v47 =	vld.idx.msk [tilespmem:v63+s3+$0x0], $0xffff  }
0x36a: {  	v46 =	vld.idx.msk [tilespmem:v62+s3+$0x0], $0xffff;
	s1 =	sadd.s32 s2, s1;
	v58 =	vor.u32 v26, v34;
	[tilespmem:s10+$0x14300] =	vst v41;
	s8 =	sor.u32 $0xC00, s0  }
0x36b: {  	v57 =	vor.u32 v26, v33;
	s2 =	sor.u32 $0xC00, s1;
	v35 =	vld.idx.msk [tilespmem:v53+s3+$0x0], $0xffff;
	[tilespmem:s8+$0x14300] =	vst v39  }
0x36c: {  	s11 =	sor.u32 $0xC10, s28;
	v60 =	vor.u32 v26, v38;
	v40 =	vld.idx.msk [tilespmem:v52+s3+$0x0], $0xffff;
	[tilespmem:s2+$0x14300] =	vst v42  }
0x36d: {  	s14 =	sor.u32 $0xC10, s29;
	[tilespmem:s11+$0x14300] =	vst v54;
	v59 =	vor.u32 v26, v36;
	v61 =	vld.idx.msk [tilespmem:v55+s3+$0x0], $0xffff  }
0x36e: {  	s12 =	sor.u32 $0xC10, s9;
	v62 =	vld.idx.msk [tilespmem:v56+s3+$0x0], $0xffff;
	v63 =	vor.u32 v26, v37;
	[tilespmem:s14+$0x14300] =	vst v47  }
0x36f: {  	s17 =	sor.u32 $0xC10, s30;
	[tilespmem:s12+$0x14300] =	vst v46;
	v39 =	vld.idx.msk [tilespmem:v58+s3+$0x0], $0xffff;
	v52 =	vor.u32 v27, v32  }
0x370: {  	s16 =	sor.u32 $0xC10, s0;
	v54 =	vor.u32 v27, v34;
	v45 =	vld.idx.msk [tilespmem:v57+s3+$0x0], $0xffff;
	[tilespmem:s17+$0x14300] =	vst v35  }
0x371: {  	s18 =	sor.u32 $0xC10, s1;
	v53 =	vor.u32 v27, v33;
	v42 =	vld.idx.msk [tilespmem:v60+s3+$0x0], $0xffff;
	[tilespmem:s16+$0x14300] =	vst v40  }
0x372: {  	s22 =	sor.u32 $0xC20, s28;
	v56 =	vor.u32 v27, v38;
	v41 =	vld.idx.msk [tilespmem:v59+s3+$0x0], $0xffff;
	[tilespmem:s18+$0x14300] =	vst v61  }
0x373: {  	s24 =	sor.u32 $0xC20, s29;
	[tilespmem:s22+$0x14300] =	vst v62;
	v55 =	vor.u32 v27, v36;
	v57 =	vld.idx.msk [tilespmem:v63+s3+$0x0], $0xffff  }
0x374: {  	s23 =	sor.u32 $0xC20, s9;
	[tilespmem:s24+$0x14300] =	vst v39;
	v58 =	vld.idx.msk [tilespmem:v52+s3+$0x0], $0xffff;
	v59 =	vor.u32 v27, v37  }
0x375: {  	s31 =	sor.u32 $0xC20, s30;
	[tilespmem:s23+$0x14300] =	vst v45;
	v60 =	vor.u32 v28, v32;
	v40 =	vld.idx.msk [tilespmem:v54+s3+$0x0], $0xffff  }
0x376: {  	s25 =	sor.u32 $0xC20, s0;
	v62 =	vor.u32 v28, v34;
	v47 =	vld.idx.msk [tilespmem:v53+s3+$0x0], $0xffff;
	[tilespmem:s31+$0x14300] =	vst v42  }
0x377: {  	s4 =	sor.u32 $0xC20, s1;
	v61 =	vor.u32 v28, v33;
	v43 =	vld.idx.msk [tilespmem:v56+s3+$0x0], $0xffff;
	[tilespmem:s25+$0x14300] =	vst v41  }
0x378: {  	s7 =	sor.u32 $0xC30, s28;
	v52 =	vor.u32 v28, v38;
	v35 =	vld.idx.msk [tilespmem:v55+s3+$0x0], $0xffff;
	[tilespmem:s4+$0x14300] =	vst v57  }
0x379: {  	s10 =	sor.u32 $0xC30, s29;
	[tilespmem:s7+$0x14300] =	vst v58;
	v63 =	vor.u32 v28, v36;
	v45 =	vld.idx.msk [tilespmem:v59+s3+$0x0], $0xffff  }
0x37a: {  	s8 =	sor.u32 $0xC30, s9;
	v53 =	vor.u32 v28, v37;
	[tilespmem:s10+$0x14300] =	vst v40;
	v46 =	vld.idx.msk [tilespmem:v60+s3+$0x0], $0xffff  }
0x37b: {  	s12 =	sor.u32 $0xC30, s30;
	v54 =	vor.u32 v29, v32;
	[tilespmem:s8+$0x14300] =	vst v47;
	v41 =	vld.idx.msk [tilespmem:v62+s3+$0x0], $0xffff  }
0x37c: {  	s11 =	sor.u32 $0xC30, s0;
	v56 =	vor.u32 v29, v34;
	v39 =	vld.idx.msk [tilespmem:v61+s3+$0x0], $0xffff;
	[tilespmem:s12+$0x14300] =	vst v43  }
0x37d: {  	s14 =	sor.u32 $0xC30, s1;
	v55 =	vor.u32 v29, v33;
	v44 =	vld.idx.msk [tilespmem:v52+s3+$0x0], $0xffff;
	[tilespmem:s11+$0x14300] =	vst v35  }
0x37e: {  	s16 =	sor.u32 $0xC40, s28;
	v58 =	vor.u32 v29, v38;
	v42 =	vld.idx.msk [tilespmem:v63+s3+$0x0], $0xffff;
	[tilespmem:s14+$0x14300] =	vst v45  }
0x37f: {  	s18 =	sor.u32 $0xC40, s29;
	v57 =	vor.u32 v29, v36;
	[tilespmem:s16+$0x14300] =	vst v46;
	v59 =	vld.idx.msk [tilespmem:v53+s3+$0x0], $0xffff  }
0x380: {  	s17 =	sor.u32 $0xC40, s9;
	v61 =	vor.u32 v29, v37;
	[tilespmem:s18+$0x14300] =	vst v41;
	v60 =	vld.idx.msk [tilespmem:v54+s3+$0x0], $0xffff  }
0x381: {  	s23 =	sor.u32 $0xC40, s30;
	v62 =	vor.u32 v30, v32;
	v35 =	vld.idx.msk [tilespmem:v56+s3+$0x0], $0xffff;
	[tilespmem:s17+$0x14300] =	vst v39  }
0x382: {  	v49 =	vor.u32 v30, v34;
	s22 =	sor.u32 $0xC40, s0;
	v40 =	vld.idx.msk [tilespmem:v55+s3+$0x0], $0xffff;
	[tilespmem:s23+$0x14300] =	vst v44  }
0x383: {  	s24 =	sor.u32 $0xC40, s1;
	v63 =	vor.u32 v30, v33;
	v45 =	vld.idx.msk [tilespmem:v58+s3+$0x0], $0xffff;
	[tilespmem:s22+$0x14300] =	vst v42  }
0x384: {  	v51 =	vor.u32 v30, v38;
	s25 =	sor.u32 $0xC50, s28;
	v43 =	vld.idx.msk [tilespmem:v57+s3+$0x0], $0xffff;
	[tilespmem:s24+$0x14300] =	vst v59  }
0x385: {  	v50 =	vor.u32 v30, v36;
	s4 =	sor.u32 $0xC50, s29;
	[tilespmem:s25+$0x14300] =	vst v60;
	v39 =	vld.idx.msk [tilespmem:v61+s3+$0x0], $0xffff  }
0x386: {  	s31 =	sor.u32 $0xC50, s9;
	v52 =	vor.u32 v30, v37;
	[tilespmem:s4+$0x14300] =	vst v35;
	v47 =	vld.idx.msk [tilespmem:v62+s3+$0x0], $0xffff  }
0x387: {  	s8 =	sor.u32 $0xC50, s30;
	v53 =	vor.u32 v31, v32;
	v35 =	vld.idx.msk [tilespmem:v49+s3+$0x0], $0xffff;
	[tilespmem:s31+$0x14300] =	vst v40  }
0x388: {  	s7 =	sor.u32 $0xC50, s0;
	v55 =	vor.u32 v31, v34;
	v41 =	vld.idx.msk [tilespmem:v63+s3+$0x0], $0xffff;
	[tilespmem:s8+$0x14300] =	vst v45  }
0x389: {  	s10 =	sor.u32 $0xC50, s1;
	v54 =	vor.u32 v31, v33;
	v58 =	vld.idx.msk [tilespmem:v51+s3+$0x0], $0xffff;
	[tilespmem:s7+$0x14300] =	vst v43  }
0x38a: {  	s11 =	sor.u32 $0xC60, s28;
	v59 =	vor.u32 v31, v38;
	v56 =	vld.idx.msk [tilespmem:v50+s3+$0x0], $0xffff;
	[tilespmem:s10+$0x14300] =	vst v39  }
0x38b: {  	s14 =	sor.u32 $0xC60, s29;
	v57 =	vor.u32 v31, v36;
	[tilespmem:s11+$0x14300] =	vst v47;
	v39 =	vld.idx.msk [tilespmem:v52+s3+$0x0], $0xffff  }
0x38c: {  	s12 =	sor.u32 $0xC60, s9;
	v60 =	vor.u32 v31, v37;
	[tilespmem:s14+$0x14300] =	vst v35;
	v32 =	vld.idx.msk [tilespmem:v53+s3+$0x0], $0xffff  }
0x38d: {  	s17 =	sor.u32 $0xC60, s30;
	v34 =	vld.idx.msk [tilespmem:v55+s3+$0x0], $0xffff;
	[tilespmem:s12+$0x14300] =	vst v41  }
0x38e: {  	s16 =	sor.u32 $0xC60, s0;
	v33 =	vld.idx.msk [tilespmem:v54+s3+$0x0], $0xffff;
	[tilespmem:s17+$0x14300] =	vst v58  }
0x38f: {  	s18 =	sor.u32 $0xC60, s1;
	v62 =	vld.idx.msk [tilespmem:v59+s3+$0x0], $0xffff;
	[tilespmem:s16+$0x14300] =	vst v56  }
0x390: {  	s22 =	sor.u32 $0xC70, s28;
	v61 =	vld.idx.msk [tilespmem:v57+s3+$0x0], $0xffff;
	[tilespmem:s18+$0x14300] =	vst v39  }
0x391: {  	s24 =	sor.u32 $0xC70, s29;
	[tilespmem:s22+$0x14300] =	vst v32;
	v63 =	vld.idx.msk [tilespmem:v60+s3+$0x0], $0xffff  }
0x392: {  	s23 =	sor.u32 $0xC70, s9;
	[tilespmem:s24+$0x14300] =	vst v34  }
.Ltmp8:
0x393: {  	s25 =	sor.u32 $0xC70, s30;
	[tilespmem:s23+$0x14300] =	vst v33;
	(pc) =	sbr.rel .LBB2_10-.Ltmp8, $4  }
0x394: {  	s0 =	sor.u32 $0xC70, s0;
	[tilespmem:s25+$0x14300] =	vst v62  }
0x395: {  	s28 =	sor.u32 $0xC70, s1;
	s29 =	sshll.u32 s26, $0x6;
	[tilespmem:s0+$0x14300] =	vst v61  }
0x396: {  	s31 =	simm.s32 $0x14300;
	s30 =	sadd.s32 s15, s29;
	[tilespmem:s28+$0x14300] =	vst v63  }
0x397: {  	[hbm4b:s30+s3] =	stream.linear.scatter [tilespmem:s31], [sflag:$0x2], $0x8000, $0x38;
	[tilespmem:$0x1C300] =	vst v63  }
.LBB2_12:
0x398: {  	_ =	sfence.sel $0x180000  }
0x399: {  	[bflag:$0x0] =	sbarrier.arrive $0xFFFF  }
0x39a: {  	_ =	strace $0x90000047  }
0x39b: {  	s0 =	stileid.u32;
	[bflag:$0x2] =	sbarrier.arrive $0xFFFF  }
0x39c: {  	p0 =	sne.s32 s0, $0x0;
	s0 =	rddreg [dreg:$0x3]  }
0x39d: {  	s0 =	sadd.s32 @!p0 $0x100000, s0  }
0x39e: {  	[sflag:s0] =	ssyncadd.tile.s32 @!p0 $0x1;
	_ =	shalt  }
.Lfunc_end2:
_tile_overlayer_lowered:
.L_overlay_start_2:
0x39f: {  	(tag) =	ssettag $0x2  }
0x3a0: {  	s0 =	rddreg [dreg:$0x0];
	s2 =	stileid.u32  }
0x3a1: {  	s1 =	rddreg [dreg:$0x1];
	p0 =	sne.s32 s2, $0x0  }
0x3a2: {  	s3 =	rddreg [dreg:$0x2];
	[bflag:$0x3] =	sbarrier.arrive $0xFFFF;
	s2 =	simm.s32 @!p0 $0x1C03  }
0x3a3: {  	[timem:s3], [sflag:s2] =	dma.local @!p0 [hbm:s0], s1  }
0x3a4: {  	s0 =	simm.s32 @!p0 $0x3  }
0x3a5: {  	_ =	swait.ge @!p0 [sflag:s0], s1  }
0x3a6: {  	s1 =	ssub.s32 @!p0 $0x0, s1;
	[sflag:s0] =	ssyncset.done @!p0 $0x0  }
0x3a7: {  	[sflag:s0] =	ssyncadd.s32 @!p0 s1  }
0x3a8: {  	[bflag:$0x3] =	sbarrier.arrive $0xFFFF  }
0x3a9: {  	_ =	shalt  }

</sc_bundles>
